<compile_context>
chip_gen: v7x
topology: tpu7x:2x2x1
jax: 0.10.2.dev20260603
libtpu: 0.0.44.dev20260713+nightly
codegen_flags: <defaults>
</compile_context>

<pallas_src>
import functools

import jax
import jax.numpy as jnp
from jax import lax
from jax.experimental import pallas as pl
from jax.experimental.pallas import tpu as pltpu
from jax.experimental.pallas import tpu_sc as plsc

N = 10000
D_IN = 3
H = 64
E = 320000
L = 16
NC, NS = 2, 16
NW = NC * NS
ROW = 128
RPT = 80
EP = NW * RPT * ROW
NROWS3 = EP // ROW
CH = 8
CHZ = 32
NACC = 10112
ZW = 96
CPT = ZW // NS


def _mesh():
    return plsc.VectorSubcoreMesh(core_axis_name="c", subcore_axis_name="s",
                                  num_cores=NC, num_subcores=NS)



def _z_body(x_hbm, src3, dst3, ea3, wtab, btab, z_out,
            xt, srcb, dstb, eab, wrow_b, brow_b, acc):
    cid = lax.axis_index("c")
    sid = lax.axis_index("s")

    pltpu.sync_copy(x_hbm, xt)
    pltpu.sync_copy(wtab.at[sid], wrow_b)
    pltpu.sync_copy(btab.at[sid], brow_b)

    zeros16 = jnp.zeros((L,), jnp.float32)

    def _zr(i, c):
        acc[pl.ds(i * L, L)] = zeros16
        return c
    lax.fori_loop(0, NACC * CPT // L, _zr, 0)

    wrow = wrow_b[pl.ds(0, L)]
    brow = brow_b[pl.ds(0, L)]
    w0, w1 = wrow[0], wrow[1]
    b0, b1 = brow[0], brow[1]

    half = NROWS3 // NC
    wbase = cid * half

    def _chunk(ci, c):
        rb = wbase + ci * CHZ
        pltpu.sync_copy(src3.at[pl.ds(rb, CHZ)], srcb)
        pltpu.sync_copy(dst3.at[pl.ds(rb, CHZ)], dstb)
        pltpu.sync_copy(ea3.at[pl.ds(rb, CHZ)], eab)

        def _row(j, cc):
            def _grp(g, gc):
                base = g * L
                s16 = srcb[j, pl.ds(base, L)] * 3
                a16 = eab[j, pl.ds(base, L)]
                d16 = dstb[j, pl.ds(base, L)] * CPT
                x0 = plsc.load_gather(xt, [s16])
                x1 = plsc.load_gather(xt, [s16 + 1])
                x2 = plsc.load_gather(xt, [s16 + 2])
                h0 = jnp.maximum(a16 * w0 + b0, 0.0)
                h1 = jnp.maximum(a16 * w1 + b1, 0.0)
                plsc.addupdate_scatter(acc, [d16], x0 * h0)
                plsc.addupdate_scatter(acc, [d16 + 1], x1 * h0)
                plsc.addupdate_scatter(acc, [d16 + 2], x2 * h0)
                plsc.addupdate_scatter(acc, [d16 + 3], x0 * h1)
                plsc.addupdate_scatter(acc, [d16 + 4], x1 * h1)
                plsc.addupdate_scatter(acc, [d16 + 5], x2 * h1)
                return gc
            lax.fori_loop(0, ROW // L, _grp, 0)
            return cc
        lax.fori_loop(0, CHZ, _row, 0)
        return c
    lax.fori_loop(0, half // CHZ, _chunk, 0)

    pltpu.sync_copy(acc, z_out.at[cid, sid])


@functools.cache
def _z_fn():
    return pl.kernel(
        _z_body,
        out_type=jax.ShapeDtypeStruct((NC, NS, NACC * CPT), jnp.float32),
        mesh=_mesh(),
        scratch_types=[
            pltpu.VMEM((N * D_IN,), jnp.float32),
            pltpu.VMEM((CHZ, ROW), jnp.int32),
            pltpu.VMEM((CHZ, ROW), jnp.int32),
            pltpu.VMEM((CHZ, ROW), jnp.float32),
            pltpu.VMEM((L,), jnp.float32),
            pltpu.VMEM((L,), jnp.float32),
            pltpu.VMEM((NACC * CPT,), jnp.float32),
        ],
        compiler_params=pltpu.CompilerParams(needs_layout_passes=False),
        name="hetero_sc_z",
    )



def _stats_one(xt, src3, dst3, srcb, dstb, acc, out, wid, wbase):
    zeros16 = jnp.zeros((L,), jnp.float32)
    ones16 = jnp.ones((L,), jnp.float32)

    def _zr(i, c):
        acc[pl.ds(i * L, L)] = zeros16
        return c
    lax.fori_loop(0, NACC * 4 // L, _zr, 0)

    def _chunk(ci, c):
        rb = wbase + ci * CH
        pltpu.sync_copy(src3.at[pl.ds(rb, CH)], srcb)
        pltpu.sync_copy(dst3.at[pl.ds(rb, CH)], dstb)

        def _row(j, cc):
            def _grp(g, gc):
                base = g * L
                s16 = srcb[j, pl.ds(base, L)] * 3
                d16 = dstb[j, pl.ds(base, L)] * 4
                x0 = plsc.load_gather(xt, [s16])
                x1 = plsc.load_gather(xt, [s16 + 1])
                x2 = plsc.load_gather(xt, [s16 + 2])
                plsc.addupdate_scatter(acc, [d16], x0)
                plsc.addupdate_scatter(acc, [d16 + 1], x1)
                plsc.addupdate_scatter(acc, [d16 + 2], x2)
                plsc.addupdate_scatter(acc, [d16 + 3], ones16)
                return gc
            lax.fori_loop(0, ROW // L, _grp, 0)
            return cc
        lax.fori_loop(0, CH, _row, 0)
        return c
    lax.fori_loop(0, RPT // CH, _chunk, 0)
    pltpu.sync_copy(acc, out.at[wid])


def _s_body(xg_hbm, xc_hbm, nsrc_g, ndst_g, ssrc_g, sdst_g,
            nsrc_c, ndst_c, ssrc_c, sdst_c,
            xng_out, xsg_out, xnc_out, xsc_out,
            xg, xc, srcb, dstb, acc):
    cid = lax.axis_index("c")
    sid = lax.axis_index("s")
    wid = sid * NC + cid
    wbase = wid * RPT

    pltpu.sync_copy(xg_hbm, xg)
    pltpu.sync_copy(xc_hbm, xc)

    _stats_one(xc, nsrc_g, ndst_g, srcb, dstb, acc, xng_out, wid, wbase)
    _stats_one(xg, ssrc_g, sdst_g, srcb, dstb, acc, xsg_out, wid, wbase)
    _stats_one(xg, nsrc_c, ndst_c, srcb, dstb, acc, xnc_out, wid, wbase)
    _stats_one(xc, ssrc_c, sdst_c, srcb, dstb, acc, xsc_out, wid, wbase)


@functools.cache
def _s_fn():
    xout = jax.ShapeDtypeStruct((NW, NACC * 4), jnp.float32)
    return pl.kernel(
        _s_body,
        out_type=(xout,) * 4,
        mesh=_mesh(),
        scratch_types=[
            pltpu.VMEM((N * D_IN,), jnp.float32),
            pltpu.VMEM((N * D_IN,), jnp.float32),
            pltpu.VMEM((CH, ROW), jnp.int32),
            pltpu.VMEM((CH, ROW), jnp.int32),
            pltpu.VMEM((NACC * 4,), jnp.float32),
        ],
        compiler_params=pltpu.CompilerParams(needs_layout_passes=False),
        name="hetero_sc_stats",
    )


def _pad_edges(ei, ea=None):
    npad = EP - E
    pad_dst = N + (jnp.arange(npad, dtype=jnp.int32) % (NACC - N))
    src = jnp.concatenate([ei[0], jnp.zeros((npad,), jnp.int32)])
    dst = jnp.concatenate([ei[1], pad_dst])
    src3 = src.reshape(NROWS3, ROW)
    dst3 = dst.reshape(NROWS3, ROW)
    if ea is None:
        return src3, dst3, None
    ea3 = jnp.concatenate([ea.reshape(-1), jnp.zeros((npad,), jnp.float32)])
    return src3, dst3, ea3.reshape(NROWS3, ROW)


BR = 2000


def _merge_body(x_ref, z_ref, xn_ref, xs_ref, wx_ref, wl_ref, m_ref, b2_ref,
                bias_ref, o_ref):
    z = z_ref[0] + z_ref[1]
    sel = (lax.broadcasted_iota(jnp.int32, (NW * 4, 4), 0) % 4
           == lax.broadcasted_iota(jnp.int32, (NW * 4, 4), 1)
           ).astype(jnp.float32)
    xn = jnp.dot(xn_ref[...], sel, preferred_element_type=jnp.float32)
    xs = jnp.dot(xs_ref[...], sel, preferred_element_type=jnp.float32)
    cn = jnp.maximum(xn[:, 3:4], 1.0)
    cs = jnp.maximum(xs[:, 3:4], 1.0)
    x = x_ref[...]
    out = jnp.dot(x, wx_ref[...], preferred_element_type=jnp.float32)
    out += jnp.dot(xs[:, 0:3] / cs, wl_ref[...],
                   preferred_element_type=jnp.float32)
    out += jnp.dot(z / cn, m_ref[...], preferred_element_type=jnp.float32)
    out += jnp.dot(xn[:, 0:3] / cn, b2_ref[...],
                   preferred_element_type=jnp.float32)
    o_ref[...] = out + bias_ref[...]


def _merge(x_dst, z2, xn2, xs2, wx, wl, m, b2r, bias):
    full = lambda shape: pl.BlockSpec(shape, lambda i: (0,) * len(shape))
    return pl.pallas_call(
        _merge_body,
        grid=(N // BR,),
        in_specs=[
            pl.BlockSpec((BR, D_IN), lambda i: (i, 0)),
            pl.BlockSpec((NC, BR, ZW), lambda i: (0, i, 0)),
            pl.BlockSpec((BR, NW * 4), lambda i: (i, 0)),
            pl.BlockSpec((BR, NW * 4), lambda i: (i, 0)),
            full((D_IN, H)),
            full((D_IN, H)),
            full((ZW, H)),
            full((D_IN, H)),
            full((1, H)),
        ],
        out_specs=pl.BlockSpec((BR, H), lambda i: (i, 0)),
        out_shape=jax.ShapeDtypeStruct((N, H), jnp.float32),
        name="hetero_tc_merge",
    )(x_dst, z2, xn2, xs2, wx, wl, m, b2r, bias)


def kernel(x_gene, x_cell, ei_gg, ei_cc, ei_cg, ei_gc, ea_cg, ea_gc,
           sage_gg_Wl, sage_gg_bl, sage_gg_Wr,
           sage_cc_Wl, sage_cc_bl, sage_cc_Wr,
           nn_W1, nn_b1, nn_W2, nn_b2,
           nn_cg_root, nn_cg_bias, nn_gc_root, nn_gc_bias):
    xg_flat = x_gene.reshape(-1)
    xc_flat = x_cell.reshape(-1)
    w1 = nn_W1.reshape(-1)
    b1 = nn_b1.reshape(-1)

    pad = jnp.zeros((NS, L - 2), jnp.float32)
    wtab = jnp.concatenate([w1.reshape(NS, 2), pad], axis=1)
    btab = jnp.concatenate([b1.reshape(NS, 2), pad], axis=1)

    nsrc_g, ndst_g, nea_g = _pad_edges(ei_cg, ea_cg)
    ssrc_g, sdst_g, _ = _pad_edges(ei_gg)
    nsrc_c, ndst_c, nea_c = _pad_edges(ei_gc, ea_gc)
    ssrc_c, sdst_c, _ = _pad_edges(ei_cc)

    z_fn = _z_fn()
    zr_g = z_fn(xc_flat, nsrc_g, ndst_g, nea_g, wtab, btab)
    zr_c = z_fn(xg_flat, nsrc_c, ndst_c, nea_c, wtab, btab)
    xn_g, xs_g, xn_c, xs_c = _s_fn()(
        xg_flat, xc_flat, nsrc_g, ndst_g, ssrc_g, sdst_g,
        nsrc_c, ndst_c, ssrc_c, sdst_c)

    def _asm(zr):
        return zr.reshape(NC, NS, NACC, 2, D_IN).transpose(0, 2, 4, 1, 3) \
                 .reshape(NC, NACC, ZW)

    z_g = _asm(zr_g)
    z_c = _asm(zr_c)
    def _interleave(a):
        return a.reshape(NW, NACC, 4).transpose(1, 0, 2).reshape(NACC, NW * 4)

    xn_g = _interleave(xn_g)
    xs_g = _interleave(xs_g)
    xn_c = _interleave(xn_c)
    xs_c = _interleave(xs_c)

    m = 0.5 * nn_W2.reshape(32, D_IN, H).transpose(1, 0, 2).reshape(ZW, H)
    b2r = 0.5 * nn_b2.reshape(D_IN, H)

    out_gene = _merge(
        x_gene, z_g, xn_g, xs_g,
        0.5 * (sage_gg_Wr + nn_cg_root), 0.5 * sage_gg_Wl, m, b2r,
        (0.5 * (sage_gg_bl + nn_cg_bias)).reshape(1, H))
    out_cell = _merge(
        x_cell, z_c, xn_c, xs_c,
        0.5 * (sage_cc_Wr + nn_gc_root), 0.5 * sage_cc_Wl, m, b2r,
        (0.5 * (sage_cc_bl + nn_gc_bias)).reshape(1, H))
    return (out_gene, out_cell)

# --- scband reference (transcript-rebuilt; emitter-appended) ---
"""Pipeline reference for scband-hetero-encoder-28192165331397 (READ-ONLY COPY).

The authoritative reference and input builder live on the scoring server;
editing this copy changes nothing except your own understanding.
"""

import jax, jax.numpy as jnp
import numpy as np

N_GENE = 10000
N_CELL = 10000
E = 320000
H = 64
D_IN = 3


def _seg_mean(vals, idx, n):
    s = jax.ops.segment_sum(vals, idx, num_segments=n)
    cnt = jax.ops.segment_sum(jnp.ones((idx.shape[0], 1), vals.dtype), idx, num_segments=n)
    return s / jnp.maximum(cnt, 1.0)


def setup_inputs(seed: int = 0):
    key = jax.random.key(seed)
    ks = jax.random.split(key, 24)
    s = 0.1
    inp = {}
    inp['x_gene'] = jax.random.normal(ks[0], (N_GENE, D_IN), dtype=jnp.float32)
    inp['x_cell'] = jax.random.normal(ks[1], (N_CELL, D_IN), dtype=jnp.float32)
    inp['ei_gg'] = jax.random.randint(ks[2], (2, E), 0, N_GENE, dtype=jnp.int32)
    inp['ei_cc'] = jax.random.randint(ks[3], (2, E), 0, N_CELL, dtype=jnp.int32)
    inp['ei_cg'] = jax.random.randint(ks[4], (2, E), 0, N_GENE, dtype=jnp.int32)
    inp['ei_gc'] = jax.random.randint(ks[5], (2, E), 0, N_CELL, dtype=jnp.int32)
    inp['ea_cg'] = jax.random.normal(ks[6], (E, 1), dtype=jnp.float32)
    inp['ea_gc'] = jax.random.normal(ks[7], (E, 1), dtype=jnp.float32)
    # SAGEConv gene->gene: lin_l (with bias) on aggregated msgs, lin_r (no bias) on root
    inp['sage_gg_Wl'] = jax.random.normal(ks[8], (D_IN, H), dtype=jnp.float32) * s
    inp['sage_gg_bl'] = jnp.zeros((H,), jnp.float32)
    inp['sage_gg_Wr'] = jax.random.normal(ks[9], (D_IN, H), dtype=jnp.float32) * s
    # SAGEConv cell->cell
    inp['sage_cc_Wl'] = jax.random.normal(ks[10], (D_IN, H), dtype=jnp.float32) * s
    inp['sage_cc_bl'] = jnp.zeros((H,), jnp.float32)
    inp['sage_cc_Wr'] = jax.random.normal(ks[11], (D_IN, H), dtype=jnp.float32) * s
    # shared edge_nn: Lin(1,32) -> ReLU -> Lin(32, 3*H)  (SAME instance used by both NNConvs)
    inp['nn_W1'] = jax.random.normal(ks[12], (1, 32), dtype=jnp.float32) * s
    inp['nn_b1'] = jnp.zeros((32,), jnp.float32)
    inp['nn_W2'] = jax.random.normal(ks[13], (32, D_IN * H), dtype=jnp.float32) * s
    inp['nn_b2'] = jnp.zeros((D_IN * H,), jnp.float32)
    # per-NNConv root weight (no bias) + additive bias
    inp['nn_cg_root'] = jax.random.normal(ks[14], (D_IN, H), dtype=jnp.float32) * s
    inp['nn_cg_bias'] = jnp.zeros((H,), jnp.float32)
    inp['nn_gc_root'] = jax.random.normal(ks[15], (D_IN, H), dtype=jnp.float32) * s
    inp['nn_gc_bias'] = jnp.zeros((H,), jnp.float32)
    return inp


def _sage(x_src, x_dst, ei, Wl, bl, Wr):
    msg = x_src[ei[0]]
    agg = _seg_mean(msg, ei[1], x_dst.shape[0])
    return agg @ Wl + bl + x_dst @ Wr


def _nnconv(x_src, x_dst, ei, ea, W1, b1, W2, b2, root, bias):
    h = jax.nn.relu(ea @ W1 + b1)
    w = (h @ W2 + b2).reshape(-1, D_IN, H)
    msg = jnp.einsum('ec,eco->eo', x_src[ei[0]], w)
    agg = _seg_mean(msg, ei[1], x_dst.shape[0])
    return agg + x_dst @ root + bias


def reference(x_gene, x_cell, ei_gg, ei_cc, ei_cg, ei_gc, ea_cg, ea_gc,
              sage_gg_Wl, sage_gg_bl, sage_gg_Wr,
              sage_cc_Wl, sage_cc_bl, sage_cc_Wr,
              nn_W1, nn_b1, nn_W2, nn_b2,
              nn_cg_root, nn_cg_bias, nn_gc_root, nn_gc_bias):
    out_gg = _sage(x_gene, x_gene, ei_gg, sage_gg_Wl, sage_gg_bl, sage_gg_Wr)
    out_cc = _sage(x_cell, x_cell, ei_cc, sage_cc_Wl, sage_cc_bl, sage_cc_Wr)
    out_cg = _nnconv(x_cell, x_gene, ei_cg, ea_cg, nn_W1, nn_b1, nn_W2, nn_b2, nn_cg_root, nn_cg_bias)
    out_gc = _nnconv(x_gene, x_cell, ei_gc, ea_gc, nn_W1, nn_b1, nn_W2, nn_b2, nn_gc_root, nn_gc_bias)
    # HeteroConv aggr='mean' across relations sharing a dst node type
    out_gene = (out_gg + out_cg) / 2.0
    out_cell = (out_cc + out_gc) / 2.0
    return (out_gene, out_cell)


if False:  # reference __main__ guard neutralized (emitter)
    inp = setup_inputs()
    og, oc = reference(**inp)
    print(og.shape, oc.shape)

if __name__ == "__main__":
    import jax
    _d = setup_inputs()
    print(jax.jit(kernel)(*tuple(_d.values())))

</pallas_src>

<mosaic_0001>
#map = affine_map<(d0, d1) -> (0)>
#map1 = affine_map<(d0, d1) -> (0, 0)>
#map2 = affine_map<(d0, d1) -> (0, 0, 0)>
module attributes {stable_mosaic.version = 14 : i64} {
  func.func @hetero_sc_z(%arg0: i32, %arg1: i32, %arg2: memref<30000xf32, #tpu.memory_space<hbm>>, %arg3: memref<2560x128xi32, #tpu.memory_space<hbm>>, %arg4: memref<2560x128xi32, #tpu.memory_space<hbm>>, %arg5: memref<2560x128xf32, #tpu.memory_space<hbm>>, %arg6: memref<16x16xf32, #tpu.memory_space<hbm>>, %arg7: memref<16x16xf32, #tpu.memory_space<hbm>>, %arg8: memref<2x16x60672xf32, #tpu.memory_space<hbm>>, %arg9: memref<30000xf32, #tpu.memory_space<vmem>>, %arg10: memref<32x128xi32, #tpu.memory_space<vmem>>, %arg11: memref<32x128xi32, #tpu.memory_space<vmem>>, %arg12: memref<32x128xf32, #tpu.memory_space<vmem>>, %arg13: memref<16xf32, #tpu.memory_space<vmem>>, %arg14: memref<16xf32, #tpu.memory_space<vmem>>, %arg15: memref<60672xf32, #tpu.memory_space<vmem>>) attributes {dimension_semantics = [#tpu.dimension_semantics<core_parallel>, #tpu.dimension_semantics<subcore_parallel>], iteration_bounds = array<i64: 2, 16>, scalar_prefetch = 0 : i64, scratch_operands = 7 : i64, tpu.core_type = #tpu.core_type<sc_vector_subcore>, window_params = [{transform_indices = #map}, {transform_indices = #map1}, {transform_indices = #map1}, {transform_indices = #map1}, {transform_indices = #map1}, {transform_indices = #map1}, {transform_indices = #map2}]} {
    "tpu.region"() ({
      %run_scoped3A = tpu.sem_alloc : memref<!tpu.dma_semaphore, #tpu.memory_space<semaphore_mem>>
      tpu.enqueue_dma source(%arg2 : memref<30000xf32, #tpu.memory_space<hbm>>) target(%arg9 : memref<30000xf32, #tpu.memory_space<vmem>>) target_semaphore(%run_scoped3A : memref<!tpu.dma_semaphore, #tpu.memory_space<semaphore_mem>>)
      tpu.wait_dma2 semaphore(%run_scoped3A : memref<!tpu.dma_semaphore, #tpu.memory_space<semaphore_mem>>) src(%arg2 : memref<30000xf32, #tpu.memory_space<hbm>>) dst(%arg9 : memref<30000xf32, #tpu.memory_space<vmem>>)
      tpu.yield
    }) : () -> ()
    "tpu.region"() ({
      %run_scoped3A = tpu.sem_alloc : memref<!tpu.dma_semaphore, #tpu.memory_space<semaphore_mem>>
      %dma_start3A = arith.constant 0 : i32
      %dma_start3A_22 = tpu.memref_slice %arg6[%arg1, %dma_start3A] : memref<16x16xf32, #tpu.memory_space<hbm>> -> memref<1x16xf32, #tpu.memory_space<hbm>>
      %dma_start3A_23 = tpu.memref_squeeze %dma_start3A_22 : memref<1x16xf32, #tpu.memory_space<hbm>> -> memref<16xf32, #tpu.memory_space<hbm>>
      %dma_start3A_24 = arith.constant 0 : i32
      %dma_start3A_25 = tpu.memref_slice %arg6[%arg1, %dma_start3A_24] : memref<16x16xf32, #tpu.memory_space<hbm>> -> memref<1x16xf32, #tpu.memory_space<hbm>>
      %dma_start3A_26 = tpu.memref_squeeze %dma_start3A_25 : memref<1x16xf32, #tpu.memory_space<hbm>> -> memref<16xf32, #tpu.memory_space<hbm>>
      tpu.enqueue_dma source(%dma_start3A_26 : memref<16xf32, #tpu.memory_space<hbm>>) target(%arg13 : memref<16xf32, #tpu.memory_space<vmem>>) target_semaphore(%run_scoped3A : memref<!tpu.dma_semaphore, #tpu.memory_space<semaphore_mem>>)
      %dma_wait3A = arith.constant 0 : i32
      %dma_wait3A_27 = tpu.memref_slice %arg6[%arg1, %dma_wait3A] : memref<16x16xf32, #tpu.memory_space<hbm>> -> memref<1x16xf32, #tpu.memory_space<hbm>>
      %dma_wait3A_28 = tpu.memref_squeeze %dma_wait3A_27 : memref<1x16xf32, #tpu.memory_space<hbm>> -> memref<16xf32, #tpu.memory_space<hbm>>
      %dma_wait3A_29 = arith.constant 0 : i32
      %dma_wait3A_30 = tpu.memref_slice %arg6[%arg1, %dma_wait3A_29] : memref<16x16xf32, #tpu.memory_space<hbm>> -> memref<1x16xf32, #tpu.memory_space<hbm>>
      %dma_wait3A_31 = tpu.memref_squeeze %dma_wait3A_30 : memref<1x16xf32, #tpu.memory_space<hbm>> -> memref<16xf32, #tpu.memory_space<hbm>>
      tpu.wait_dma2 semaphore(%run_scoped3A : memref<!tpu.dma_semaphore, #tpu.memory_space<semaphore_mem>>) src(%dma_wait3A_31 : memref<16xf32, #tpu.memory_space<hbm>>) dst(%arg13 : memref<16xf32, #tpu.memory_space<vmem>>)
      tpu.yield
    }) : () -> ()
    "tpu.region"() ({
      %run_scoped3A = tpu.sem_alloc : memref<!tpu.dma_semaphore, #tpu.memory_space<semaphore_mem>>
      %dma_start3A = arith.constant 0 : i32
      %dma_start3A_22 = tpu.memref_slice %arg7[%arg1, %dma_start3A] : memref<16x16xf32, #tpu.memory_space<hbm>> -> memref<1x16xf32, #tpu.memory_space<hbm>>
      %dma_start3A_23 = tpu.memref_squeeze %dma_start3A_22 : memref<1x16xf32, #tpu.memory_space<hbm>> -> memref<16xf32, #tpu.memory_space<hbm>>
      %dma_start3A_24 = arith.constant 0 : i32
      %dma_start3A_25 = tpu.memref_slice %arg7[%arg1, %dma_start3A_24] : memref<16x16xf32, #tpu.memory_space<hbm>> -> memref<1x16xf32, #tpu.memory_space<hbm>>
      %dma_start3A_26 = tpu.memref_squeeze %dma_start3A_25 : memref<1x16xf32, #tpu.memory_space<hbm>> -> memref<16xf32, #tpu.memory_space<hbm>>
      tpu.enqueue_dma source(%dma_start3A_26 : memref<16xf32, #tpu.memory_space<hbm>>) target(%arg14 : memref<16xf32, #tpu.memory_space<vmem>>) target_semaphore(%run_scoped3A : memref<!tpu.dma_semaphore, #tpu.memory_space<semaphore_mem>>)
      %dma_wait3A = arith.constant 0 : i32
      %dma_wait3A_27 = tpu.memref_slice %arg7[%arg1, %dma_wait3A] : memref<16x16xf32, #tpu.memory_space<hbm>> -> memref<1x16xf32, #tpu.memory_space<hbm>>
      %dma_wait3A_28 = tpu.memref_squeeze %dma_wait3A_27 : memref<1x16xf32, #tpu.memory_space<hbm>> -> memref<16xf32, #tpu.memory_space<hbm>>
      %dma_wait3A_29 = arith.constant 0 : i32
      %dma_wait3A_30 = tpu.memref_slice %arg7[%arg1, %dma_wait3A_29] : memref<16x16xf32, #tpu.memory_space<hbm>> -> memref<1x16xf32, #tpu.memory_space<hbm>>
      %dma_wait3A_31 = tpu.memref_squeeze %dma_wait3A_30 : memref<1x16xf32, #tpu.memory_space<hbm>> -> memref<16xf32, #tpu.memory_space<hbm>>
      tpu.wait_dma2 semaphore(%run_scoped3A : memref<!tpu.dma_semaphore, #tpu.memory_space<semaphore_mem>>) src(%dma_wait3A_31 : memref<16xf32, #tpu.memory_space<hbm>>) dst(%arg14 : memref<16xf32, #tpu.memory_space<vmem>>)
      tpu.yield
    }) : () -> ()
    %broadcast_in_dim3A = arith.constant 0.000000e+00 : f32
    %broadcast_in_dim3A_0 = vector.broadcast %broadcast_in_dim3A : f32 to vector<16xf32>
    %scan3A = arith.constant 0 : i32
    %scan3A_1 = arith.constant 0 : i32
    %scan3A_2 = arith.constant 3792 : i32
    %scan3A_3 = arith.addi %scan3A_1, %scan3A_2 : i32
    %scan3A_4 = arith.constant 1 : i32
    scf.for %scan3A_22 = %scan3A_1 to %scan3A_3 step %scan3A_4  : i32 {
      %mul3A_23 = arith.constant 16 : i32
      %mul3A_24 = arith.muli %scan3A_22, %mul3A_23 : i32
      %swap3A = arith.index_cast %mul3A_24 : i32 to index
      %swap3A_25 = tpu.vector_load %arg15[%swap3A] {strides = array<i32>} : memref<60672xf32, #tpu.memory_space<vmem>>, vector<16xf32>,
      tpu.vector_store %arg15[%swap3A], %broadcast_in_dim3A_0 {strides = array<i32>} : memref<60672xf32, #tpu.memory_space<vmem>>, vector<16xf32>,
    }
    %scan3A_5 = arith.constant 3792 : i32
    %get3A = arith.constant 0 : index
    %get3A_6 = tpu.vector_load %arg13[%get3A] {strides = array<i32>} : memref<16xf32, #tpu.memory_space<vmem>>, vector<16xf32>,
    %get3A_7 = arith.constant 0 : index
    %get3A_8 = tpu.vector_load %arg14[%get3A_7] {strides = array<i32>} : memref<16xf32, #tpu.memory_space<vmem>>, vector<16xf32>,
    %slice3A = vector.extract_strided_slice %get3A_6 {offsets = [0], sizes = [1], strides = [1]} : vector<16xf32> to vector<1xf32>
    %squeeze3A = vector.extract %slice3A[0] : f32 from vector<1xf32>
    %slice3A_9 = vector.extract_strided_slice %get3A_6 {offsets = [1], sizes = [1], strides = [1]} : vector<16xf32> to vector<1xf32>
    %squeeze3A_10 = vector.extract %slice3A_9[0] : f32 from vector<1xf32>
    %slice3A_11 = vector.extract_strided_slice %get3A_8 {offsets = [0], sizes = [1], strides = [1]} : vector<16xf32> to vector<1xf32>
    %squeeze3A_12 = vector.extract %slice3A_11[0] : f32 from vector<1xf32>
    %slice3A_13 = vector.extract_strided_slice %get3A_8 {offsets = [1], sizes = [1], strides = [1]} : vector<16xf32> to vector<1xf32>
    %squeeze3A_14 = vector.extract %slice3A_13[0] : f32 from vector<1xf32>
    %mul3A = arith.constant 1280 : i32
    %mul3A_15 = arith.muli %arg0, %mul3A : i32
    %scan3A_16 = arith.constant 0 : i32
    %scan3A_17 = arith.constant 0 : i32
    %scan3A_18 = arith.constant 40 : i32
    %scan3A_19 = arith.addi %scan3A_17, %scan3A_18 : i32
    %scan3A_20 = arith.constant 1 : i32
    scf.for %scan3A_22 = %scan3A_17 to %scan3A_19 step %scan3A_20  : i32 {
      %mul3A_23 = arith.constant 32 : i32
      %mul3A_24 = arith.muli %scan3A_22, %mul3A_23 : i32
      %add3A = arith.addi %mul3A_15, %mul3A_24 : i32
      "tpu.region"() ({
        %run_scoped3A = tpu.sem_alloc : memref<!tpu.dma_semaphore, #tpu.memory_space<semaphore_mem>>
        %dma_start3A = arith.constant 0 : i32
        %dma_start3A_31 = tpu.memref_slice %arg3[%add3A, %dma_start3A] : memref<2560x128xi32, #tpu.memory_space<hbm>> -> memref<32x128xi32, #tpu.memory_space<hbm>>
        %dma_start3A_32 = arith.constant 0 : i32
        %dma_start3A_33 = tpu.memref_slice %arg3[%add3A, %dma_start3A_32] : memref<2560x128xi32, #tpu.memory_space<hbm>> -> memref<32x128xi32, #tpu.memory_space<hbm>>
        tpu.enqueue_dma source(%dma_start3A_33 : memref<32x128xi32, #tpu.memory_space<hbm>>) target(%arg10 : memref<32x128xi32, #tpu.memory_space<vmem>>) target_semaphore(%run_scoped3A : memref<!tpu.dma_semaphore, #tpu.memory_space<semaphore_mem>>)
        %dma_wait3A = arith.constant 0 : i32
        %dma_wait3A_34 = tpu.memref_slice %arg3[%add3A, %dma_wait3A] : memref<2560x128xi32, #tpu.memory_space<hbm>> -> memref<32x128xi32, #tpu.memory_space<hbm>>
        %dma_wait3A_35 = arith.constant 0 : i32
        %dma_wait3A_36 = tpu.memref_slice %arg3[%add3A, %dma_wait3A_35] : memref<2560x128xi32, #tpu.memory_space<hbm>> -> memref<32x128xi32, #tpu.memory_space<hbm>>
        tpu.wait_dma2 semaphore(%run_scoped3A : memref<!tpu.dma_semaphore, #tpu.memory_space<semaphore_mem>>) src(%dma_wait3A_36 : memref<32x128xi32, #tpu.memory_space<hbm>>) dst(%arg10 : memref<32x128xi32, #tpu.memory_space<vmem>>)
        tpu.yield
      }) : () -> ()
      "tpu.region"() ({
        %run_scoped3A = tpu.sem_alloc : memref<!tpu.dma_semaphore, #tpu.memory_space<semaphore_mem>>
        %dma_start3A = arith.constant 0 : i32
        %dma_start3A_31 = tpu.memref_slice %arg4[%add3A, %dma_start3A] : memref<2560x128xi32, #tpu.memory_space<hbm>> -> memref<32x128xi32, #tpu.memory_space<hbm>>
        %dma_start3A_32 = arith.constant 0 : i32
        %dma_start3A_33 = tpu.memref_slice %arg4[%add3A, %dma_start3A_32] : memref<2560x128xi32, #tpu.memory_space<hbm>> -> memref<32x128xi32, #tpu.memory_space<hbm>>
        tpu.enqueue_dma source(%dma_start3A_33 : memref<32x128xi32, #tpu.memory_space<hbm>>) target(%arg11 : memref<32x128xi32, #tpu.memory_space<vmem>>) target_semaphore(%run_scoped3A : memref<!tpu.dma_semaphore, #tpu.memory_space<semaphore_mem>>)
        %dma_wait3A = arith.constant 0 : i32
        %dma_wait3A_34 = tpu.memref_slice %arg4[%add3A, %dma_wait3A] : memref<2560x128xi32, #tpu.memory_space<hbm>> -> memref<32x128xi32, #tpu.memory_space<hbm>>
        %dma_wait3A_35 = arith.constant 0 : i32
        %dma_wait3A_36 = tpu.memref_slice %arg4[%add3A, %dma_wait3A_35] : memref<2560x128xi32, #tpu.memory_space<hbm>> -> memref<32x128xi32, #tpu.memory_space<hbm>>
        tpu.wait_dma2 semaphore(%run_scoped3A : memref<!tpu.dma_semaphore, #tpu.memory_space<semaphore_mem>>) src(%dma_wait3A_36 : memref<32x128xi32, #tpu.memory_space<hbm>>) dst(%arg11 : memref<32x128xi32, #tpu.memory_space<vmem>>)
        tpu.yield
      }) : () -> ()
      "tpu.region"() ({
        %run_scoped3A = tpu.sem_alloc : memref<!tpu.dma_semaphore, #tpu.memory_space<semaphore_mem>>
        %dma_start3A = arith.constant 0 : i32
        %dma_start3A_31 = tpu.memref_slice %arg5[%add3A, %dma_start3A] : memref<2560x128xf32, #tpu.memory_space<hbm>> -> memref<32x128xf32, #tpu.memory_space<hbm>>
        %dma_start3A_32 = arith.constant 0 : i32
        %dma_start3A_33 = tpu.memref_slice %arg5[%add3A, %dma_start3A_32] : memref<2560x128xf32, #tpu.memory_space<hbm>> -> memref<32x128xf32, #tpu.memory_space<hbm>>
        tpu.enqueue_dma source(%dma_start3A_33 : memref<32x128xf32, #tpu.memory_space<hbm>>) target(%arg12 : memref<32x128xf32, #tpu.memory_space<vmem>>) target_semaphore(%run_scoped3A : memref<!tpu.dma_semaphore, #tpu.memory_space<semaphore_mem>>)
        %dma_wait3A = arith.constant 0 : i32
        %dma_wait3A_34 = tpu.memref_slice %arg5[%add3A, %dma_wait3A] : memref<2560x128xf32, #tpu.memory_space<hbm>> -> memref<32x128xf32, #tpu.memory_space<hbm>>
        %dma_wait3A_35 = arith.constant 0 : i32
        %dma_wait3A_36 = tpu.memref_slice %arg5[%add3A, %dma_wait3A_35] : memref<2560x128xf32, #tpu.memory_space<hbm>> -> memref<32x128xf32, #tpu.memory_space<hbm>>
        tpu.wait_dma2 semaphore(%run_scoped3A : memref<!tpu.dma_semaphore, #tpu.memory_space<semaphore_mem>>) src(%dma_wait3A_36 : memref<32x128xf32, #tpu.memory_space<hbm>>) dst(%arg12 : memref<32x128xf32, #tpu.memory_space<vmem>>)
        tpu.yield
      }) : () -> ()
      %scan3A_25 = arith.constant 0 : i32
      %scan3A_26 = arith.constant 0 : i32
      %scan3A_27 = arith.constant 32 : i32
      %scan3A_28 = arith.addi %scan3A_26, %scan3A_27 : i32
      %scan3A_29 = arith.constant 1 : i32
      scf.for %scan3A_31 = %scan3A_26 to %scan3A_28 step %scan3A_29  : i32 {
        %scan3A_32 = arith.constant 0 : i32
        %scan3A_33 = arith.constant 0 : i32
        %scan3A_34 = arith.constant 8 : i32
        %scan3A_35 = arith.addi %scan3A_33, %scan3A_34 : i32
        %scan3A_36 = arith.constant 1 : i32
        scf.for %scan3A_38 = %scan3A_33 to %scan3A_35 step %scan3A_36  : i32 {
          %mul3A_39 = arith.constant 16 : i32
          %mul3A_40 = arith.muli %scan3A_38, %mul3A_39 : i32
          %get3A_41 = arith.index_cast %scan3A_31 : i32 to index
          %get3A_42 = arith.index_cast %mul3A_40 : i32 to index
          %get3A_43 = tpu.vector_load %arg10[%get3A_41, %get3A_42] {strides = array<i32>} : memref<32x128xi32, #tpu.memory_space<vmem>>, vector<16xi32>,
          %mul3A_44 = arith.constant 3 : i32
          %mul3A_45 = vector.broadcast %mul3A_44 : i32 to vector<16xi32>
          %mul3A_46 = arith.muli %get3A_43, %mul3A_45 : vector<16xi32>
          %get3A_47 = arith.index_cast %scan3A_31 : i32 to index
          %get3A_48 = arith.index_cast %mul3A_40 : i32 to index
          %get3A_49 = tpu.vector_load %arg12[%get3A_47, %get3A_48] {strides = array<i32>} : memref<32x128xf32, #tpu.memory_space<vmem>>, vector<16xf32>,
          %get3A_50 = arith.index_cast %scan3A_31 : i32 to index
          %get3A_51 = arith.index_cast %mul3A_40 : i32 to index
          %get3A_52 = tpu.vector_load %arg11[%get3A_50, %get3A_51] {strides = array<i32>} : memref<32x128xi32, #tpu.memory_space<vmem>>, vector<16xi32>,
          %mul3A_53 = arith.constant 6 : i32
          %mul3A_54 = vector.broadcast %mul3A_53 : i32 to vector<16xi32>
          %mul3A_55 = arith.muli %get3A_52, %mul3A_54 : vector<16xi32>
          %gather3A = tpu.vector_load_idx %arg9[%mul3A_46] : memref<30000xf32, #tpu.memory_space<vmem>>[vector<16xi32>], vector<16xf32>,
          %add3A_56 = arith.constant 1 : i32
          %add3A_57 = vector.broadcast %add3A_56 : i32 to vector<16xi32>
          %add3A_58 = arith.addi %mul3A_46, %add3A_57 : vector<16xi32>
          %gather3A_59 = tpu.vector_load_idx %arg9[%add3A_58] : memref<30000xf32, #tpu.memory_space<vmem>>[vector<16xi32>], vector<16xf32>,
          %add3A_60 = arith.constant 2 : i32
          %add3A_61 = vector.broadcast %add3A_60 : i32 to vector<16xi32>
          %add3A_62 = arith.addi %mul3A_46, %add3A_61 : vector<16xi32>
          %gather3A_63 = tpu.vector_load_idx %arg9[%add3A_62] : memref<30000xf32, #tpu.memory_space<vmem>>[vector<16xi32>], vector<16xf32>,
          %mul3A_64 = vector.broadcast %squeeze3A : f32 to vector<16xf32>
          %mul3A_65 = arith.mulf %get3A_49, %mul3A_64 : vector<16xf32>
          %add3A_66 = vector.broadcast %squeeze3A_12 : f32 to vector<16xf32>
          %add3A_67 = arith.addf %mul3A_65, %add3A_66 : vector<16xf32>
          %max3A = arith.constant 0.000000e+00 : f32
          %max3A_68 = vector.broadcast %max3A : f32 to vector<16xf32>
          %max3A_69 = arith.maximumf %add3A_67, %max3A_68 : vector<16xf32>
          %mul3A_70 = vector.broadcast %squeeze3A_10 : f32 to vector<16xf32>
          %mul3A_71 = arith.mulf %get3A_49, %mul3A_70 : vector<16xf32>
          %add3A_72 = vector.broadcast %squeeze3A_14 : f32 to vector<16xf32>
          %add3A_73 = arith.addf %mul3A_71, %add3A_72 : vector<16xf32>
          %max3A_74 = arith.constant 0.000000e+00 : f32
          %max3A_75 = vector.broadcast %max3A_74 : f32 to vector<16xf32>
          %max3A_76 = arith.maximumf %add3A_73, %max3A_75 : vector<16xf32>
          %mul3A_77 = arith.mulf %gather3A, %max3A_69 : vector<16xf32>
          tpu.vector_store_idx %arg15[%mul3A_55], %mul3A_77 {add = true} : memref<60672xf32, #tpu.memory_space<vmem>>[vector<16xi32>], vector<16xf32>,
          %add3A_78 = arith.constant 1 : i32
          %add3A_79 = vector.broadcast %add3A_78 : i32 to vector<16xi32>
          %add3A_80 = arith.addi %mul3A_55, %add3A_79 : vector<16xi32>
          %mul3A_81 = arith.mulf %gather3A_59, %max3A_69 : vector<16xf32>
          tpu.vector_store_idx %arg15[%add3A_80], %mul3A_81 {add = true} : memref<60672xf32, #tpu.memory_space<vmem>>[vector<16xi32>], vector<16xf32>,
          %add3A_82 = arith.constant 2 : i32
          %add3A_83 = vector.broadcast %add3A_82 : i32 to vector<16xi32>
          %add3A_84 = arith.addi %mul3A_55, %add3A_83 : vector<16xi32>
          %mul3A_85 = arith.mulf %gather3A_63, %max3A_69 : vector<16xf32>
          tpu.vector_store_idx %arg15[%add3A_84], %mul3A_85 {add = true} : memref<60672xf32, #tpu.memory_space<vmem>>[vector<16xi32>], vector<16xf32>,
          %add3A_86 = arith.constant 3 : i32
          %add3A_87 = vector.broadcast %add3A_86 : i32 to vector<16xi32>
          %add3A_88 = arith.addi %mul3A_55, %add3A_87 : vector<16xi32>
          %mul3A_89 = arith.mulf %gather3A, %max3A_76 : vector<16xf32>
          tpu.vector_store_idx %arg15[%add3A_88], %mul3A_89 {add = true} : memref<60672xf32, #tpu.memory_space<vmem>>[vector<16xi32>], vector<16xf32>,
          %add3A_90 = arith.constant 4 : i32
          %add3A_91 = vector.broadcast %add3A_90 : i32 to vector<16xi32>
          %add3A_92 = arith.addi %mul3A_55, %add3A_91 : vector<16xi32>
          %mul3A_93 = arith.mulf %gather3A_59, %max3A_76 : vector<16xf32>
          tpu.vector_store_idx %arg15[%add3A_92], %mul3A_93 {add = true} : memref<60672xf32, #tpu.memory_space<vmem>>[vector<16xi32>], vector<16xf32>,
          %add3A_94 = arith.constant 5 : i32
          %add3A_95 = vector.broadcast %add3A_94 : i32 to vector<16xi32>
          %add3A_96 = arith.addi %mul3A_55, %add3A_95 : vector<16xi32>
          %mul3A_97 = arith.mulf %gather3A_63, %max3A_76 : vector<16xf32>
          tpu.vector_store_idx %arg15[%add3A_96], %mul3A_97 {add = true} : memref<60672xf32, #tpu.memory_space<vmem>>[vector<16xi32>], vector<16xf32>,
        }
        %scan3A_37 = arith.constant 8 : i32
      }
      %scan3A_30 = arith.constant 32 : i32
    }
    %scan3A_21 = arith.constant 40 : i32
    "tpu.region"() ({
      %run_scoped3A = tpu.sem_alloc : memref<!tpu.dma_semaphore, #tpu.memory_space<semaphore_mem>>
      %dma_start3A = arith.constant 0 : i32
      %dma_start3A_22 = tpu.memref_slice %arg8[%arg0, %arg1, %dma_start3A] : memref<2x16x60672xf32, #tpu.memory_space<hbm>> -> memref<1x1x60672xf32, #tpu.memory_space<hbm>>
      %dma_start3A_23 = tpu.memref_squeeze %dma_start3A_22 : memref<1x1x60672xf32, #tpu.memory_space<hbm>> -> memref<60672xf32, #tpu.memory_space<hbm>>
      %dma_start3A_24 = arith.constant 0 : i32
      %dma_start3A_25 = tpu.memref_slice %arg8[%arg0, %arg1, %dma_start3A_24] : memref<2x16x60672xf32, #tpu.memory_space<hbm>> -> memref<1x1x60672xf32, #tpu.memory_space<hbm>>
      %dma_start3A_26 = tpu.memref_squeeze %dma_start3A_25 : memref<1x1x60672xf32, #tpu.memory_space<hbm>> -> memref<60672xf32, #tpu.memory_space<hbm>>
      tpu.enqueue_dma source(%arg15 : memref<60672xf32, #tpu.memory_space<vmem>>) target(%dma_start3A_26 : memref<60672xf32, #tpu.memory_space<hbm>>) target_semaphore(%run_scoped3A : memref<!tpu.dma_semaphore, #tpu.memory_space<semaphore_mem>>)
      %dma_wait3A = arith.constant 0 : i32
      %dma_wait3A_27 = tpu.memref_slice %arg8[%arg0, %arg1, %dma_wait3A] : memref<2x16x60672xf32, #tpu.memory_space<hbm>> -> memref<1x1x60672xf32, #tpu.memory_space<hbm>>
      %dma_wait3A_28 = tpu.memref_squeeze %dma_wait3A_27 : memref<1x1x60672xf32, #tpu.memory_space<hbm>> -> memref<60672xf32, #tpu.memory_space<hbm>>
      %dma_wait3A_29 = arith.constant 0 : i32
      %dma_wait3A_30 = tpu.memref_slice %arg8[%arg0, %arg1, %dma_wait3A_29] : memref<2x16x60672xf32, #tpu.memory_space<hbm>> -> memref<1x1x60672xf32, #tpu.memory_space<hbm>>
      %dma_wait3A_31 = tpu.memref_squeeze %dma_wait3A_30 : memref<1x1x60672xf32, #tpu.memory_space<hbm>> -> memref<60672xf32, #tpu.memory_space<hbm>>
      tpu.wait_dma2 semaphore(%run_scoped3A : memref<!tpu.dma_semaphore, #tpu.memory_space<semaphore_mem>>) src(%arg15 : memref<60672xf32, #tpu.memory_space<vmem>>) dst(%dma_wait3A_31 : memref<60672xf32, #tpu.memory_space<hbm>>)
      tpu.yield
    }) : () -> ()
    return
  }
}

#map = affine_map<(d0, d1) -> (0)>
#map1 = affine_map<(d0, d1) -> (0, 0)>
#map2 = affine_map<(d0, d1) -> (0, 0, 0)>
module attributes {stable_mosaic.version = 14 : i64} {
  func.func @hetero_sc_z(%arg0: i32, %arg1: i32, %arg2: memref<30000xf32, #tpu.memory_space<hbm>>, %arg3: memref<2560x128xi32, #tpu.memory_space<hbm>>, %arg4: memref<2560x128xi32, #tpu.memory_space<hbm>>, %arg5: memref<2560x128xf32, #tpu.memory_space<hbm>>, %arg6: memref<16x16xf32, #tpu.memory_space<hbm>>, %arg7: memref<16x16xf32, #tpu.memory_space<hbm>>, %arg8: memref<2x16x60672xf32, #tpu.memory_space<hbm>>, %arg9: memref<30000xf32, #tpu.memory_space<vmem>>, %arg10: memref<32x128xi32, #tpu.memory_space<vmem>>, %arg11: memref<32x128xi32, #tpu.memory_space<vmem>>, %arg12: memref<32x128xf32, #tpu.memory_space<vmem>>, %arg13: memref<16xf32, #tpu.memory_space<vmem>>, %arg14: memref<16xf32, #tpu.memory_space<vmem>>, %arg15: memref<60672xf32, #tpu.memory_space<vmem>>) attributes {dimension_semantics = [#tpu.dimension_semantics<core_parallel>, #tpu.dimension_semantics<subcore_parallel>], iteration_bounds = array<i64: 2, 16>, scalar_prefetch = 0 : i64, scratch_operands = 7 : i64, tpu.core_type = #tpu.core_type<sc_vector_subcore>, window_params = [{transform_indices = #map}, {transform_indices = #map1}, {transform_indices = #map1}, {transform_indices = #map1}, {transform_indices = #map1}, {transform_indices = #map1}, {transform_indices = #map2}]} {
    "tpu.region"() ({
      %run_scoped3A = tpu.sem_alloc : memref<!tpu.dma_semaphore, #tpu.memory_space<semaphore_mem>>
      tpu.enqueue_dma source(%arg2 : memref<30000xf32, #tpu.memory_space<hbm>>) target(%arg9 : memref<30000xf32, #tpu.memory_space<vmem>>) target_semaphore(%run_scoped3A : memref<!tpu.dma_semaphore, #tpu.memory_space<semaphore_mem>>)
      tpu.wait_dma2 semaphore(%run_scoped3A : memref<!tpu.dma_semaphore, #tpu.memory_space<semaphore_mem>>) src(%arg2 : memref<30000xf32, #tpu.memory_space<hbm>>) dst(%arg9 : memref<30000xf32, #tpu.memory_space<vmem>>)
      tpu.yield
    }) : () -> ()
    "tpu.region"() ({
      %run_scoped3A = tpu.sem_alloc : memref<!tpu.dma_semaphore, #tpu.memory_space<semaphore_mem>>
      %dma_start3A = arith.constant 0 : i32
      %dma_start3A_22 = tpu.memref_slice %arg6[%arg1, %dma_start3A] : memref<16x16xf32, #tpu.memory_space<hbm>> -> memref<1x16xf32, #tpu.memory_space<hbm>>
      %dma_start3A_23 = tpu.memref_squeeze %dma_start3A_22 : memref<1x16xf32, #tpu.memory_space<hbm>> -> memref<16xf32, #tpu.memory_space<hbm>>
      %dma_start3A_24 = arith.constant 0 : i32
      %dma_start3A_25 = tpu.memref_slice %arg6[%arg1, %dma_start3A_24] : memref<16x16xf32, #tpu.memory_space<hbm>> -> memref<1x16xf32, #tpu.memory_space<hbm>>
      %dma_start3A_26 = tpu.memref_squeeze %dma_start3A_25 : memref<1x16xf32, #tpu.memory_space<hbm>> -> memref<16xf32, #tpu.memory_space<hbm>>
      tpu.enqueue_dma source(%dma_start3A_26 : memref<16xf32, #tpu.memory_space<hbm>>) target(%arg13 : memref<16xf32, #tpu.memory_space<vmem>>) target_semaphore(%run_scoped3A : memref<!tpu.dma_semaphore, #tpu.memory_space<semaphore_mem>>)
      %dma_wait3A = arith.constant 0 : i32
      %dma_wait3A_27 = tpu.memref_slice %arg6[%arg1, %dma_wait3A] : memref<16x16xf32, #tpu.memory_space<hbm>> -> memref<1x16xf32, #tpu.memory_space<hbm>>
      %dma_wait3A_28 = tpu.memref_squeeze %dma_wait3A_27 : memref<1x16xf32, #tpu.memory_space<hbm>> -> memref<16xf32, #tpu.memory_space<hbm>>
      %dma_wait3A_29 = arith.constant 0 : i32
      %dma_wait3A_30 = tpu.memref_slice %arg6[%arg1, %dma_wait3A_29] : memref<16x16xf32, #tpu.memory_space<hbm>> -> memref<1x16xf32, #tpu.memory_space<hbm>>
      %dma_wait3A_31 = tpu.memref_squeeze %dma_wait3A_30 : memref<1x16xf32, #tpu.memory_space<hbm>> -> memref<16xf32, #tpu.memory_space<hbm>>
      tpu.wait_dma2 semaphore(%run_scoped3A : memref<!tpu.dma_semaphore, #tpu.memory_space<semaphore_mem>>) src(%dma_wait3A_31 : memref<16xf32, #tpu.memory_space<hbm>>) dst(%arg13 : memref<16xf32, #tpu.memory_space<vmem>>)
      tpu.yield
    }) : () -> ()
    "tpu.region"() ({
      %run_scoped3A = tpu.sem_alloc : memref<!tpu.dma_semaphore, #tpu.memory_space<semaphore_mem>>
      %dma_start3A = arith.constant 0 : i32
      %dma_start3A_22 = tpu.memref_slice %arg7[%arg1, %dma_start3A] : memref<16x16xf32, #tpu.memory_space<hbm>> -> memref<1x16xf32, #tpu.memory_space<hbm>>
      %dma_start3A_23 = tpu.memref_squeeze %dma_start3A_22 : memref<1x16xf32, #tpu.memory_space<hbm>> -> memref<16xf32, #tpu.memory_space<hbm>>
      %dma_start3A_24 = arith.constant 0 : i32
      %dma_start3A_25 = tpu.memref_slice %arg7[%arg1, %dma_start3A_24] : memref<16x16xf32, #tpu.memory_space<hbm>> -> memref<1x16xf32, #tpu.memory_space<hbm>>
      %dma_start3A_26 = tpu.memref_squeeze %dma_start3A_25 : memref<1x16xf32, #tpu.memory_space<hbm>> -> memref<16xf32, #tpu.memory_space<hbm>>
      tpu.enqueue_dma source(%dma_start3A_26 : memref<16xf32, #tpu.memory_space<hbm>>) target(%arg14 : memref<16xf32, #tpu.memory_space<vmem>>) target_semaphore(%run_scoped3A : memref<!tpu.dma_semaphore, #tpu.memory_space<semaphore_mem>>)
      %dma_wait3A = arith.constant 0 : i32
      %dma_wait3A_27 = tpu.memref_slice %arg7[%arg1, %dma_wait3A] : memref<16x16xf32, #tpu.memory_space<hbm>> -> memref<1x16xf32, #tpu.memory_space<hbm>>
      %dma_wait3A_28 = tpu.memref_squeeze %dma_wait3A_27 : memref<1x16xf32, #tpu.memory_space<hbm>> -> memref<16xf32, #tpu.memory_space<hbm>>
      %dma_wait3A_29 = arith.constant 0 : i32
      %dma_wait3A_30 = tpu.memref_slice %arg7[%arg1, %dma_wait3A_29] : memref<16x16xf32, #tpu.memory_space<hbm>> -> memref<1x16xf32, #tpu.memory_space<hbm>>
      %dma_wait3A_31 = tpu.memref_squeeze %dma_wait3A_30 : memref<1x16xf32, #tpu.memory_space<hbm>> -> memref<16xf32, #tpu.memory_space<hbm>>
      tpu.wait_dma2 semaphore(%run_scoped3A : memref<!tpu.dma_semaphore, #tpu.memory_space<semaphore_mem>>) src(%dma_wait3A_31 : memref<16xf32, #tpu.memory_space<hbm>>) dst(%arg14 : memref<16xf32, #tpu.memory_space<vmem>>)
      tpu.yield
    }) : () -> ()
    %broadcast_in_dim3A = arith.constant 0.000000e+00 : f32
    %broadcast_in_dim3A_0 = vector.broadcast %broadcast_in_dim3A : f32 to vector<16xf32>
    %scan3A = arith.constant 0 : i32
    %scan3A_1 = arith.constant 0 : i32
    %scan3A_2 = arith.constant 3792 : i32
    %scan3A_3 = arith.addi %scan3A_1, %scan3A_2 : i32
    %scan3A_4 = arith.constant 1 : i32
    scf.for %scan3A_22 = %scan3A_1 to %scan3A_3 step %scan3A_4  : i32 {
      %mul3A_23 = arith.constant 16 : i32
      %mul3A_24 = arith.muli %scan3A_22, %mul3A_23 : i32
      %swap3A = arith.index_cast %mul3A_24 : i32 to index
      %swap3A_25 = tpu.vector_load %arg15[%swap3A] {strides = array<i32>} : memref<60672xf32, #tpu.memory_space<vmem>>, vector<16xf32>,
      tpu.vector_store %arg15[%swap3A], %broadcast_in_dim3A_0 {strides = array<i32>} : memref<60672xf32, #tpu.memory_space<vmem>>, vector<16xf32>,
    }
    %scan3A_5 = arith.constant 3792 : i32
    %get3A = arith.constant 0 : index
    %get3A_6 = tpu.vector_load %arg13[%get3A] {strides = array<i32>} : memref<16xf32, #tpu.memory_space<vmem>>, vector<16xf32>,
    %get3A_7 = arith.constant 0 : index
    %get3A_8 = tpu.vector_load %arg14[%get3A_7] {strides = array<i32>} : memref<16xf32, #tpu.memory_space<vmem>>, vector<16xf32>,
    %slice3A = vector.extract_strided_slice %get3A_6 {offsets = [0], sizes = [1], strides = [1]} : vector<16xf32> to vector<1xf32>
    %squeeze3A = vector.extract %slice3A[0] : f32 from vector<1xf32>
    %slice3A_9 = vector.extract_strided_slice %get3A_6 {offsets = [1], sizes = [1], strides = [1]} : vector<16xf32> to vector<1xf32>
    %squeeze3A_10 = vector.extract %slice3A_9[0] : f32 from vector<1xf32>
    %slice3A_11 = vector.extract_strided_slice %get3A_8 {offsets = [0], sizes = [1], strides = [1]} : vector<16xf32> to vector<1xf32>
    %squeeze3A_12 = vector.extract %slice3A_11[0] : f32 from vector<1xf32>
    %slice3A_13 = vector.extract_strided_slice %get3A_8 {offsets = [1], sizes = [1], strides = [1]} : vector<16xf32> to vector<1xf32>
    %squeeze3A_14 = vector.extract %slice3A_13[0] : f32 from vector<1xf32>
    %mul3A = arith.constant 1280 : i32
    %mul3A_15 = arith.muli %arg0, %mul3A : i32
    %scan3A_16 = arith.constant 0 : i32
    %scan3A_17 = arith.constant 0 : i32
    %scan3A_18 = arith.constant 40 : i32
    %scan3A_19 = arith.addi %scan3A_17, %scan3A_18 : i32
    %scan3A_20 = arith.constant 1 : i32
    scf.for %scan3A_22 = %scan3A_17 to %scan3A_19 step %scan3A_20  : i32 {
      %mul3A_23 = arith.constant 32 : i32
      %mul3A_24 = arith.muli %scan3A_22, %mul3A_23 : i32
      %add3A = arith.addi %mul3A_15, %mul3A_24 : i32
      "tpu.region"() ({
        %run_scoped3A = tpu.sem_alloc : memref<!tpu.dma_semaphore, #tpu.memory_space<semaphore_mem>>
        %dma_start3A = arith.constant 0 : i32
        %dma_start3A_31 = tpu.memref_slice %arg3[%add3A, %dma_start3A] : memref<2560x128xi32, #tpu.memory_space<hbm>> -> memref<32x128xi32, #tpu.memory_space<hbm>>
        %dma_start3A_32 = arith.constant 0 : i32
        %dma_start3A_33 = tpu.memref_slice %arg3[%add3A, %dma_start3A_32] : memref<2560x128xi32, #tpu.memory_space<hbm>> -> memref<32x128xi32, #tpu.memory_space<hbm>>
        tpu.enqueue_dma source(%dma_start3A_33 : memref<32x128xi32, #tpu.memory_space<hbm>>) target(%arg10 : memref<32x128xi32, #tpu.memory_space<vmem>>) target_semaphore(%run_scoped3A : memref<!tpu.dma_semaphore, #tpu.memory_space<semaphore_mem>>)
        %dma_wait3A = arith.constant 0 : i32
        %dma_wait3A_34 = tpu.memref_slice %arg3[%add3A, %dma_wait3A] : memref<2560x128xi32, #tpu.memory_space<hbm>> -> memref<32x128xi32, #tpu.memory_space<hbm>>
        %dma_wait3A_35 = arith.constant 0 : i32
        %dma_wait3A_36 = tpu.memref_slice %arg3[%add3A, %dma_wait3A_35] : memref<2560x128xi32, #tpu.memory_space<hbm>> -> memref<32x128xi32, #tpu.memory_space<hbm>>
        tpu.wait_dma2 semaphore(%run_scoped3A : memref<!tpu.dma_semaphore, #tpu.memory_space<semaphore_mem>>) src(%dma_wait3A_36 : memref<32x128xi32, #tpu.memory_space<hbm>>) dst(%arg10 : memref<32x128xi32, #tpu.memory_space<vmem>>)
        tpu.yield
      }) : () -> ()
      "tpu.region"() ({
        %run_scoped3A = tpu.sem_alloc : memref<!tpu.dma_semaphore, #tpu.memory_space<semaphore_mem>>
        %dma_start3A = arith.constant 0 : i32
        %dma_start3A_31 = tpu.memref_slice %arg4[%add3A, %dma_start3A] : memref<2560x128xi32, #tpu.memory_space<hbm>> -> memref<32x128xi32, #tpu.memory_space<hbm>>
        %dma_start3A_32 = arith.constant 0 : i32
        %dma_start3A_33 = tpu.memref_slice %arg4[%add3A, %dma_start3A_32] : memref<2560x128xi32, #tpu.memory_space<hbm>> -> memref<32x128xi32, #tpu.memory_space<hbm>>
        tpu.enqueue_dma source(%dma_start3A_33 : memref<32x128xi32, #tpu.memory_space<hbm>>) target(%arg11 : memref<32x128xi32, #tpu.memory_space<vmem>>) target_semaphore(%run_scoped3A : memref<!tpu.dma_semaphore, #tpu.memory_space<semaphore_mem>>)
        %dma_wait3A = arith.constant 0 : i32
        %dma_wait3A_34 = tpu.memref_slice %arg4[%add3A, %dma_wait3A] : memref<2560x128xi32, #tpu.memory_space<hbm>> -> memref<32x128xi32, #tpu.memory_space<hbm>>
        %dma_wait3A_35 = arith.constant 0 : i32
        %dma_wait3A_36 = tpu.memref_slice %arg4[%add3A, %dma_wait3A_35] : memref<2560x128xi32, #tpu.memory_space<hbm>> -> memref<32x128xi32, #tpu.memory_space<hbm>>
        tpu.wait_dma2 semaphore(%run_scoped3A : memref<!tpu.dma_semaphore, #tpu.memory_space<semaphore_mem>>) src(%dma_wait3A_36 : memref<32x128xi32, #tpu.memory_space<hbm>>) dst(%arg11 : memref<32x128xi32, #tpu.memory_space<vmem>>)
        tpu.yield
      }) : () -> ()
      "tpu.region"() ({
        %run_scoped3A = tpu.sem_alloc : memref<!tpu.dma_semaphore, #tpu.memory_space<semaphore_mem>>
        %dma_start3A = arith.constant 0 : i32
        %dma_start3A_31 = tpu.memref_slice %arg5[%add3A, %dma_start3A] : memref<2560x128xf32, #tpu.memory_space<hbm>> -> memref<32x128xf32, #tpu.memory_space<hbm>>
        %dma_start3A_32 = arith.constant 0 : i32
        %dma_start3A_33 = tpu.memref_slice %arg5[%add3A, %dma_start3A_32] : memref<2560x128xf32, #tpu.memory_space<hbm>> -> memref<32x128xf32, #tpu.memory_space<hbm>>
        tpu.enqueue_dma source(%dma_start3A_33 : memref<32x128xf32, #tpu.memory_space<hbm>>) target(%arg12 : memref<32x128xf32, #tpu.memory_space<vmem>>) target_semaphore(%run_scoped3A : memref<!tpu.dma_semaphore, #tpu.memory_space<semaphore_mem>>)
        %dma_wait3A = arith.constant 0 : i32
        %dma_wait3A_34 = tpu.memref_slice %arg5[%add3A, %dma_wait3A] : memref<2560x128xf32, #tpu.memory_space<hbm>> -> memref<32x128xf32, #tpu.memory_space<hbm>>
        %dma_wait3A_35 = arith.constant 0 : i32
        %dma_wait3A_36 = tpu.memref_slice %arg5[%add3A, %dma_wait3A_35] : memref<2560x128xf32, #tpu.memory_space<hbm>> -> memref<32x128xf32, #tpu.memory_space<hbm>>
        tpu.wait_dma2 semaphore(%run_scoped3A : memref<!tpu.dma_semaphore, #tpu.memory_space<semaphore_mem>>) src(%dma_wait3A_36 : memref<32x128xf32, #tpu.memory_space<hbm>>) dst(%arg12 : memref<32x128xf32, #tpu.memory_space<vmem>>)
        tpu.yield
      }) : () -> ()
      %scan3A_25 = arith.constant 0 : i32
      %scan3A_26 = arith.constant 0 : i32
      %scan3A_27 = arith.constant 32 : i32
      %scan3A_28 = arith.addi %scan3A_26, %scan3A_27 : i32
      %scan3A_29 = arith.constant 1 : i32
      scf.for %scan3A_31 = %scan3A_26 to %scan3A_28 step %scan3A_29  : i32 {
        %scan3A_32 = arith.constant 0 : i32
        %scan3A_33 = arith.constant 0 : i32
        %scan3A_34 = arith.constant 8 : i32
        %scan3A_35 = arith.addi %scan3A_33, %scan3A_34 : i32
        %scan3A_36 = arith.constant 1 : i32
        scf.for %scan3A_38 = %scan3A_33 to %scan3A_35 step %scan3A_36  : i32 {
          %mul3A_39 = arith.constant 16 : i32
          %mul3A_40 = arith.muli %scan3A_38, %mul3A_39 : i32
          %get3A_41 = arith.index_cast %scan3A_31 : i32 to index
          %get3A_42 = arith.index_cast %mul3A_40 : i32 to index
          %get3A_43 = tpu.vector_load %arg10[%get3A_41, %get3A_42] {strides = array<i32>} : memref<32x128xi32, #tpu.memory_space<vmem>>, vector<16xi32>,
          %mul3A_44 = arith.constant 3 : i32
          %mul3A_45 = vector.broadcast %mul3A_44 : i32 to vector<16xi32>
          %mul3A_46 = arith.muli %get3A_43, %mul3A_45 : vector<16xi32>
          %get3A_47 = arith.index_cast %scan3A_31 : i32 to index
          %get3A_48 = arith.index_cast %mul3A_40 : i32 to index
          %get3A_49 = tpu.vector_load %arg12[%get3A_47, %get3A_48] {strides = array<i32>} : memref<32x128xf32, #tpu.memory_space<vmem>>, vector<16xf32>,
          %get3A_50 = arith.index_cast %scan3A_31 : i32 to index
          %get3A_51 = arith.index_cast %mul3A_40 : i32 to index
          %get3A_52 = tpu.vector_load %arg11[%get3A_50, %get3A_51] {strides = array<i32>} : memref<32x128xi32, #tpu.memory_space<vmem>>, vector<16xi32>,
          %mul3A_53 = arith.constant 6 : i32
          %mul3A_54 = vector.broadcast %mul3A_53 : i32 to vector<16xi32>
          %mul3A_55 = arith.muli %get3A_52, %mul3A_54 : vector<16xi32>
          %gather3A = tpu.vector_load_idx %arg9[%mul3A_46] : memref<30000xf32, #tpu.memory_space<vmem>>[vector<16xi32>], vector<16xf32>,
          %add3A_56 = arith.constant 1 : i32
          %add3A_57 = vector.broadcast %add3A_56 : i32 to vector<16xi32>
          %add3A_58 = arith.addi %mul3A_46, %add3A_57 : vector<16xi32>
          %gather3A_59 = tpu.vector_load_idx %arg9[%add3A_58] : memref<30000xf32, #tpu.memory_space<vmem>>[vector<16xi32>], vector<16xf32>,
          %add3A_60 = arith.constant 2 : i32
          %add3A_61 = vector.broadcast %add3A_60 : i32 to vector<16xi32>
          %add3A_62 = arith.addi %mul3A_46, %add3A_61 : vector<16xi32>
          %gather3A_63 = tpu.vector_load_idx %arg9[%add3A_62] : memref<30000xf32, #tpu.memory_space<vmem>>[vector<16xi32>], vector<16xf32>,
          %mul3A_64 = vector.broadcast %squeeze3A : f32 to vector<16xf32>
          %mul3A_65 = arith.mulf %get3A_49, %mul3A_64 : vector<16xf32>
          %add3A_66 = vector.broadcast %squeeze3A_12 : f32 to vector<16xf32>
          %add3A_67 = arith.addf %mul3A_65, %add3A_66 : vector<16xf32>
          %max3A = arith.constant 0.000000e+00 : f32
          %max3A_68 = vector.broadcast %max3A : f32 to vector<16xf32>
          %max3A_69 = arith.maximumf %add3A_67, %max3A_68 : vector<16xf32>
          %mul3A_70 = vector.broadcast %squeeze3A_10 : f32 to vector<16xf32>
          %mul3A_71 = arith.mulf %get3A_49, %mul3A_70 : vector<16xf32>
          %add3A_72 = vector.broadcast %squeeze3A_14 : f32 to vector<16xf32>
          %add3A_73 = arith.addf %mul3A_71, %add3A_72 : vector<16xf32>
          %max3A_74 = arith.constant 0.000000e+00 : f32
          %max3A_75 = vector.broadcast %max3A_74 : f32 to vector<16xf32>
          %max3A_76 = arith.maximumf %add3A_73, %max3A_75 : vector<16xf32>
          %mul3A_77 = arith.mulf %gather3A, %max3A_69 : vector<16xf32>
          tpu.vector_store_idx %arg15[%mul3A_55], %mul3A_77 {add = true} : memref<60672xf32, #tpu.memory_space<vmem>>[vector<16xi32>], vector<16xf32>,
          %add3A_78 = arith.constant 1 : i32
          %add3A_79 = vector.broadcast %add3A_78 : i32 to vector<16xi32>
          %add3A_80 = arith.addi %mul3A_55, %add3A_79 : vector<16xi32>
          %mul3A_81 = arith.mulf %gather3A_59, %max3A_69 : vector<16xf32>
          tpu.vector_store_idx %arg15[%add3A_80], %mul3A_81 {add = true} : memref<60672xf32, #tpu.memory_space<vmem>>[vector<16xi32>], vector<16xf32>,
          %add3A_82 = arith.constant 2 : i32
          %add3A_83 = vector.broadcast %add3A_82 : i32 to vector<16xi32>
          %add3A_84 = arith.addi %mul3A_55, %add3A_83 : vector<16xi32>
          %mul3A_85 = arith.mulf %gather3A_63, %max3A_69 : vector<16xf32>
          tpu.vector_store_idx %arg15[%add3A_84], %mul3A_85 {add = true} : memref<60672xf32, #tpu.memory_space<vmem>>[vector<16xi32>], vector<16xf32>,
          %add3A_86 = arith.constant 3 : i32
          %add3A_87 = vector.broadcast %add3A_86 : i32 to vector<16xi32>
          %add3A_88 = arith.addi %mul3A_55, %add3A_87 : vector<16xi32>
          %mul3A_89 = arith.mulf %gather3A, %max3A_76 : vector<16xf32>
          tpu.vector_store_idx %arg15[%add3A_88], %mul3A_89 {add = true} : memref<60672xf32, #tpu.memory_space<vmem>>[vector<16xi32>], vector<16xf32>,
          %add3A_90 = arith.constant 4 : i32
          %add3A_91 = vector.broadcast %add3A_90 : i32 to vector<16xi32>
          %add3A_92 = arith.addi %mul3A_55, %add3A_91 : vector<16xi32>
          %mul3A_93 = arith.mulf %gather3A_59, %max3A_76 : vector<16xf32>
          tpu.vector_store_idx %arg15[%add3A_92], %mul3A_93 {add = true} : memref<60672xf32, #tpu.memory_space<vmem>>[vector<16xi32>], vector<16xf32>,
          %add3A_94 = arith.constant 5 : i32
          %add3A_95 = vector.broadcast %add3A_94 : i32 to vector<16xi32>
          %add3A_96 = arith.addi %mul3A_55, %add3A_95 : vector<16xi32>
          %mul3A_97 = arith.mulf %gather3A_63, %max3A_76 : vector<16xf32>
          tpu.vector_store_idx %arg15[%add3A_96], %mul3A_97 {add = true} : memref<60672xf32, #tpu.memory_space<vmem>>[vector<16xi32>], vector<16xf32>,
        }
        %scan3A_37 = arith.constant 8 : i32
      }
      %scan3A_30 = arith.constant 32 : i32
    }
    %scan3A_21 = arith.constant 40 : i32
    "tpu.region"() ({
      %run_scoped3A = tpu.sem_alloc : memref<!tpu.dma_semaphore, #tpu.memory_space<semaphore_mem>>
      %dma_start3A = arith.constant 0 : i32
      %dma_start3A_22 = tpu.memref_slice %arg8[%arg0, %arg1, %dma_start3A] : memref<2x16x60672xf32, #tpu.memory_space<hbm>> -> memref<1x1x60672xf32, #tpu.memory_space<hbm>>
      %dma_start3A_23 = tpu.memref_squeeze %dma_start3A_22 : memref<1x1x60672xf32, #tpu.memory_space<hbm>> -> memref<60672xf32, #tpu.memory_space<hbm>>
      %dma_start3A_24 = arith.constant 0 : i32
      %dma_start3A_25 = tpu.memref_slice %arg8[%arg0, %arg1, %dma_start3A_24] : memref<2x16x60672xf32, #tpu.memory_space<hbm>> -> memref<1x1x60672xf32, #tpu.memory_space<hbm>>
      %dma_start3A_26 = tpu.memref_squeeze %dma_start3A_25 : memref<1x1x60672xf32, #tpu.memory_space<hbm>> -> memref<60672xf32, #tpu.memory_space<hbm>>
      tpu.enqueue_dma source(%arg15 : memref<60672xf32, #tpu.memory_space<vmem>>) target(%dma_start3A_26 : memref<60672xf32, #tpu.memory_space<hbm>>) target_semaphore(%run_scoped3A : memref<!tpu.dma_semaphore, #tpu.memory_space<semaphore_mem>>)
      %dma_wait3A = arith.constant 0 : i32
      %dma_wait3A_27 = tpu.memref_slice %arg8[%arg0, %arg1, %dma_wait3A] : memref<2x16x60672xf32, #tpu.memory_space<hbm>> -> memref<1x1x60672xf32, #tpu.memory_space<hbm>>
      %dma_wait3A_28 = tpu.memref_squeeze %dma_wait3A_27 : memref<1x1x60672xf32, #tpu.memory_space<hbm>> -> memref<60672xf32, #tpu.memory_space<hbm>>
      %dma_wait3A_29 = arith.constant 0 : i32
      %dma_wait3A_30 = tpu.memref_slice %arg8[%arg0, %arg1, %dma_wait3A_29] : memref<2x16x60672xf32, #tpu.memory_space<hbm>> -> memref<1x1x60672xf32, #tpu.memory_space<hbm>>
      %dma_wait3A_31 = tpu.memref_squeeze %dma_wait3A_30 : memref<1x1x60672xf32, #tpu.memory_space<hbm>> -> memref<60672xf32, #tpu.memory_space<hbm>>
      tpu.wait_dma2 semaphore(%run_scoped3A : memref<!tpu.dma_semaphore, #tpu.memory_space<semaphore_mem>>) src(%arg15 : memref<60672xf32, #tpu.memory_space<vmem>>) dst(%dma_wait3A_31 : memref<60672xf32, #tpu.memory_space<hbm>>)
      tpu.yield
    }) : () -> ()
    return
  }
}

#map = affine_map<(d0, d1) -> (0)>
#map1 = affine_map<(d0, d1) -> (0, 0)>
module attributes {stable_mosaic.version = 14 : i64} {
  func.func @hetero_sc_stats(%arg0: i32, %arg1: i32, %arg2: memref<30000xf32, #tpu.memory_space<hbm>>, %arg3: memref<30000xf32, #tpu.memory_space<hbm>>, %arg4: memref<2560x128xi32, #tpu.memory_space<hbm>>, %arg5: memref<2560x128xi32, #tpu.memory_space<hbm>>, %arg6: memref<2560x128xi32, #tpu.memory_space<hbm>>, %arg7: memref<2560x128xi32, #tpu.memory_space<hbm>>, %arg8: memref<2560x128xi32, #tpu.memory_space<hbm>>, %arg9: memref<2560x128xi32, #tpu.memory_space<hbm>>, %arg10: memref<2560x128xi32, #tpu.memory_space<hbm>>, %arg11: memref<2560x128xi32, #tpu.memory_space<hbm>>, %arg12: memref<32x40448xf32, #tpu.memory_space<hbm>>, %arg13: memref<32x40448xf32, #tpu.memory_space<hbm>>, %arg14: memref<32x40448xf32, #tpu.memory_space<hbm>>, %arg15: memref<32x40448xf32, #tpu.memory_space<hbm>>, %arg16: memref<30000xf32, #tpu.memory_space<vmem>>, %arg17: memref<30000xf32, #tpu.memory_space<vmem>>, %arg18: memref<8x128xi32, #tpu.memory_space<vmem>>, %arg19: memref<8x128xi32, #tpu.memory_space<vmem>>, %arg20: memref<40448xf32, #tpu.memory_space<vmem>>) attributes {dimension_semantics = [#tpu.dimension_semantics<core_parallel>, #tpu.dimension_semantics<subcore_parallel>], iteration_bounds = array<i64: 2, 16>, scalar_prefetch = 0 : i64, scratch_operands = 5 : i64, tpu.core_type = #tpu.core_type<sc_vector_subcore>, window_params = [{transform_indices = #map}, {transform_indices = #map}, {transform_indices = #map1}, {transform_indices = #map1}, {transform_indices = #map1}, {transform_indices = #map1}, {transform_indices = #map1}, {transform_indices = #map1}, {transform_indices = #map1}, {transform_indices = #map1}, {transform_indices = #map1}, {transform_indices = #map1}, {transform_indices = #map1}, {transform_indices = #map1}]} {
    %mul3A = arith.constant 2 : i32
    %mul3A_0 = arith.muli %arg1, %mul3A : i32
    %add3A = arith.addi %mul3A_0, %arg0 : i32
    %mul3A_1 = arith.constant 80 : i32
    %mul3A_2 = arith.muli %add3A, %mul3A_1 : i32
    "tpu.region"() ({
      %run_scoped3A = tpu.sem_alloc : memref<!tpu.dma_semaphore, #tpu.memory_space<semaphore_mem>>
      tpu.enqueue_dma source(%arg2 : memref<30000xf32, #tpu.memory_space<hbm>>) target(%arg16 : memref<30000xf32, #tpu.memory_space<vmem>>) target_semaphore(%run_scoped3A : memref<!tpu.dma_semaphore, #tpu.memory_space<semaphore_mem>>)
      tpu.wait_dma2 semaphore(%run_scoped3A : memref<!tpu.dma_semaphore, #tpu.memory_space<semaphore_mem>>) src(%arg2 : memref<30000xf32, #tpu.memory_space<hbm>>) dst(%arg16 : memref<30000xf32, #tpu.memory_space<vmem>>)
      tpu.yield
    }) : () -> ()
    "tpu.region"() ({
      %run_scoped3A = tpu.sem_alloc : memref<!tpu.dma_semaphore, #tpu.memory_space<semaphore_mem>>
      tpu.enqueue_dma source(%arg3 : memref<30000xf32, #tpu.memory_space<hbm>>) target(%arg17 : memref<30000xf32, #tpu.memory_space<vmem>>) target_semaphore(%run_scoped3A : memref<!tpu.dma_semaphore, #tpu.memory_space<semaphore_mem>>)
      tpu.wait_dma2 semaphore(%run_scoped3A : memref<!tpu.dma_semaphore, #tpu.memory_space<semaphore_mem>>) src(%arg3 : memref<30000xf32, #tpu.memory_space<hbm>>) dst(%arg17 : memref<30000xf32, #tpu.memory_space<vmem>>)
      tpu.yield
    }) : () -> ()
    %broadcast_in_dim3A = arith.constant 0.000000e+00 : f32
    %broadcast_in_dim3A_3 = vector.broadcast %broadcast_in_dim3A : f32 to vector<16xf32>
    %broadcast_in_dim3A_4 = arith.constant 1.000000e+00 : f32
    %broadcast_in_dim3A_5 = vector.broadcast %broadcast_in_dim3A_4 : f32 to vector<16xf32>
    %scan3A = arith.constant 0 : i32
    %scan3A_6 = arith.constant 0 : i32
    %scan3A_7 = arith.constant 2528 : i32
    %scan3A_8 = arith.addi %scan3A_6, %scan3A_7 : i32
    %scan3A_9 = arith.constant 1 : i32
    scf.for %scan3A_65 = %scan3A_6 to %scan3A_8 step %scan3A_9  : i32 {
      %mul3A_66 = arith.constant 16 : i32
      %mul3A_67 = arith.muli %scan3A_65, %mul3A_66 : i32
      %swap3A = arith.index_cast %mul3A_67 : i32 to index
      %swap3A_68 = tpu.vector_load %arg20[%swap3A] {strides = array<i32>} : memref<40448xf32, #tpu.memory_space<vmem>>, vector<16xf32>,
      tpu.vector_store %arg20[%swap3A], %broadcast_in_dim3A_3 {strides = array<i32>} : memref<40448xf32, #tpu.memory_space<vmem>>, vector<16xf32>,
    }
    %scan3A_10 = arith.constant 2528 : i32
    %scan3A_11 = arith.constant 0 : i32
    %scan3A_12 = arith.constant 0 : i32
    %scan3A_13 = arith.constant 10 : i32
    %scan3A_14 = arith.addi %scan3A_12, %scan3A_13 : i32
    %scan3A_15 = arith.constant 1 : i32
    scf.for %scan3A_65 = %scan3A_12 to %scan3A_14 step %scan3A_15  : i32 {
      %mul3A_66 = arith.constant 8 : i32
      %mul3A_67 = arith.muli %scan3A_65, %mul3A_66 : i32
      %add3A_68 = arith.addi %mul3A_2, %mul3A_67 : i32
      "tpu.region"() ({
        %run_scoped3A = tpu.sem_alloc : memref<!tpu.dma_semaphore, #tpu.memory_space<semaphore_mem>>
        %dma_start3A = arith.constant 0 : i32
        %dma_start3A_75 = tpu.memref_slice %arg4[%add3A_68, %dma_start3A] : memref<2560x128xi32, #tpu.memory_space<hbm>> -> memref<8x128xi32, #tpu.memory_space<hbm>>
        %dma_start3A_76 = arith.constant 0 : i32
        %dma_start3A_77 = tpu.memref_slice %arg4[%add3A_68, %dma_start3A_76] : memref<2560x128xi32, #tpu.memory_space<hbm>> -> memref<8x128xi32, #tpu.memory_space<hbm>>
        tpu.enqueue_dma source(%dma_start3A_77 : memref<8x128xi32, #tpu.memory_space<hbm>>) target(%arg18 : memref<8x128xi32, #tpu.memory_space<vmem>>) target_semaphore(%run_scoped3A : memref<!tpu.dma_semaphore, #tpu.memory_space<semaphore_mem>>)
        %dma_wait3A = arith.constant 0 : i32
        %dma_wait3A_78 = tpu.memref_slice %arg4[%add3A_68, %dma_wait3A] : memref<2560x128xi32, #tpu.memory_space<hbm>> -> memref<8x128xi32, #tpu.memory_space<hbm>>
        %dma_wait3A_79 = arith.constant 0 : i32
        %dma_wait3A_80 = tpu.memref_slice %arg4[%add3A_68, %dma_wait3A_79] : memref<2560x128xi32, #tpu.memory_space<hbm>> -> memref<8x128xi32, #tpu.memory_space<hbm>>
        tpu.wait_dma2 semaphore(%run_scoped3A : memref<!tpu.dma_semaphore, #tpu.memory_space<semaphore_mem>>) src(%dma_wait3A_80 : memref<8x128xi32, #tpu.memory_space<hbm>>) dst(%arg18 : memref<8x128xi32, #tpu.memory_space<vmem>>)
        tpu.yield
      }) : () -> ()
      "tpu.region"() ({
        %run_scoped3A = tpu.sem_alloc : memref<!tpu.dma_semaphore, #tpu.memory_space<semaphore_mem>>
        %dma_start3A = arith.constant 0 : i32
        %dma_start3A_75 = tpu.memref_slice %arg5[%add3A_68, %dma_start3A] : memref<2560x128xi32, #tpu.memory_space<hbm>> -> memref<8x128xi32, #tpu.memory_space<hbm>>
        %dma_start3A_76 = arith.constant 0 : i32
        %dma_start3A_77 = tpu.memref_slice %arg5[%add3A_68, %dma_start3A_76] : memref<2560x128xi32, #tpu.memory_space<hbm>> -> memref<8x128xi32, #tpu.memory_space<hbm>>
        tpu.enqueue_dma source(%dma_start3A_77 : memref<8x128xi32, #tpu.memory_space<hbm>>) target(%arg19 : memref<8x128xi32, #tpu.memory_space<vmem>>) target_semaphore(%run_scoped3A : memref<!tpu.dma_semaphore, #tpu.memory_space<semaphore_mem>>)
        %dma_wait3A = arith.constant 0 : i32
        %dma_wait3A_78 = tpu.memref_slice %arg5[%add3A_68, %dma_wait3A] : memref<2560x128xi32, #tpu.memory_space<hbm>> -> memref<8x128xi32, #tpu.memory_space<hbm>>
        %dma_wait3A_79 = arith.constant 0 : i32
        %dma_wait3A_80 = tpu.memref_slice %arg5[%add3A_68, %dma_wait3A_79] : memref<2560x128xi32, #tpu.memory_space<hbm>> -> memref<8x128xi32, #tpu.memory_space<hbm>>
        tpu.wait_dma2 semaphore(%run_scoped3A : memref<!tpu.dma_semaphore, #tpu.memory_space<semaphore_mem>>) src(%dma_wait3A_80 : memref<8x128xi32, #tpu.memory_space<hbm>>) dst(%arg19 : memref<8x128xi32, #tpu.memory_space<vmem>>)
        tpu.yield
      }) : () -> ()
      %scan3A_69 = arith.constant 0 : i32
      %scan3A_70 = arith.constant 0 : i32
      %scan3A_71 = arith.constant 8 : i32
      %scan3A_72 = arith.addi %scan3A_70, %scan3A_71 : i32
      %scan3A_73 = arith.constant 1 : i32
      scf.for %scan3A_75 = %scan3A_70 to %scan3A_72 step %scan3A_73  : i32 {
        %scan3A_76 = arith.constant 0 : i32
        %scan3A_77 = arith.constant 0 : i32
        %scan3A_78 = arith.constant 8 : i32
        %scan3A_79 = arith.addi %scan3A_77, %scan3A_78 : i32
        %scan3A_80 = arith.constant 1 : i32
        scf.for %scan3A_82 = %scan3A_77 to %scan3A_79 step %scan3A_80  : i32 {
          %mul3A_83 = arith.constant 16 : i32
          %mul3A_84 = arith.muli %scan3A_82, %mul3A_83 : i32
          %get3A = arith.index_cast %scan3A_75 : i32 to index
          %get3A_85 = arith.index_cast %mul3A_84 : i32 to index
          %get3A_86 = tpu.vector_load %arg18[%get3A, %get3A_85] {strides = array<i32>} : memref<8x128xi32, #tpu.memory_space<vmem>>, vector<16xi32>,
          %mul3A_87 = arith.constant 3 : i32
          %mul3A_88 = vector.broadcast %mul3A_87 : i32 to vector<16xi32>
          %mul3A_89 = arith.muli %get3A_86, %mul3A_88 : vector<16xi32>
          %get3A_90 = arith.index_cast %scan3A_75 : i32 to index
          %get3A_91 = arith.index_cast %mul3A_84 : i32 to index
          %get3A_92 = tpu.vector_load %arg19[%get3A_90, %get3A_91] {strides = array<i32>} : memref<8x128xi32, #tpu.memory_space<vmem>>, vector<16xi32>,
          %mul3A_93 = arith.constant 4 : i32
          %mul3A_94 = vector.broadcast %mul3A_93 : i32 to vector<16xi32>
          %mul3A_95 = arith.muli %get3A_92, %mul3A_94 : vector<16xi32>
          %gather3A = tpu.vector_load_idx %arg17[%mul3A_89] : memref<30000xf32, #tpu.memory_space<vmem>>[vector<16xi32>], vector<16xf32>,
          %add3A_96 = arith.constant 1 : i32
          %add3A_97 = vector.broadcast %add3A_96 : i32 to vector<16xi32>
          %add3A_98 = arith.addi %mul3A_89, %add3A_97 : vector<16xi32>
          %gather3A_99 = tpu.vector_load_idx %arg17[%add3A_98] : memref<30000xf32, #tpu.memory_space<vmem>>[vector<16xi32>], vector<16xf32>,
          %add3A_100 = arith.constant 2 : i32
          %add3A_101 = vector.broadcast %add3A_100 : i32 to vector<16xi32>
          %add3A_102 = arith.addi %mul3A_89, %add3A_101 : vector<16xi32>
          %gather3A_103 = tpu.vector_load_idx %arg17[%add3A_102] : memref<30000xf32, #tpu.memory_space<vmem>>[vector<16xi32>], vector<16xf32>,
          tpu.vector_store_idx %arg20[%mul3A_95], %gather3A {add = true} : memref<40448xf32, #tpu.memory_space<vmem>>[vector<16xi32>], vector<16xf32>,
          %add3A_104 = arith.constant 1 : i32
          %add3A_105 = vector.broadcast %add3A_104 : i32 to vector<16xi32>
          %add3A_106 = arith.addi %mul3A_95, %add3A_105 : vector<16xi32>
          tpu.vector_store_idx %arg20[%add3A_106], %gather3A_99 {add = true} : memref<40448xf32, #tpu.memory_space<vmem>>[vector<16xi32>], vector<16xf32>,
          %add3A_107 = arith.constant 2 : i32
          %add3A_108 = vector.broadcast %add3A_107 : i32 to vector<16xi32>
          %add3A_109 = arith.addi %mul3A_95, %add3A_108 : vector<16xi32>
          tpu.vector_store_idx %arg20[%add3A_109], %gather3A_103 {add = true} : memref<40448xf32, #tpu.memory_space<vmem>>[vector<16xi32>], vector<16xf32>,
          %add3A_110 = arith.constant 3 : i32
          %add3A_111 = vector.broadcast %add3A_110 : i32 to vector<16xi32>
          %add3A_112 = arith.addi %mul3A_95, %add3A_111 : vector<16xi32>
          tpu.vector_store_idx %arg20[%add3A_112], %broadcast_in_dim3A_5 {add = true} : memref<40448xf32, #tpu.memory_space<vmem>>[vector<16xi32>], vector<16xf32>,
        }
        %scan3A_81 = arith.constant 8 : i32
      }
      %scan3A_74 = arith.constant 8 : i32
    }
    %scan3A_16 = arith.constant 10 : i32
    "tpu.region"() ({
      %run_scoped3A = tpu.sem_alloc : memref<!tpu.dma_semaphore, #tpu.memory_space<semaphore_mem>>
      %dma_start3A = arith.constant 0 : i32
      %dma_start3A_65 = tpu.memref_slice %arg12[%add3A, %dma_start3A] : memref<32x40448xf32, #tpu.memory_space<hbm>> -> memref<1x40448xf32, #tpu.memory_space<hbm>>
      %dma_start3A_66 = tpu.memref_squeeze %dma_start3A_65 : memref<1x40448xf32, #tpu.memory_space<hbm>> -> memref<40448xf32, #tpu.memory_space<hbm>>
      %dma_start3A_67 = arith.constant 0 : i32
      %dma_start3A_68 = tpu.memref_slice %arg12[%add3A, %dma_start3A_67] : memref<32x40448xf32, #tpu.memory_space<hbm>> -> memref<1x40448xf32, #tpu.memory_space<hbm>>
      %dma_start3A_69 = tpu.memref_squeeze %dma_start3A_68 : memref<1x40448xf32, #tpu.memory_space<hbm>> -> memref<40448xf32, #tpu.memory_space<hbm>>
      tpu.enqueue_dma source(%arg20 : memref<40448xf32, #tpu.memory_space<vmem>>) target(%dma_start3A_69 : memref<40448xf32, #tpu.memory_space<hbm>>) target_semaphore(%run_scoped3A : memref<!tpu.dma_semaphore, #tpu.memory_space<semaphore_mem>>)
      %dma_wait3A = arith.constant 0 : i32
      %dma_wait3A_70 = tpu.memref_slice %arg12[%add3A, %dma_wait3A] : memref<32x40448xf32, #tpu.memory_space<hbm>> -> memref<1x40448xf32, #tpu.memory_space<hbm>>
      %dma_wait3A_71 = tpu.memref_squeeze %dma_wait3A_70 : memref<1x40448xf32, #tpu.memory_space<hbm>> -> memref<40448xf32, #tpu.memory_space<hbm>>
      %dma_wait3A_72 = arith.constant 0 : i32
      %dma_wait3A_73 = tpu.memref_slice %arg12[%add3A, %dma_wait3A_72] : memref<32x40448xf32, #tpu.memory_space<hbm>> -> memref<1x40448xf32, #tpu.memory_space<hbm>>
      %dma_wait3A_74 = tpu.memref_squeeze %dma_wait3A_73 : memref<1x40448xf32, #tpu.memory_space<hbm>> -> memref<40448xf32, #tpu.memory_space<hbm>>
      tpu.wait_dma2 semaphore(%run_scoped3A : memref<!tpu.dma_semaphore, #tpu.memory_space<semaphore_mem>>) src(%arg20 : memref<40448xf32, #tpu.memory_space<vmem>>) dst(%dma_wait3A_74 : memref<40448xf32, #tpu.memory_space<hbm>>)
      tpu.yield
    }) : () -> ()
    %broadcast_in_dim3A_17 = arith.constant 0.000000e+00 : f32
    %broadcast_in_dim3A_18 = vector.broadcast %broadcast_in_dim3A_17 : f32 to vector<16xf32>
    %broadcast_in_dim3A_19 = arith.constant 1.000000e+00 : f32
    %broadcast_in_dim3A_20 = vector.broadcast %broadcast_in_dim3A_19 : f32 to vector<16xf32>
    %scan3A_21 = arith.constant 0 : i32
    %scan3A_22 = arith.constant 0 : i32
    %scan3A_23 = arith.constant 2528 : i32
    %scan3A_24 = arith.addi %scan3A_22, %scan3A_23 : i32
    %scan3A_25 = arith.constant 1 : i32
    scf.for %scan3A_65 = %scan3A_22 to %scan3A_24 step %scan3A_25  : i32 {
      %mul3A_66 = arith.constant 16 : i32
      %mul3A_67 = arith.muli %scan3A_65, %mul3A_66 : i32
      %swap3A = arith.index_cast %mul3A_67 : i32 to index
      %swap3A_68 = tpu.vector_load %arg20[%swap3A] {strides = array<i32>} : memref<40448xf32, #tpu.memory_space<vmem>>, vector<16xf32>,
      tpu.vector_store %arg20[%swap3A], %broadcast_in_dim3A_18 {strides = array<i32>} : memref<40448xf32, #tpu.memory_space<vmem>>, vector<16xf32>,
    }
    %scan3A_26 = arith.constant 2528 : i32
    %scan3A_27 = arith.constant 0 : i32
    %scan3A_28 = arith.constant 0 : i32
    %scan3A_29 = arith.constant 10 : i32
    %scan3A_30 = arith.addi %scan3A_28, %scan3A_29 : i32
    %scan3A_31 = arith.constant 1 : i32
    scf.for %scan3A_65 = %scan3A_28 to %scan3A_30 step %scan3A_31  : i32 {
      %mul3A_66 = arith.constant 8 : i32
      %mul3A_67 = arith.muli %scan3A_65, %mul3A_66 : i32
      %add3A_68 = arith.addi %mul3A_2, %mul3A_67 : i32
      "tpu.region"() ({
        %run_scoped3A = tpu.sem_alloc : memref<!tpu.dma_semaphore, #tpu.memory_space<semaphore_mem>>
        %dma_start3A = arith.constant 0 : i32
        %dma_start3A_75 = tpu.memref_slice %arg6[%add3A_68, %dma_start3A] : memref<2560x128xi32, #tpu.memory_space<hbm>> -> memref<8x128xi32, #tpu.memory_space<hbm>>
        %dma_start3A_76 = arith.constant 0 : i32
        %dma_start3A_77 = tpu.memref_slice %arg6[%add3A_68, %dma_start3A_76] : memref<2560x128xi32, #tpu.memory_space<hbm>> -> memref<8x128xi32, #tpu.memory_space<hbm>>
        tpu.enqueue_dma source(%dma_start3A_77 : memref<8x128xi32, #tpu.memory_space<hbm>>) target(%arg18 : memref<8x128xi32, #tpu.memory_space<vmem>>) target_semaphore(%run_scoped3A : memref<!tpu.dma_semaphore, #tpu.memory_space<semaphore_mem>>)
        %dma_wait3A = arith.constant 0 : i32
        %dma_wait3A_78 = tpu.memref_slice %arg6[%add3A_68, %dma_wait3A] : memref<2560x128xi32, #tpu.memory_space<hbm>> -> memref<8x128xi32, #tpu.memory_space<hbm>>
        %dma_wait3A_79 = arith.constant 0 : i32
        %dma_wait3A_80 = tpu.memref_slice %arg6[%add3A_68, %dma_wait3A_79] : memref<2560x128xi32, #tpu.memory_space<hbm>> -> memref<8x128xi32, #tpu.memory_space<hbm>>
        tpu.wait_dma2 semaphore(%run_scoped3A : memref<!tpu.dma_semaphore, #tpu.memory_space<semaphore_mem>>) src(%dma_wait3A_80 : memref<8x128xi32, #tpu.memory_space<hbm>>) dst(%arg18 : memref<8x128xi32, #tpu.memory_space<vmem>>)
        tpu.yield
      }) : () -> ()
      "tpu.region"() ({
        %run_scoped3A = tpu.sem_alloc : memref<!tpu.dma_semaphore, #tpu.memory_space<semaphore_mem>>
        %dma_start3A = arith.constant 0 : i32
        %dma_start3A_75 = tpu.memref_slice %arg7[%add3A_68, %dma_start3A] : memref<2560x128xi32, #tpu.memory_space<hbm>> -> memref<8x128xi32, #tpu.memory_space<hbm>>
        %dma_start3A_76 = arith.constant 0 : i32
        %dma_start3A_77 = tpu.memref_slice %arg7[%add3A_68, %dma_start3A_76] : memref<2560x128xi32, #tpu.memory_space<hbm>> -> memref<8x128xi32, #tpu.memory_space<hbm>>
        tpu.enqueue_dma source(%dma_start3A_77 : memref<8x128xi32, #tpu.memory_space<hbm>>) target(%arg19 : memref<8x128xi32, #tpu.memory_space<vmem>>) target_semaphore(%run_scoped3A : memref<!tpu.dma_semaphore, #tpu.memory_space<semaphore_mem>>)
        %dma_wait3A = arith.constant 0 : i32
        %dma_wait3A_78 = tpu.memref_slice %arg7[%add3A_68, %dma_wait3A] : memref<2560x128xi32, #tpu.memory_space<hbm>> -> memref<8x128xi32, #tpu.memory_space<hbm>>
        %dma_wait3A_79 = arith.constant 0 : i32
        %dma_wait3A_80 = tpu.memref_slice %arg7[%add3A_68, %dma_wait3A_79] : memref<2560x128xi32, #tpu.memory_space<hbm>> -> memref<8x128xi32, #tpu.memory_space<hbm>>
        tpu.wait_dma2 semaphore(%run_scoped3A : memref<!tpu.dma_semaphore, #tpu.memory_space<semaphore_mem>>) src(%dma_wait3A_80 : memref<8x128xi32, #tpu.memory_space<hbm>>) dst(%arg19 : memref<8x128xi32, #tpu.memory_space<vmem>>)
        tpu.yield
      }) : () -> ()
      %scan3A_69 = arith.constant 0 : i32
      %scan3A_70 = arith.constant 0 : i32
      %scan3A_71 = arith.constant 8 : i32
      %scan3A_72 = arith.addi %scan3A_70, %scan3A_71 : i32
      %scan3A_73 = arith.constant 1 : i32
      scf.for %scan3A_75 = %scan3A_70 to %scan3A_72 step %scan3A_73  : i32 {
        %scan3A_76 = arith.constant 0 : i32
        %scan3A_77 = arith.constant 0 : i32
        %scan3A_78 = arith.constant 8 : i32
        %scan3A_79 = arith.addi %scan3A_77, %scan3A_78 : i32
        %scan3A_80 = arith.constant 1 : i32
        scf.for %scan3A_82 = %scan3A_77 to %scan3A_79 step %scan3A_80  : i32 {
          %mul3A_83 = arith.constant 16 : i32
          %mul3A_84 = arith.muli %scan3A_82, %mul3A_83 : i32
          %get3A = arith.index_cast %scan3A_75 : i32 to index
          %get3A_85 = arith.index_cast %mul3A_84 : i32 to index
          %get3A_86 = tpu.vector_load %arg18[%get3A, %get3A_85] {strides = array<i32>} : memref<8x128xi32, #tpu.memory_space<vmem>>, vector<16xi32>,
          %mul3A_87 = arith.constant 3 : i32
          %mul3A_88 = vector.broadcast %mul3A_87 : i32 to vector<16xi32>
          %mul3A_89 = arith.muli %get3A_86, %mul3A_88 : vector<16xi32>
          %get3A_90 = arith.index_cast %scan3A_75 : i32 to index
          %get3A_91 = arith.index_cast %mul3A_84 : i32 to index
          %get3A_92 = tpu.vector_load %arg19[%get3A_90, %get3A_91] {strides = array<i32>} : memref<8x128xi32, #tpu.memory_space<vmem>>, vector<16xi32>,
          %mul3A_93 = arith.constant 4 : i32
          %mul3A_94 = vector.broadcast %mul3A_93 : i32 to vector<16xi32>
          %mul3A_95 = arith.muli %get3A_92, %mul3A_94 : vector<16xi32>
          %gather3A = tpu.vector_load_idx %arg16[%mul3A_89] : memref<30000xf32, #tpu.memory_space<vmem>>[vector<16xi32>], vector<16xf32>,
          %add3A_96 = arith.constant 1 : i32
          %add3A_97 = vector.broadcast %add3A_96 : i32 to vector<16xi32>
          %add3A_98 = arith.addi %mul3A_89, %add3A_97 : vector<16xi32>
          %gather3A_99 = tpu.vector_load_idx %arg16[%add3A_98] : memref<30000xf32, #tpu.memory_space<vmem>>[vector<16xi32>], vector<16xf32>,
          %add3A_100 = arith.constant 2 : i32
          %add3A_101 = vector.broadcast %add3A_100 : i32 to vector<16xi32>
          %add3A_102 = arith.addi %mul3A_89, %add3A_101 : vector<16xi32>
          %gather3A_103 = tpu.vector_load_idx %arg16[%add3A_102] : memref<30000xf32, #tpu.memory_space<vmem>>[vector<16xi32>], vector<16xf32>,
          tpu.vector_store_idx %arg20[%mul3A_95], %gather3A {add = true} : memref<40448xf32, #tpu.memory_space<vmem>>[vector<16xi32>], vector<16xf32>,
          %add3A_104 = arith.constant 1 : i32
          %add3A_105 = vector.broadcast %add3A_104 : i32 to vector<16xi32>
          %add3A_106 = arith.addi %mul3A_95, %add3A_105 : vector<16xi32>
          tpu.vector_store_idx %arg20[%add3A_106], %gather3A_99 {add = true} : memref<40448xf32, #tpu.memory_space<vmem>>[vector<16xi32>], vector<16xf32>,
          %add3A_107 = arith.constant 2 : i32
          %add3A_108 = vector.broadcast %add3A_107 : i32 to vector<16xi32>
          %add3A_109 = arith.addi %mul3A_95, %add3A_108 : vector<16xi32>
          tpu.vector_store_idx %arg20[%add3A_109], %gather3A_103 {add = true} : memref<40448xf32, #tpu.memory_space<vmem>>[vector<16xi32>], vector<16xf32>,
          %add3A_110 = arith.constant 3 : i32
          %add3A_111 = vector.broadcast %add3A_110 : i32 to vector<16xi32>
          %add3A_112 = arith.addi %mul3A_95, %add3A_111 : vector<16xi32>
          tpu.vector_store_idx %arg20[%add3A_112], %broadcast_in_dim3A_20 {add = true} : memref<40448xf32, #tpu.memory_space<vmem>>[vector<16xi32>], vector<16xf32>,
        }
        %scan3A_81 = arith.constant 8 : i32
      }
      %scan3A_74 = arith.constant 8 : i32
    }
    %scan3A_32 = arith.constant 10 : i32
    "tpu.region"() ({
      %run_scoped3A = tpu.sem_alloc : memref<!tpu.dma_semaphore, #tpu.memory_space<semaphore_mem>>
      %dma_start3A = arith.constant 0 : i32
      %dma_start3A_65 = tpu.memref_slice %arg13[%add3A, %dma_start3A] : memref<32x40448xf32, #tpu.memory_space<hbm>> -> memref<1x40448xf32, #tpu.memory_space<hbm>>
      %dma_start3A_66 = tpu.memref_squeeze %dma_start3A_65 : memref<1x40448xf32, #tpu.memory_space<hbm>> -> memref<40448xf32, #tpu.memory_space<hbm>>
      %dma_start3A_67 = arith.constant 0 : i32
      %dma_start3A_68 = tpu.memref_slice %arg13[%add3A, %dma_start3A_67] : memref<32x40448xf32, #tpu.memory_space<hbm>> -> memref<1x40448xf32, #tpu.memory_space<hbm>>
      %dma_start3A_69 = tpu.memref_squeeze %dma_start3A_68 : memref<1x40448xf32, #tpu.memory_space<hbm>> -> memref<40448xf32, #tpu.memory_space<hbm>>
      tpu.enqueue_dma source(%arg20 : memref<40448xf32, #tpu.memory_space<vmem>>) target(%dma_start3A_69 : memref<40448xf32, #tpu.memory_space<hbm>>) target_semaphore(%run_scoped3A : memref<!tpu.dma_semaphore, #tpu.memory_space<semaphore_mem>>)
      %dma_wait3A = arith.constant 0 : i32
      %dma_wait3A_70 = tpu.memref_slice %arg13[%add3A, %dma_wait3A] : memref<32x40448xf32, #tpu.memory_space<hbm>> -> memref<1x40448xf32, #tpu.memory_space<hbm>>
      %dma_wait3A_71 = tpu.memref_squeeze %dma_wait3A_70 : memref<1x40448xf32, #tpu.memory_space<hbm>> -> memref<40448xf32, #tpu.memory_space<hbm>>
      %dma_wait3A_72 = arith.constant 0 : i32
      %dma_wait3A_73 = tpu.memref_slice %arg13[%add3A, %dma_wait3A_72] : memref<32x40448xf32, #tpu.memory_space<hbm>> -> memref<1x40448xf32, #tpu.memory_space<hbm>>
      %dma_wait3A_74 = tpu.memref_squeeze %dma_wait3A_73 : memref<1x40448xf32, #tpu.memory_space<hbm>> -> memref<40448xf32, #tpu.memory_space<hbm>>
      tpu.wait_dma2 semaphore(%run_scoped3A : memref<!tpu.dma_semaphore, #tpu.memory_space<semaphore_mem>>) src(%arg20 : memref<40448xf32, #tpu.memory_space<vmem>>) dst(%dma_wait3A_74 : memref<40448xf32, #tpu.memory_space<hbm>>)
      tpu.yield
    }) : () -> ()
    %broadcast_in_dim3A_33 = arith.constant 0.000000e+00 : f32
    %broadcast_in_dim3A_34 = vector.broadcast %broadcast_in_dim3A_33 : f32 to vector<16xf32>
    %broadcast_in_dim3A_35 = arith.constant 1.000000e+00 : f32
    %broadcast_in_dim3A_36 = vector.broadcast %broadcast_in_dim3A_35 : f32 to vector<16xf32>
    %scan3A_37 = arith.constant 0 : i32
    %scan3A_38 = arith.constant 0 : i32
    %scan3A_39 = arith.constant 2528 : i32
    %scan3A_40 = arith.addi %scan3A_38, %scan3A_39 : i32
    %scan3A_41 = arith.constant 1 : i32
    scf.for %scan3A_65 = %scan3A_38 to %scan3A_40 step %scan3A_41  : i32 {
      %mul3A_66 = arith.constant 16 : i32
      %mul3A_67 = arith.muli %scan3A_65, %mul3A_66 : i32
      %swap3A = arith.index_cast %mul3A_67 : i32 to index
      %swap3A_68 = tpu.vector_load %arg20[%swap3A] {strides = array<i32>} : memref<40448xf32, #tpu.memory_space<vmem>>, vector<16xf32>,
      tpu.vector_store %arg20[%swap3A], %broadcast_in_dim3A_34 {strides = array<i32>} : memref<40448xf32, #tpu.memory_space<vmem>>, vector<16xf32>,
    }
    %scan3A_42 = arith.constant 2528 : i32
    %scan3A_43 = arith.constant 0 : i32
    %scan3A_44 = arith.constant 0 : i32
    %scan3A_45 = arith.constant 10 : i32
    %scan3A_46 = arith.addi %scan3A_44, %scan3A_45 : i32
    %scan3A_47 = arith.constant 1 : i32
    scf.for %scan3A_65 = %scan3A_44 to %scan3A_46 step %scan3A_47  : i32 {
      %mul3A_66 = arith.constant 8 : i32
      %mul3A_67 = arith.muli %scan3A_65, %mul3A_66 : i32
      %add3A_68 = arith.addi %mul3A_2, %mul3A_67 : i32
      "tpu.region"() ({
        %run_scoped3A = tpu.sem_alloc : memref<!tpu.dma_semaphore, #tpu.memory_space<semaphore_mem>>
        %dma_start3A = arith.constant 0 : i32
        %dma_start3A_75 = tpu.memref_slice %arg8[%add3A_68, %dma_start3A] : memref<2560x128xi32, #tpu.memory_space<hbm>> -> memref<8x128xi32, #tpu.memory_space<hbm>>
        %dma_start3A_76 = arith.constant 0 : i32
        %dma_start3A_77 = tpu.memref_slice %arg8[%add3A_68, %dma_start3A_76] : memref<2560x128xi32, #tpu.memory_space<hbm>> -> memref<8x128xi32, #tpu.memory_space<hbm>>
        tpu.enqueue_dma source(%dma_start3A_77 : memref<8x128xi32, #tpu.memory_space<hbm>>) target(%arg18 : memref<8x128xi32, #tpu.memory_space<vmem>>) target_semaphore(%run_scoped3A : memref<!tpu.dma_semaphore, #tpu.memory_space<semaphore_mem>>)
        %dma_wait3A = arith.constant 0 : i32
        %dma_wait3A_78 = tpu.memref_slice %arg8[%add3A_68, %dma_wait3A] : memref<2560x128xi32, #tpu.memory_space<hbm>> -> memref<8x128xi32, #tpu.memory_space<hbm>>
        %dma_wait3A_79 = arith.constant 0 : i32
        %dma_wait3A_80 = tpu.memref_slice %arg8[%add3A_68, %dma_wait3A_79] : memref<2560x128xi32, #tpu.memory_space<hbm>> -> memref<8x128xi32, #tpu.memory_space<hbm>>
        tpu.wait_dma2 semaphore(%run_scoped3A : memref<!tpu.dma_semaphore, #tpu.memory_space<semaphore_mem>>) src(%dma_wait3A_80 : memref<8x128xi32, #tpu.memory_space<hbm>>) dst(%arg18 : memref<8x128xi32, #tpu.memory_space<vmem>>)
        tpu.yield
      }) : () -> ()
      "tpu.region"() ({
        %run_scoped3A = tpu.sem_alloc : memref<!tpu.dma_semaphore, #tpu.memory_space<semaphore_mem>>
        %dma_start3A = arith.constant 0 : i32
        %dma_start3A_75 = tpu.memref_slice %arg9[%add3A_68, %dma_start3A] : memref<2560x128xi32, #tpu.memory_space<hbm>> -> memref<8x128xi32, #tpu.memory_space<hbm>>
        %dma_start3A_76 = arith.constant 0 : i32
        %dma_start3A_77 = tpu.memref_slice %arg9[%add3A_68, %dma_start3A_76] : memref<2560x128xi32, #tpu.memory_space<hbm>> -> memref<8x128xi32, #tpu.memory_space<hbm>>
        tpu.enqueue_dma source(%dma_start3A_77 : memref<8x128xi32, #tpu.memory_space<hbm>>) target(%arg19 : memref<8x128xi32, #tpu.memory_space<vmem>>) target_semaphore(%run_scoped3A : memref<!tpu.dma_semaphore, #tpu.memory_space<semaphore_mem>>)
        %dma_wait3A = arith.constant 0 : i32
        %dma_wait3A_78 = tpu.memref_slice %arg9[%add3A_68, %dma_wait3A] : memref<2560x128xi32, #tpu.memory_space<hbm>> -> memref<8x128xi32, #tpu.memory_space<hbm>>
        %dma_wait3A_79 = arith.constant 0 : i32
        %dma_wait3A_80 = tpu.memref_slice %arg9[%add3A_68, %dma_wait3A_79] : memref<2560x128xi32, #tpu.memory_space<hbm>> -> memref<8x128xi32, #tpu.memory_space<hbm>>
        tpu.wait_dma2 semaphore(%run_scoped3A : memref<!tpu.dma_semaphore, #tpu.memory_space<semaphore_mem>>) src(%dma_wait3A_80 : memref<8x128xi32, #tpu.memory_space<hbm>>) dst(%arg19 : memref<8x128xi32, #tpu.memory_space<vmem>>)
        tpu.yield
      }) : () -> ()
      %scan3A_69 = arith.constant 0 : i32
      %scan3A_70 = arith.constant 0 : i32
      %scan3A_71 = arith.constant 8 : i32
      %scan3A_72 = arith.addi %scan3A_70, %scan3A_71 : i32
      %scan3A_73 = arith.constant 1 : i32
      scf.for %scan3A_75 = %scan3A_70 to %scan3A_72 step %scan3A_73  : i32 {
        %scan3A_76 = arith.constant 0 : i32
        %scan3A_77 = arith.constant 0 : i32
        %scan3A_78 = arith.constant 8 : i32
        %scan3A_79 = arith.addi %scan3A_77, %scan3A_78 : i32
        %scan3A_80 = arith.constant 1 : i32
        scf.for %scan3A_82 = %scan3A_77 to %scan3A_79 step %scan3A_80  : i32 {
          %mul3A_83 = arith.constant 16 : i32
          %mul3A_84 = arith.muli %scan3A_82, %mul3A_83 : i32
          %get3A = arith.index_cast %scan3A_75 : i32 to index
          %get3A_85 = arith.index_cast %mul3A_84 : i32 to index
          %get3A_86 = tpu.vector_load %arg18[%get3A, %get3A_85] {strides = array<i32>} : memref<8x128xi32, #tpu.memory_space<vmem>>, vector<16xi32>,
          %mul3A_87 = arith.constant 3 : i32
          %mul3A_88 = vector.broadcast %mul3A_87 : i32 to vector<16xi32>
          %mul3A_89 = arith.muli %get3A_86, %mul3A_88 : vector<16xi32>
          %get3A_90 = arith.index_cast %scan3A_75 : i32 to index
          %get3A_91 = arith.index_cast %mul3A_84 : i32 to index
          %get3A_92 = tpu.vector_load %arg19[%get3A_90, %get3A_91] {strides = array<i32>} : memref<8x128xi32, #tpu.memory_space<vmem>>, vector<16xi32>,
          %mul3A_93 = arith.constant 4 : i32
          %mul3A_94 = vector.broadcast %mul3A_93 : i32 to vector<16xi32>
          %mul3A_95 = arith.muli %get3A_92, %mul3A_94 : vector<16xi32>
          %gather3A = tpu.vector_load_idx %arg16[%mul3A_89] : memref<30000xf32, #tpu.memory_space<vmem>>[vector<16xi32>], vector<16xf32>,
          %add3A_96 = arith.constant 1 : i32
          %add3A_97 = vector.broadcast %add3A_96 : i32 to vector<16xi32>
          %add3A_98 = arith.addi %mul3A_89, %add3A_97 : vector<16xi32>
          %gather3A_99 = tpu.vector_load_idx %arg16[%add3A_98] : memref<30000xf32, #tpu.memory_space<vmem>>[vector<16xi32>], vector<16xf32>,
          %add3A_100 = arith.constant 2 : i32
          %add3A_101 = vector.broadcast %add3A_100 : i32 to vector<16xi32>
          %add3A_102 = arith.addi %mul3A_89, %add3A_101 : vector<16xi32>
          %gather3A_103 = tpu.vector_load_idx %arg16[%add3A_102] : memref<30000xf32, #tpu.memory_space<vmem>>[vector<16xi32>], vector<16xf32>,
          tpu.vector_store_idx %arg20[%mul3A_95], %gather3A {add = true} : memref<40448xf32, #tpu.memory_space<vmem>>[vector<16xi32>], vector<16xf32>,
          %add3A_104 = arith.constant 1 : i32
          %add3A_105 = vector.broadcast %add3A_104 : i32 to vector<16xi32>
          %add3A_106 = arith.addi %mul3A_95, %add3A_105 : vector<16xi32>
          tpu.vector_store_idx %arg20[%add3A_106], %gather3A_99 {add = true} : memref<40448xf32, #tpu.memory_space<vmem>>[vector<16xi32>], vector<16xf32>,
          %add3A_107 = arith.constant 2 : i32
          %add3A_108 = vector.broadcast %add3A_107 : i32 to vector<16xi32>
          %add3A_109 = arith.addi %mul3A_95, %add3A_108 : vector<16xi32>
          tpu.vector_store_idx %arg20[%add3A_109], %gather3A_103 {add = true} : memref<40448xf32, #tpu.memory_space<vmem>>[vector<16xi32>], vector<16xf32>,
          %add3A_110 = arith.constant 3 : i32
          %add3A_111 = vector.broadcast %add3A_110 : i32 to vector<16xi32>
          %add3A_112 = arith.addi %mul3A_95, %add3A_111 : vector<16xi32>
          tpu.vector_store_idx %arg20[%add3A_112], %broadcast_in_dim3A_36 {add = true} : memref<40448xf32, #tpu.memory_space<vmem>>[vector<16xi32>], vector<16xf32>,
        }
        %scan3A_81 = arith.constant 8 : i32
      }
      %scan3A_74 = arith.constant 8 : i32
    }
    %scan3A_48 = arith.constant 10 : i32
    "tpu.region"() ({
      %run_scoped3A = tpu.sem_alloc : memref<!tpu.dma_semaphore, #tpu.memory_space<semaphore_mem>>
      %dma_start3A = arith.constant 0 : i32
      %dma_start3A_65 = tpu.memref_slice %arg14[%add3A, %dma_start3A] : memref<32x40448xf32, #tpu.memory_space<hbm>> -> memref<1x40448xf32, #tpu.memory_space<hbm>>
      %dma_start3A_66 = tpu.memref_squeeze %dma_start3A_65 : memref<1x40448xf32, #tpu.memory_space<hbm>> -> memref<40448xf32, #tpu.memory_space<hbm>>
      %dma_start3A_67 = arith.constant 0 : i32
      %dma_start3A_68 = tpu.memref_slice %arg14[%add3A, %dma_start3A_67] : memref<32x40448xf32, #tpu.memory_space<hbm>> -> memref<1x40448xf32, #tpu.memory_space<hbm>>
      %dma_start3A_69 = tpu.memref_squeeze %dma_start3A_68 : memref<1x40448xf32, #tpu.memory_space<hbm>> -> memref<40448xf32, #tpu.memory_space<hbm>>
      tpu.enqueue_dma source(%arg20 : memref<40448xf32, #tpu.memory_space<vmem>>) target(%dma_start3A_69 : memref<40448xf32, #tpu.memory_space<hbm>>) target_semaphore(%run_scoped3A : memref<!tpu.dma_semaphore, #tpu.memory_space<semaphore_mem>>)
      %dma_wait3A = arith.constant 0 : i32
      %dma_wait3A_70 = tpu.memref_slice %arg14[%add3A, %dma_wait3A] : memref<32x40448xf32, #tpu.memory_space<hbm>> -> memref<1x40448xf32, #tpu.memory_space<hbm>>
      %dma_wait3A_71 = tpu.memref_squeeze %dma_wait3A_70 : memref<1x40448xf32, #tpu.memory_space<hbm>> -> memref<40448xf32, #tpu.memory_space<hbm>>
      %dma_wait3A_72 = arith.constant 0 : i32
      %dma_wait3A_73 = tpu.memref_slice %arg14[%add3A, %dma_wait3A_72] : memref<32x40448xf32, #tpu.memory_space<hbm>> -> memref<1x40448xf32, #tpu.memory_space<hbm>>
      %dma_wait3A_74 = tpu.memref_squeeze %dma_wait3A_73 : memref<1x40448xf32, #tpu.memory_space<hbm>> -> memref<40448xf32, #tpu.memory_space<hbm>>
      tpu.wait_dma2 semaphore(%run_scoped3A : memref<!tpu.dma_semaphore, #tpu.memory_space<semaphore_mem>>) src(%arg20 : memref<40448xf32, #tpu.memory_space<vmem>>) dst(%dma_wait3A_74 : memref<40448xf32, #tpu.memory_space<hbm>>)
      tpu.yield
    }) : () -> ()
    %broadcast_in_dim3A_49 = arith.constant 0.000000e+00 : f32
    %broadcast_in_dim3A_50 = vector.broadcast %broadcast_in_dim3A_49 : f32 to vector<16xf32>
    %broadcast_in_dim3A_51 = arith.constant 1.000000e+00 : f32
    %broadcast_in_dim3A_52 = vector.broadcast %broadcast_in_dim3A_51 : f32 to vector<16xf32>
    %scan3A_53 = arith.constant 0 : i32
    %scan3A_54 = arith.constant 0 : i32
    %scan3A_55 = arith.constant 2528 : i32
    %scan3A_56 = arith.addi %scan3A_54, %scan3A_55 : i32
    %scan3A_57 = arith.constant 1 : i32
    scf.for %scan3A_65 = %scan3A_54 to %scan3A_56 step %scan3A_57  : i32 {
      %mul3A_66 = arith.constant 16 : i32
      %mul3A_67 = arith.muli %scan3A_65, %mul3A_66 : i32
      %swap3A = arith.index_cast %mul3A_67 : i32 to index
      %swap3A_68 = tpu.vector_load %arg20[%swap3A] {strides = array<i32>} : memref<40448xf32, #tpu.memory_space<vmem>>, vector<16xf32>,
      tpu.vector_store %arg20[%swap3A], %broadcast_in_dim3A_50 {strides = array<i32>} : memref<40448xf32, #tpu.memory_space<vmem>>, vector<16xf32>,
    }
    %scan3A_58 = arith.constant 2528 : i32
    %scan3A_59 = arith.constant 0 : i32
    %scan3A_60 = arith.constant 0 : i32
    %scan3A_61 = arith.constant 10 : i32
    %scan3A_62 = arith.addi %scan3A_60, %scan3A_61 : i32
    %scan3A_63 = arith.constant 1 : i32
    scf.for %scan3A_65 = %scan3A_60 to %scan3A_62 step %scan3A_63  : i32 {
      %mul3A_66 = arith.constant 8 : i32
      %mul3A_67 = arith.muli %scan3A_65, %mul3A_66 : i32
      %add3A_68 = arith.addi %mul3A_2, %mul3A_67 : i32
      "tpu.region"() ({
        %run_scoped3A = tpu.sem_alloc : memref<!tpu.dma_semaphore, #tpu.memory_space<semaphore_mem>>
        %dma_start3A = arith.constant 0 : i32
        %dma_start3A_75 = tpu.memref_slice %arg10[%add3A_68, %dma_start3A] : memref<2560x128xi32, #tpu.memory_space<hbm>> -> memref<8x128xi32, #tpu.memory_space<hbm>>
        %dma_start3A_76 = arith.constant 0 : i32
        %dma_start3A_77 = tpu.memref_slice %arg10[%add3A_68, %dma_start3A_76] : memref<2560x128xi32, #tpu.memory_space<hbm>> -> memref<8x128xi32, #tpu.memory_space<hbm>>
        tpu.enqueue_dma source(%dma_start3A_77 : memref<8x128xi32, #tpu.memory_space<hbm>>) target(%arg18 : memref<8x128xi32, #tpu.memory_space<vmem>>) target_semaphore(%run_scoped3A : memref<!tpu.dma_semaphore, #tpu.memory_space<semaphore_mem>>)
        %dma_wait3A = arith.constant 0 : i32
        %dma_wait3A_78 = tpu.memref_slice %arg10[%add3A_68, %dma_wait3A] : memref<2560x128xi32, #tpu.memory_space<hbm>> -> memref<8x128xi32, #tpu.memory_space<hbm>>
        %dma_wait3A_79 = arith.constant 0 : i32
        %dma_wait3A_80 = tpu.memref_slice %arg10[%add3A_68, %dma_wait3A_79] : memref<2560x128xi32, #tpu.memory_space<hbm>> -> memref<8x128xi32, #tpu.memory_space<hbm>>
        tpu.wait_dma2 semaphore(%run_scoped3A : memref<!tpu.dma_semaphore, #tpu.memory_space<semaphore_mem>>) src(%dma_wait3A_80 : memref<8x128xi32, #tpu.memory_space<hbm>>) dst(%arg18 : memref<8x128xi32, #tpu.memory_space<vmem>>)
        tpu.yield
      }) : () -> ()
      "tpu.region"() ({
        %run_scoped3A = tpu.sem_alloc : memref<!tpu.dma_semaphore, #tpu.memory_space<semaphore_mem>>
        %dma_start3A = arith.constant 0 : i32
        %dma_start3A_75 = tpu.memref_slice %arg11[%add3A_68, %dma_start3A] : memref<2560x128xi32, #tpu.memory_space<hbm>> -> memref<8x128xi32, #tpu.memory_space<hbm>>
        %dma_start3A_76 = arith.constant 0 : i32
        %dma_start3A_77 = tpu.memref_slice %arg11[%add3A_68, %dma_start3A_76] : memref<2560x128xi32, #tpu.memory_space<hbm>> -> memref<8x128xi32, #tpu.memory_space<hbm>>
        tpu.enqueue_dma source(%dma_start3A_77 : memref<8x128xi32, #tpu.memory_space<hbm>>) target(%arg19 : memref<8x128xi32, #tpu.memory_space<vmem>>) target_semaphore(%run_scoped3A : memref<!tpu.dma_semaphore, #tpu.memory_space<semaphore_mem>>)
        %dma_wait3A = arith.constant 0 : i32
        %dma_wait3A_78 = tpu.memref_slice %arg11[%add3A_68, %dma_wait3A] : memref<2560x128xi32, #tpu.memory_space<hbm>> -> memref<8x128xi32, #tpu.memory_space<hbm>>
        %dma_wait3A_79 = arith.constant 0 : i32
        %dma_wait3A_80 = tpu.memref_slice %arg11[%add3A_68, %dma_wait3A_79] : memref<2560x128xi32, #tpu.memory_space<hbm>> -> memref<8x128xi32, #tpu.memory_space<hbm>>
        tpu.wait_dma2 semaphore(%run_scoped3A : memref<!tpu.dma_semaphore, #tpu.memory_space<semaphore_mem>>) src(%dma_wait3A_80 : memref<8x128xi32, #tpu.memory_space<hbm>>) dst(%arg19 : memref<8x128xi32, #tpu.memory_space<vmem>>)
        tpu.yield
      }) : () -> ()
      %scan3A_69 = arith.constant 0 : i32
      %scan3A_70 = arith.constant 0 : i32
      %scan3A_71 = arith.constant 8 : i32
      %scan3A_72 = arith.addi %scan3A_70, %scan3A_71 : i32
      %scan3A_73 = arith.constant 1 : i32
      scf.for %scan3A_75 = %scan3A_70 to %scan3A_72 step %scan3A_73  : i32 {
        %scan3A_76 = arith.constant 0 : i32
        %scan3A_77 = arith.constant 0 : i32
        %scan3A_78 = arith.constant 8 : i32
        %scan3A_79 = arith.addi %scan3A_77, %scan3A_78 : i32
        %scan3A_80 = arith.constant 1 : i32
        scf.for %scan3A_82 = %scan3A_77 to %scan3A_79 step %scan3A_80  : i32 {
          %mul3A_83 = arith.constant 16 : i32
          %mul3A_84 = arith.muli %scan3A_82, %mul3A_83 : i32
          %get3A = arith.index_cast %scan3A_75 : i32 to index
          %get3A_85 = arith.index_cast %mul3A_84 : i32 to index
          %get3A_86 = tpu.vector_load %arg18[%get3A, %get3A_85] {strides = array<i32>} : memref<8x128xi32, #tpu.memory_space<vmem>>, vector<16xi32>,
          %mul3A_87 = arith.constant 3 : i32
          %mul3A_88 = vector.broadcast %mul3A_87 : i32 to vector<16xi32>
          %mul3A_89 = arith.muli %get3A_86, %mul3A_88 : vector<16xi32>
          %get3A_90 = arith.index_cast %scan3A_75 : i32 to index
          %get3A_91 = arith.index_cast %mul3A_84 : i32 to index
          %get3A_92 = tpu.vector_load %arg19[%get3A_90, %get3A_91] {strides = array<i32>} : memref<8x128xi32, #tpu.memory_space<vmem>>, vector<16xi32>,
          %mul3A_93 = arith.constant 4 : i32
          %mul3A_94 = vector.broadcast %mul3A_93 : i32 to vector<16xi32>
          %mul3A_95 = arith.muli %get3A_92, %mul3A_94 : vector<16xi32>
          %gather3A = tpu.vector_load_idx %arg17[%mul3A_89] : memref<30000xf32, #tpu.memory_space<vmem>>[vector<16xi32>], vector<16xf32>,
          %add3A_96 = arith.constant 1 : i32
          %add3A_97 = vector.broadcast %add3A_96 : i32 to vector<16xi32>
          %add3A_98 = arith.addi %mul3A_89, %add3A_97 : vector<16xi32>
          %gather3A_99 = tpu.vector_load_idx %arg17[%add3A_98] : memref<30000xf32, #tpu.memory_space<vmem>>[vector<16xi32>], vector<16xf32>,
          %add3A_100 = arith.constant 2 : i32
          %add3A_101 = vector.broadcast %add3A_100 : i32 to vector<16xi32>
          %add3A_102 = arith.addi %mul3A_89, %add3A_101 : vector<16xi32>
          %gather3A_103 = tpu.vector_load_idx %arg17[%add3A_102] : memref<30000xf32, #tpu.memory_space<vmem>>[vector<16xi32>], vector<16xf32>,
          tpu.vector_store_idx %arg20[%mul3A_95], %gather3A {add = true} : memref<40448xf32, #tpu.memory_space<vmem>>[vector<16xi32>], vector<16xf32>,
          %add3A_104 = arith.constant 1 : i32
          %add3A_105 = vector.broadcast %add3A_104 : i32 to vector<16xi32>
          %add3A_106 = arith.addi %mul3A_95, %add3A_105 : vector<16xi32>
          tpu.vector_store_idx %arg20[%add3A_106], %gather3A_99 {add = true} : memref<40448xf32, #tpu.memory_space<vmem>>[vector<16xi32>], vector<16xf32>,
          %add3A_107 = arith.constant 2 : i32
          %add3A_108 = vector.broadcast %add3A_107 : i32 to vector<16xi32>
          %add3A_109 = arith.addi %mul3A_95, %add3A_108 : vector<16xi32>
          tpu.vector_store_idx %arg20[%add3A_109], %gather3A_103 {add = true} : memref<40448xf32, #tpu.memory_space<vmem>>[vector<16xi32>], vector<16xf32>,
          %add3A_110 = arith.constant 3 : i32
          %add3A_111 = vector.broadcast %add3A_110 : i32 to vector<16xi32>
          %add3A_112 = arith.addi %mul3A_95, %add3A_111 : vector<16xi32>
          tpu.vector_store_idx %arg20[%add3A_112], %broadcast_in_dim3A_52 {add = true} : memref<40448xf32, #tpu.memory_space<vmem>>[vector<16xi32>], vector<16xf32>,
        }
        %scan3A_81 = arith.constant 8 : i32
      }
      %scan3A_74 = arith.constant 8 : i32
    }
    %scan3A_64 = arith.constant 10 : i32
    "tpu.region"() ({
      %run_scoped3A = tpu.sem_alloc : memref<!tpu.dma_semaphore, #tpu.memory_space<semaphore_mem>>
      %dma_start3A = arith.constant 0 : i32
      %dma_start3A_65 = tpu.memref_slice %arg15[%add3A, %dma_start3A] : memref<32x40448xf32, #tpu.memory_space<hbm>> -> memref<1x40448xf32, #tpu.memory_space<hbm>>
      %dma_start3A_66 = tpu.memref_squeeze %dma_start3A_65 : memref<1x40448xf32, #tpu.memory_space<hbm>> -> memref<40448xf32, #tpu.memory_space<hbm>>
      %dma_start3A_67 = arith.constant 0 : i32
      %dma_start3A_68 = tpu.memref_slice %arg15[%add3A, %dma_start3A_67] : memref<32x40448xf32, #tpu.memory_space<hbm>> -> memref<1x40448xf32, #tpu.memory_space<hbm>>
      %dma_start3A_69 = tpu.memref_squeeze %dma_start3A_68 : memref<1x40448xf32, #tpu.memory_space<hbm>> -> memref<40448xf32, #tpu.memory_space<hbm>>
      tpu.enqueue_dma source(%arg20 : memref<40448xf32, #tpu.memory_space<vmem>>) target(%dma_start3A_69 : memref<40448xf32, #tpu.memory_space<hbm>>) target_semaphore(%run_scoped3A : memref<!tpu.dma_semaphore, #tpu.memory_space<semaphore_mem>>)
      %dma_wait3A = arith.constant 0 : i32
      %dma_wait3A_70 = tpu.memref_slice %arg15[%add3A, %dma_wait3A] : memref<32x40448xf32, #tpu.memory_space<hbm>> -> memref<1x40448xf32, #tpu.memory_space<hbm>>
      %dma_wait3A_71 = tpu.memref_squeeze %dma_wait3A_70 : memref<1x40448xf32, #tpu.memory_space<hbm>> -> memref<40448xf32, #tpu.memory_space<hbm>>
      %dma_wait3A_72 = arith.constant 0 : i32
      %dma_wait3A_73 = tpu.memref_slice %arg15[%add3A, %dma_wait3A_72] : memref<32x40448xf32, #tpu.memory_space<hbm>> -> memref<1x40448xf32, #tpu.memory_space<hbm>>
      %dma_wait3A_74 = tpu.memref_squeeze %dma_wait3A_73 : memref<1x40448xf32, #tpu.memory_space<hbm>> -> memref<40448xf32, #tpu.memory_space<hbm>>
      tpu.wait_dma2 semaphore(%run_scoped3A : memref<!tpu.dma_semaphore, #tpu.memory_space<semaphore_mem>>) src(%arg20 : memref<40448xf32, #tpu.memory_space<vmem>>) dst(%dma_wait3A_74 : memref<40448xf32, #tpu.memory_space<hbm>>)
      tpu.yield
    }) : () -> ()
    return
  }
}

module attributes {stable_mosaic.version = 14 : i64} {
  func.func @hetero_tc_merge(%arg0: i32, %arg1: memref<2000x3xf32, #tpu.memory_space<vmem>>, %arg2: memref<2x2000x96xf32, #tpu.memory_space<vmem>>, %arg3: memref<2000x128xf32, #tpu.memory_space<vmem>>, %arg4: memref<2000x128xf32, #tpu.memory_space<vmem>>, %arg5: memref<3x64xf32, #tpu.memory_space<vmem>>, %arg6: memref<3x64xf32, #tpu.memory_space<vmem>>, %arg7: memref<96x64xf32, #tpu.memory_space<vmem>>, %arg8: memref<3x64xf32, #tpu.memory_space<vmem>>, %arg9: memref<1x64xf32, #tpu.memory_space<vmem>>, %arg10: memref<2000x64xf32, #tpu.memory_space<vmem>>) attributes {dimension_semantics = [#tpu.dimension_semantics<arbitrary>], iteration_bounds = array<i64: 5>, scalar_prefetch = 0 : i64, scratch_operands = 0 : i64, tpu.core_type = #tpu.core_type<tc>, window_params = [{transform_indices = @transform_0, window_bounds = array<i64: 2000, 3>}, {transform_indices = @transform_1, window_bounds = array<i64: 2, 2000, 96>}, {transform_indices = @transform_2, window_bounds = array<i64: 2000, 128>}, {transform_indices = @transform_3, window_bounds = array<i64: 2000, 128>}, {pipeline_mode = #tpu.pipeline_mode<synchronous>, transform_indices = @transform_4, window_bounds = array<i64: 3, 64>}, {pipeline_mode = #tpu.pipeline_mode<synchronous>, transform_indices = @transform_5, window_bounds = array<i64: 3, 64>}, {pipeline_mode = #tpu.pipeline_mode<synchronous>, transform_indices = @transform_6, window_bounds = array<i64: 96, 64>}, {pipeline_mode = #tpu.pipeline_mode<synchronous>, transform_indices = @transform_7, window_bounds = array<i64: 3, 64>}, {pipeline_mode = #tpu.pipeline_mode<synchronous>, transform_indices = @transform_8, window_bounds = array<i64: 1, 64>}, {transform_indices = @transform_9, window_bounds = array<i64: 2000, 64>}]} {
    %get3A = arith.constant 0 : index
    %get3A_0 = arith.constant 0 : index
    %get3A_1 = arith.constant 0 : index
    %get3A_2 = vector.load %arg2[%get3A, %get3A_0, %get3A_1] : memref<2x2000x96xf32, #tpu.memory_space<vmem>>, vector<1x2000x96xf32>
    %get3A_3 = vector.shape_cast %get3A_2 : vector<1x2000x96xf32> to vector<2000x96xf32>
    %get3A_4 = arith.constant 1 : index
    %get3A_5 = arith.constant 0 : index
    %get3A_6 = arith.constant 0 : index
    %get3A_7 = vector.load %arg2[%get3A_4, %get3A_5, %get3A_6] : memref<2x2000x96xf32, #tpu.memory_space<vmem>>, vector<1x2000x96xf32>
    %get3A_8 = vector.shape_cast %get3A_7 : vector<1x2000x96xf32> to vector<2000x96xf32>
    %add3A = arith.addf %get3A_3, %get3A_8 : vector<2000x96xf32>
    %iota3A = tpu.iota {dimensions = array<i32: 0>} : vector<128x4xi32>
    %jit3A = arith.constant 4 : i32
    %eq3A = arith.constant 0 : i32
    %eq3A_9 = arith.cmpi eq, %jit3A, %eq3A : i32
    %jit3A_10 = arith.constant 1 : i32
    %select_n3A = arith.select %eq3A_9, %jit3A_10, %jit3A : i32
    %rem3A = vector.broadcast %select_n3A : i32 to vector<128x4xi32>
    %rem3A_11 = arith.remsi %iota3A, %rem3A : vector<128x4xi32>
    %ne3A = arith.constant 0 : i32
    %ne3A_12 = vector.broadcast %ne3A : i32 to vector<128x4xi32>
    %ne3A_13 = arith.cmpi ne, %rem3A_11, %ne3A_12 : vector<128x4xi32>
    %lt3A = arith.constant 0 : i32
    %lt3A_14 = vector.broadcast %lt3A : i32 to vector<128x4xi32>
    %lt3A_15 = arith.cmpi slt, %rem3A_11, %lt3A_14 : vector<128x4xi32>
    %lt3A_16 = arith.constant 0 : i32
    %lt3A_17 = arith.cmpi slt, %select_n3A, %lt3A_16 : i32
    %ne3A_18 = vector.broadcast %lt3A_17 : i1 to vector<128x4xi1>
    %ne3A_19 = vector.broadcast %ne3A_18 : vector<128x4xi1> to vector<128x4xi1>
    %ne3A_20 = arith.xori %lt3A_15, %ne3A_19 : vector<128x4xi1>
    %and3A = arith.andi %ne3A_20, %ne3A_13 : vector<128x4xi1>
    %add3A_21 = vector.broadcast %select_n3A : i32 to vector<128x4xi32>
    %add3A_22 = arith.addi %rem3A_11, %add3A_21 : vector<128x4xi32>
    %select_n3A_23 = arith.select %and3A, %add3A_22, %rem3A_11 : vector<128x4xi1>, vector<128x4xi32>
    %iota3A_24 = tpu.iota {dimensions = array<i32: 1>} : vector<128x4xi32>
    %eq3A_25 = arith.cmpi eq, %select_n3A_23, %iota3A_24 : vector<128x4xi32>
    %convert_element_type3A = arith.extui %eq3A_25 : vector<128x4xi1> to vector<128x4xi32>
    %convert_element_type3A_26 = arith.sitofp %convert_element_type3A : vector<128x4xi32> to vector<128x4xf32>
    %get3A_27 = arith.constant 0 : index
    %get3A_28 = arith.constant 0 : index
    %get3A_29 = vector.load %arg3[%get3A_27, %get3A_28] : memref<2000x128xf32, #tpu.memory_space<vmem>>, vector<2000x128xf32>
    %dot_general3A = arith.constant dense<0.000000e+00> : vector<2000x4xf32>
    %dot_general3A_30 = tpu.matmul %get3A_29, %convert_element_type3A_26, %dot_general3A {dimension_numbers = #tpu.dot_dimension_numbers<[1], [0], [0], [1], [0, 0, 1, 1], [], []>, transpose_lhs_hint = false} : vector<2000x128xf32>, vector<128x4xf32>, vector<2000x4xf32> -> vector<2000x4xf32>
    %get3A_31 = arith.constant 0 : index
    %get3A_32 = arith.constant 0 : index
    %get3A_33 = vector.load %arg4[%get3A_31, %get3A_32] : memref<2000x128xf32, #tpu.memory_space<vmem>>, vector<2000x128xf32>
    %dot_general3A_34 = arith.constant dense<0.000000e+00> : vector<2000x4xf32>
    %dot_general3A_35 = tpu.matmul %get3A_33, %convert_element_type3A_26, %dot_general3A_34 {dimension_numbers = #tpu.dot_dimension_numbers<[1], [0], [0], [1], [0, 0, 1, 1], [], []>, transpose_lhs_hint = false} : vector<2000x128xf32>, vector<128x4xf32>, vector<2000x4xf32> -> vector<2000x4xf32>
    %slice3A = vector.extract_strided_slice %dot_general3A_30 {offsets = [0, 3], sizes = [2000, 1], strides = [1, 1]} : vector<2000x4xf32> to vector<2000x1xf32>
    %max3A = arith.constant 1.000000e+00 : f32
    %max3A_36 = vector.broadcast %max3A : f32 to vector<2000x1xf32>
    %max3A_37 = arith.maximumf %slice3A, %max3A_36 : vector<2000x1xf32>
    %slice3A_38 = vector.extract_strided_slice %dot_general3A_35 {offsets = [0, 3], sizes = [2000, 1], strides = [1, 1]} : vector<2000x4xf32> to vector<2000x1xf32>
    %max3A_39 = arith.constant 1.000000e+00 : f32
    %max3A_40 = vector.broadcast %max3A_39 : f32 to vector<2000x1xf32>
    %max3A_41 = arith.maximumf %slice3A_38, %max3A_40 : vector<2000x1xf32>
    %get3A_42 = arith.constant 0 : index
    %get3A_43 = arith.constant 0 : index
    %get3A_44 = vector.load %arg1[%get3A_42, %get3A_43] : memref<2000x3xf32, #tpu.memory_space<vmem>>, vector<2000x3xf32>
    %get3A_45 = arith.constant 0 : index
    %get3A_46 = arith.constant 0 : index
    %get3A_47 = vector.load %arg5[%get3A_45, %get3A_46] : memref<3x64xf32, #tpu.memory_space<vmem>>, vector<3x64xf32>
    %dot_general3A_48 = arith.constant dense<0.000000e+00> : vector<2000x64xf32>
    %dot_general3A_49 = tpu.matmul %get3A_44, %get3A_47, %dot_general3A_48 {dimension_numbers = #tpu.dot_dimension_numbers<[1], [0], [0], [1], [0, 0, 1, 1], [], []>, transpose_lhs_hint = false} : vector<2000x3xf32>, vector<3x64xf32>, vector<2000x64xf32> -> vector<2000x64xf32>
    %slice3A_50 = vector.extract_strided_slice %dot_general3A_35 {offsets = [0, 0], sizes = [2000, 3], strides = [1, 1]} : vector<2000x4xf32> to vector<2000x3xf32>
    %div3A = vector.broadcast %max3A_41 : vector<2000x1xf32> to vector<2000x3xf32>
    %div3A_51 = arith.divf %slice3A_50, %div3A : vector<2000x3xf32>
    %get3A_52 = arith.constant 0 : index
    %get3A_53 = arith.constant 0 : index
    %get3A_54 = vector.load %arg6[%get3A_52, %get3A_53] : memref<3x64xf32, #tpu.memory_space<vmem>>, vector<3x64xf32>
    %dot_general3A_55 = arith.constant dense<0.000000e+00> : vector<2000x64xf32>
    %dot_general3A_56 = tpu.matmul %div3A_51, %get3A_54, %dot_general3A_55 {dimension_numbers = #tpu.dot_dimension_numbers<[1], [0], [0], [1], [0, 0, 1, 1], [], []>, transpose_lhs_hint = false} : vector<2000x3xf32>, vector<3x64xf32>, vector<2000x64xf32> -> vector<2000x64xf32>
    %add3A_57 = arith.addf %dot_general3A_49, %dot_general3A_56 : vector<2000x64xf32>
    %div3A_58 = vector.broadcast %max3A_37 : vector<2000x1xf32> to vector<2000x96xf32>
    %div3A_59 = arith.divf %add3A, %div3A_58 : vector<2000x96xf32>
    %get3A_60 = arith.constant 0 : index
    %get3A_61 = arith.constant 0 : index
    %get3A_62 = vector.load %arg7[%get3A_60, %get3A_61] : memref<96x64xf32, #tpu.memory_space<vmem>>, vector<96x64xf32>
    %dot_general3A_63 = arith.constant dense<0.000000e+00> : vector<2000x64xf32>
    %dot_general3A_64 = tpu.matmul %div3A_59, %get3A_62, %dot_general3A_63 {dimension_numbers = #tpu.dot_dimension_numbers<[1], [0], [0], [1], [0, 0, 1, 1], [], []>, transpose_lhs_hint = false} : vector<2000x96xf32>, vector<96x64xf32>, vector<2000x64xf32> -> vector<2000x64xf32>
    %add3A_65 = arith.addf %add3A_57, %dot_general3A_64 : vector<2000x64xf32>
    %slice3A_66 = vector.extract_strided_slice %dot_general3A_30 {offsets = [0, 0], sizes = [2000, 3], strides = [1, 1]} : vector<2000x4xf32> to vector<2000x3xf32>
    %div3A_67 = vector.broadcast %max3A_37 : vector<2000x1xf32> to vector<2000x3xf32>
    %div3A_68 = arith.divf %slice3A_66, %div3A_67 : vector<2000x3xf32>
    %get3A_69 = arith.constant 0 : index
    %get3A_70 = arith.constant 0 : index
    %get3A_71 = vector.load %arg8[%get3A_69, %get3A_70] : memref<3x64xf32, #tpu.memory_space<vmem>>, vector<3x64xf32>
    %dot_general3A_72 = arith.constant dense<0.000000e+00> : vector<2000x64xf32>
    %dot_general3A_73 = tpu.matmul %div3A_68, %get3A_71, %dot_general3A_72 {dimension_numbers = #tpu.dot_dimension_numbers<[1], [0], [0], [1], [0, 0, 1, 1], [], []>, transpose_lhs_hint = false} : vector<2000x3xf32>, vector<3x64xf32>, vector<2000x64xf32> -> vector<2000x64xf32>
    %add3A_74 = arith.addf %add3A_65, %dot_general3A_73 : vector<2000x64xf32>
    %get3A_75 = arith.constant 0 : index
    %get3A_76 = arith.constant 0 : index
    %get3A_77 = vector.load %arg9[%get3A_75, %get3A_76] : memref<1x64xf32, #tpu.memory_space<vmem>>, vector<1x64xf32>
    %add3A_78 = vector.broadcast %get3A_77 : vector<1x64xf32> to vector<2000x64xf32>
    %add3A_79 = arith.addf %add3A_74, %add3A_78 : vector<2000x64xf32>
    %swap3A = arith.constant 0 : index
    %swap3A_80 = arith.constant 0 : index
    %swap3A_81 = vector.load %arg10[%swap3A, %swap3A_80] : memref<2000x64xf32, #tpu.memory_space<vmem>>, vector<2000x64xf32>
    tpu.vector_store %arg10[%swap3A, %swap3A_80], %add3A_79 {strides = array<i32>} : memref<2000x64xf32, #tpu.memory_space<vmem>>, vector<2000x64xf32>,
    return
  }
  func.func @transform_0(%arg0: i32) -> (i32, i32) {
    %c0_i32 = arith.constant 0 : i32
    %c0_i32_0 = arith.constant 0 : i32
    return %arg0, %c0_i32 : i32, i32
  }
  func.func @transform_1(%arg0: i32) -> (i32, i32, i32) {
    %c0_i32 = arith.constant 0 : i32
    %c0_i32_0 = arith.constant 0 : i32
    %c0_i32_1 = arith.constant 0 : i32
    return %c0_i32, %arg0, %c0_i32_0 : i32, i32, i32
  }
  func.func @transform_2(%arg0: i32) -> (i32, i32) {
    %c0_i32 = arith.constant 0 : i32
    %c0_i32_0 = arith.constant 0 : i32
    return %arg0, %c0_i32 : i32, i32
  }
  func.func @transform_3(%arg0: i32) -> (i32, i32) {
    %c0_i32 = arith.constant 0 : i32
    %c0_i32_0 = arith.constant 0 : i32
    return %arg0, %c0_i32 : i32, i32
  }
  func.func @transform_4(%arg0: i32) -> (i32, i32) {
    %c0_i32 = arith.constant 0 : i32
    %c0_i32_0 = arith.constant 0 : i32
    %c0_i32_1 = arith.constant 0 : i32
    return %c0_i32, %c0_i32_0 : i32, i32
  }
  func.func @transform_5(%arg0: i32) -> (i32, i32) {
    %c0_i32 = arith.constant 0 : i32
    %c0_i32_0 = arith.constant 0 : i32
    %c0_i32_1 = arith.constant 0 : i32
    return %c0_i32, %c0_i32_0 : i32, i32
  }
  func.func @transform_6(%arg0: i32) -> (i32, i32) {
    %c0_i32 = arith.constant 0 : i32
    %c0_i32_0 = arith.constant 0 : i32
    %c0_i32_1 = arith.constant 0 : i32
    return %c0_i32, %c0_i32_0 : i32, i32
  }
  func.func @transform_7(%arg0: i32) -> (i32, i32) {
    %c0_i32 = arith.constant 0 : i32
    %c0_i32_0 = arith.constant 0 : i32
    %c0_i32_1 = arith.constant 0 : i32
    return %c0_i32, %c0_i32_0 : i32, i32
  }
  func.func @transform_8(%arg0: i32) -> (i32, i32) {
    %c0_i32 = arith.constant 0 : i32
    %c0_i32_0 = arith.constant 0 : i32
    %c0_i32_1 = arith.constant 0 : i32
    return %c0_i32, %c0_i32_0 : i32, i32
  }
  func.func @transform_9(%arg0: i32) -> (i32, i32) {
    %c0_i32 = arith.constant 0 : i32
    %c0_i32_0 = arith.constant 0 : i32
    return %arg0, %c0_i32 : i32, i32
  }
}

</mosaic_0001>

<sc_bundles>
// kernel: hetero_sc_stats.3.cloned.1.call-start
scs
__scs_entry_jumppad:
0x0: {  	(pc) =	sbr.rel $0x88, $3  }
0x1: {  	(tag) =	ssettag $0x0;
	lr =	simm.s32 $0x1  }
0x2: {  	[smem:$0x3F8B] =	sst lr;
	_ =	strace $0xD0000000  }
0x3: {  	_ = 	snop  }
0x4: {  	_ = 	snop  }
0x5: {  	_ = 	snop  }
0x6: {  	_ = 	snop  }
0x7: {  	_ = 	snop  }
__scs_overlays_trampoline_lowered:
0x8: {  	[smem:$0x3F9A] =	sst s0  }
0x9: {  	[smem:$0x3F9B] =	sst s1  }
0xa: {  	[smem:$0x3F9C] =	sst s2  }
0xb: {  	[smem:$0x3F9D] =	sst s3  }
0xc: {  	[smem:$0x3F9E] =	sst s4  }
0xd: {  	[smem:$0x3F9F] =	sst s5  }
0xe: {  	[smem:$0x3FA0] =	sst s6  }
0xf: {  	[smem:$0x3FA1] =	sst s7  }
0x10: {  	[smem:$0x3FA2] =	sst s8  }
0x11: {  	[smem:$0x3FA3] =	sst s9;
	s0 =	simm.s32 @!p0 $0x0  }
0x12: {  	s1 =	sld [smem:$0x3F89];
	s0 =	simm.s32 @p0 $0x1  }
0x13: {  	[smem:$0x3FA4] =	sst s0;
	s0 =	simm.s32 @!p1 $0x0  }
0x14: {  	s2 =	sld [smem:$0x3F88];
	s0 =	simm.s32 @p1 $0x1  }
0x15: {  	[smem:$0x3FA5] =	sst s0;
	s0 =	simm.s32 @!p2 $0x0  }
0x16: {  	s3 =	sld [smem:$0x3FDB];
	s0 =	simm.s32 @p2 $0x1  }
0x17: {  	s4 =	simm.s32 $0x1BF5;
	[smem:$0x3FA7] =	sst s0  }
0x18: {  	s0 =	sld [smem:$0x3F8A];
	_ =	swait.ge [sflag:s4], $0x0  }
0x19: {  	s7 =	sld [smem:$0x3F8B]  }
0x1a: {  	s8 =	sadd.s32 $0xFFFFE003, lr  }
0x1b: {  	s9 =	sadd.s32 $0xFFFFFEF7, lr;
	s5 =	simm.s32 $0xFFFFFFFF;
	p2 =	slt.u32 s8, $0xFFFFF086  }
0x1c: {  	p1 =	slt.u32 s9, $0xF7A;
	s5 =	simm.s32 @!p2 $0x0  }
0x1d: {  	s5 =	simm.s32 @p1 $0x1;
	p0 =	seq.s32 s7, s2  }
0x1e: {  	s7 =	smul.u32 @!p0 $0xF7A, s2;
	p2 =	seq.s32 @!p0 s5, $0x0  }
0x1f: {  	s9 =	smul.u32 $0xF7A, s1;
	s8 =	simm.s32 @!p0 $0x1BF5;
	p2 =	por !p2, p0  }
0x20: {  	[sflag:s8] =	ssyncset.s32 @!p0 $0xFFFFF086;
	s6 =	sadd.s32 @!p0 s3, s7;
	s7 =	simm.s32 @!p0 $0x108  }
0x21: {  	s3 =	sadd.s32 s3, s9;
	s6 =	sadd.s32 @!p0 $0x88, s6;
	s7 =	simm.s32 @p2 $0x1082  }
0x22: {  	[simem:s7], [sflag:s8] =	dma.local @!p0 [hbm:s6], $0xF7A  }
0x23: {  	s9 =	sor.u32 $0xD0000000, s2;
	s6 =	simm.s32 $0x108;
	_ =	swait.ge @!p0 [sflag:s8], $0x0  }
0x24: {  	s3 =	sadd.s32 $0x88, s3;
	s6 =	simm.s32 @!p1 $0x1082;
	[sflag:s4] =	ssyncset.s32 $0xFFFFF086  }
0x25: {  	[simem:s6], [sflag:s4] =	dma.local [hbm:s3], $0xF7A  }
0x26: {  	[smem:$0x3F8B] =	sst s1;
	(tag) =	ssettag s2;
	_ =	strace s9  }
0x27: {  	s1 =	sld [smem:$0x3F9B]  }
0x28: {  	s2 =	sld [smem:$0x3F9C]  }
0x29: {  	s4 =	sld [smem:$0x3F9E]  }
0x2a: {  	p0 =	seq.s32 s5, $0x0;
	s5 =	sld [smem:$0x3F9F]  }
0x2b: {  	s6 =	sld [smem:$0x3FA0]  }
0x2c: {  	s7 =	sld [smem:$0x3FA1]  }
0x2d: {  	s3 =	simm.s32 $0x108;
	s8 =	sld [smem:$0x3FA2]  }
0x2e: {  	s3 =	simm.s32 @!p0 $0x1082;
	s9 =	sld [smem:$0x3FA3]  }
0x2f: {  	lr =	sadd.s32 s0, s3;
	s0 =	sld [smem:$0x3F9A]  }
0x30: {  	s3 =	sld [smem:$0x3F9D]  }
0x31: {  	[smem:$0x3FA6] =	sst s10  }
0x32: {  	s10 =	sld [smem:$0x3FA4];
	_ =	sdelay $0x3  }
0x33: {  	p0 =	seq.s32 s10, $0x1;
	s10 =	sld [smem:$0x3FA6];
	_ =	sdelay $0x3  }
0x34: {  	[smem:$0x3FA6] =	sst s10  }
0x35: {  	s10 =	sld [smem:$0x3FA5];
	_ =	sdelay $0x3  }
0x36: {  	p1 =	seq.s32 s10, $0x1;
	s10 =	sld [smem:$0x3FA6];
	_ =	sdelay $0x3  }
0x37: {  	[smem:$0x3FA6] =	sst s10  }
0x38: {  	s10 =	sld [smem:$0x3FA7]  }
0x39: {  	_ = 	snop;
	(pc) =	sbr.ind lr, $3  }
0x3a: {  	_ = 	snop  }
0x3b: {  	_ = 	snop  }
0x3c: {  	p2 =	seq.s32 s10, $0x1;
	s10 =	sld [smem:$0x3FA6]  }
0x3d: {  	_ =	shalt  }
0x3e: {  	_ =	shalt  }
0x3f: {  	_ =	shalt  }
0x40: {  	_ =	shalt  }
0x41: {  	_ =	shalt  }
0x42: {  	_ =	shalt  }
0x43: {  	_ =	shalt  }
0x44: {  	_ =	shalt  }
0x45: {  	_ =	shalt  }
0x46: {  	_ =	shalt  }
0x47: {  	_ =	shalt  }
0x48: {  	_ =	shalt  }
0x49: {  	_ =	shalt  }
0x4a: {  	_ =	shalt  }
0x4b: {  	_ =	shalt  }
0x4c: {  	_ =	shalt  }
0x4d: {  	_ =	shalt  }
0x4e: {  	_ =	shalt  }
0x4f: {  	_ =	shalt  }
0x50: {  	_ =	shalt  }
0x51: {  	_ =	shalt  }
0x52: {  	_ =	shalt  }
0x53: {  	_ =	shalt  }
0x54: {  	_ =	shalt  }
0x55: {  	_ =	shalt  }
0x56: {  	_ =	shalt  }
0x57: {  	_ =	shalt  }
0x58: {  	_ =	shalt  }
0x59: {  	_ =	shalt  }
0x5a: {  	_ =	shalt  }
0x5b: {  	_ =	shalt  }
0x5c: {  	_ =	shalt  }
0x5d: {  	_ =	shalt  }
0x5e: {  	_ =	shalt  }
0x5f: {  	_ =	shalt  }
0x60: {  	_ =	shalt  }
0x61: {  	_ =	shalt  }
0x62: {  	_ =	shalt  }
0x63: {  	_ =	shalt  }
0x64: {  	_ =	shalt  }
0x65: {  	_ =	shalt  }
0x66: {  	_ =	shalt  }
0x67: {  	_ =	shalt  }
0x68: {  	_ =	shalt  }
0x69: {  	_ =	shalt  }
0x6a: {  	_ =	shalt  }
0x6b: {  	_ =	shalt  }
0x6c: {  	_ =	shalt  }
0x6d: {  	_ =	shalt  }
0x6e: {  	_ =	shalt  }
0x6f: {  	_ =	shalt  }
0x70: {  	_ =	shalt  }
0x71: {  	_ =	shalt  }
0x72: {  	_ =	shalt  }
0x73: {  	_ =	shalt  }
0x74: {  	_ =	shalt  }
0x75: {  	_ =	shalt  }
0x76: {  	_ =	shalt  }
0x77: {  	_ =	shalt  }
0x78: {  	_ =	shalt  }
0x79: {  	_ =	shalt  }
0x7a: {  	_ =	shalt  }
0x7b: {  	_ =	shalt  }
0x7c: {  	_ =	shalt  }
0x7d: {  	_ =	shalt  }
0x7e: {  	_ =	shalt  }
0x7f: {  	_ =	shalt  }
0x80: {  	_ =	shalt  }
0x81: {  	_ =	shalt  }
0x82: {  	_ =	shalt  }
0x83: {  	_ =	shalt  }
0x84: {  	_ =	shalt  }
0x85: {  	_ =	shalt  }
0x86: {  	_ =	shalt  }
0x87: {  	_ =	shalt  }
.Lfunc_end0:
.L_simem_size_0:
called_computation.2_lowered:
.L_overlay_start_0:
0x88: {  	s2 =	sld [smem:$0x3FD9]  }
0x89: {  	s3 =	sld [smem:$0x3FFE];
	_ =	sdelay $0x1  }
0x8a: {  	s1 =	srdreg.scid  }
0x8b: {  	s0 =	sand.u32 $0x1, s1  }
0x8c: {  	s15 =	sshll.u32 s0, $0xA;
	s2 =	sadd.s32 s3, s2  }
0x8d: {  	s2 =	sadd.s32 s2, s15  }
0x8e: {  	[smem:$0x3FB2] =	sst s2  }
0x8f: {  	_ = 	snop  }
0x90: {  	s2 =	sld [smem:$0x3FD0];
	_ =	sdelay $0x2  }
0x91: {  	s4 =	simm.s32 $0xC;
	s16 =	simm.s32 $0x10  }
0x92: {  	[smem:s16], [sflag:s4] =	dma.local [hbm:s2], $0x1  }
0x93: {  	_ =	swait.eq [sflag:s4], $0x1  }
0x94: {  	[sflag:s4] =	ssyncset.done $0x0  }
0x95: {  	s17 =	sld [smem:$0x10];
	[sflag:s4] =	ssyncadd.s32 $0xFFFFFFFF  }
0x96: {  	s18 =	sld [smem:$0x11];
	(tm) =	ssettm $0x1  }
0x97: {  	s19 =	sld [smem:$0x3FFB];
	_ =	sdelay $0x3  }
0x98: {  	_ =	strace s19  }
0x99: {  	s2 =	sld [smem:$0x3FFC];
	_ =	sdelay $0x3  }
0x9a: {  	_ =	strace s2  }
0x9b: {  	s2 =	sld [smem:$0x3FFD];
	_ =	sdelay $0x3  }
0x9c: {  	_ =	strace s2  }
0x9d: {  	_ =	strace $0x8FFFFFFF  }
0x9e: {  	s20 =	sld [smem:$0x3FDB];
	_ =	sdelay $0x1  }
0x9f: {  	s5 =	simm.s32 $_scs_section_size  }
0xa0: {  	s6 =	simm.s32 $_size__tile_overlayer_lowered;
	s7 =	simm.s32 $_tile_overlayer_lowered  }
0xa1: {  	s8 =	simm.s32 $0x1BFF;
	s21 =	sshll.u32 s7, $0x1;
	s5 =	sadd.s32 s5, s20  }
0xa2: {  	s22 =	simm.s32 $0x0;
	s6 =	sshll.u32 s6, $0x1;
	s7 =	sadd.s32 s21, s5  }
0xa3: {  	[timem:s22], [sflag:s8] =	dma.local [hbm:s7], s6  }
0xa4: {  	_ =	swait.ge [sflag:s8], s6  }
0xa5: {  	s6 =	ssub.s32 $0x0, s6;
	[sflag:s8] =	ssyncset.done $0x0  }
0xa6: {  	[sflag:s8] =	ssyncadd.s32 s6;
	_ =	sdelay $0x1  }
0xa7: {  	s23 =	simm.s32 $0x1B8B  }
0xa8: {  	_ =	swait.ge [sflag:s23], $0x1  }
0xa9: {  	[sflag:s23] =	ssyncset.done $0x0  }
0xaa: {  	[sflag:s23] =	ssyncadd.s32 $0xFFFFFFFF  }
0xab: {  	s6 =	sld [smem:$0x0]  }
0xac: {  	s7 =	sand.u32 $0xFFFFFFFE, s1  }
0xad: {  	p0 =	sne.s32 s1, s7  }
0xae: {  	s7 =	sshll.u32 @p0 s7, $0xE  }
0xaf: {  	s7 =	sadd.s32 @p0 $0x11B8D, s7;
	s8 =	sshll.u32 @p0 s6, $0x11  }
0xb0: {  	s7 =	sor.u32 @p0 s8, s7  }
0xb1: {  	[sflag:s7] =	ssyncadd.remote.s32 @p0 $0x1;
	_ =	sdelay $0x1  }
0xb2: {  	s7 =	simm.s32 @p0 $0x1B8D  }
0xb3: {  	_ =	swait.eq @p0 [sflag:s7], $0x1  }
0xb4: {  	[sflag:s7] =	ssyncadd.s32 @p0 $0xFFFFFFFF  }
0xb5: {  	s8 =	sshll.u32 @!p0 s1, $0xE  }
0xb6: {  	s8 =	sor.u32 @!p0 $0x4000, s8;
	s7 =	simm.s32 @!p0 $0x1B8D  }
0xb7: {  	s6 =	sshll.u32 @!p0 s6, $0x11;
	s8 =	sadd.s32 @!p0 $0x11B8D, s8;
	_ =	swait.eq @!p0 [sflag:s7], $0x1  }
0xb8: {  	s6 =	sor.u32 @!p0 s6, s8;
	[sflag:s7] =	ssyncadd.s32 @!p0 $0xFFFFFFFF  }
0xb9: {  	s25 =	simm.s32 $0x1B8E;
	s24 =	sld [smem:$0x3FFE];
	[sflag:s6] =	ssyncadd.remote.s32 @!p0 $0x1  }
0xba: {  	s26 =	simm.s32 $execute0_lowered;
	[smem:$0x3FD2] =	sst s25  }
0xbb: {  	s7 =	sshll.u32 s26, $0x1;
	_ =	strace $0x80000049;
	[dreg:$0x1] =	wrdreg $0xFFFFFFFF  }
0xbc: {  	s28 =	simm.s32 $_size_execute0_lowered;
	s5 =	sadd.s32 s5, s7;
	[dreg:$0x0] =	wrdreg $0x0  }
0xbd: {  	s7 =	sshll.u32 s28, $0x1;
	[dreg:$0x2] =	wrdreg s5  }
0xbe: {  	[dreg:$0x3] =	wrdreg s7  }
0xbf: {  	[dreg:$0x4] =	wrdreg $0xC0  }
0xc0: {  	_ =	task [dreg:s22], $0x5FFFF  }
0xc1: {  	[dreg:$0x1] =	wrdreg $0xFFFFFFFF  }
0xc2: {  	[dreg:$0x0] =	wrdreg $0x60  }
0xc3: {  	[dreg:$0x2] =	wrdreg s24  }
0xc4: {  	[dreg:$0x3] =	wrdreg s18  }
0xc5: {  	[dreg:$0x4] =	wrdreg s17  }
0xc6: {  	[dreg:$0x5] =	wrdreg $0xB  }
0xc7: {  	_ =	task.clear_ibuf [dreg:s22], $0x6FFFF;
	_ =	strace $0x90000049  }
0xc8: {  	s29 =	simm.s32 $0xB;
	_ =	strace $0x8000004B  }
0xc9: {  	_ =	swait.ge [sflag:s29], $0x1  }
0xca: {  	[sflag:s29] =	ssyncadd.s32 $0xFFFFFFFF  }
0xcb: {  	_ =	strace $0x9000004B  }
0xcc: {  	_ =	sfence  }
0xcd: {  	s30 =	sld [smem:$0x0];
	_ =	sdelay $0x2  }
0xce: {  	s31 =	sshll.u32 s1, $0xD;
	s1 =	sshrl.u32 s1, $0x2  }
0xcf: {  	s4 =	sand.u32 $0x4000, s31;
	s1 =	sadd.s32 s1, s30  }
0xd0: {  	s0 =	sor.u32 s4, s0;
	s1 =	sshll.u32 s1, $0x11  }
0xd1: {  	s0 =	sor.u32 s1, s0  }
0xd2: {  	s0 =	sadd.s32 $0x8F2B, s0  }
0xd3: {  	[sflag:s0] =	ssyncadd.remote.s32 $0x1  }
0xd4: {  	_ =	sfence.sel $0xFFFF  }
0xd5: {  	[dreg:$0x0] =	wrdreg $0xFFFFFFFF;
	(pc) =	sbr.abs _section_cstart, $3  }
0xd6: {  	[dreg:$0x1] =	wrdreg $0xFFFFFFFF  }
0xd7: {  	_ =	task.clear_ibuf [dreg:s22], $0x2FFFF;
	_ =	strace $0x9FFFFFFF  }
0xd8: {  	(tm) =	ssettm $0x7FFFFFFF  }
0xd9: {  	_ =	shalt  }
tec
execute0_lowered:
.L_overlay_start_1:
0x0: {  	(tag) =	ssettag $0x1  }
0x1: {  	s13 =	rddreg [dreg:$0x0]  }
0x2: {  	s1 =	rddreg [dreg:$0x1]  }
0x3: {  	s2 =	rddreg [dreg:$0x2]  }
0x4: {  	s0 =	rddreg [dreg:$0x3];
	s4 =	simm.s32 $0x0  }
0x5: {  	s5 =	srdreg.scid;
	s3 =	stileid.u32;
	s19 =	simm.s32 $0x1  }
0x6: {  	s20 =	simm.s32 $0x7580;
	s21 =	simm.s32 $0xEB00;
	s22 =	simm.s32 $0xEF00  }
0x7: {  	s23 =	simm.s32 $0xF300;
	s24 =	simm.s32 $0x80;
	s25 =	simm.s32 $0x400  }
0x8: {  	s26 =	simm.s32 $0x0;
	[smem:$0x7FF] =	sst s4;
	s12 =	sand.u32 $0x1, s5  }
0x9: {  	s6 =	sshll.u32 s3, $0x1;
	s5 =	sadd.s32 $0x8D600, s13;
	s7 =	sshrl.u32 s3, $0x2  }
0xa: {  	s8 =	sadd.s32 $0x8E600, s13;
	s10 =	sadd.s32 $0x98600, s13;
	s14 =	sor.u32 s12, s6  }
0xb: {  	_ =	strace $0x8000004A;
	s11 =	smul.u32 $0x4F000, s7;
	s9 =	sshll.u32 s14, $0x7  }
0xc: {  	s6 =	sadd.s32 $0x28E00, s13;
	s7 =	sadd.s32 $0x3E200, s13;
	s15 =	sand.u32 $0x380, s9  }
0xd: {  	s16 =	ssub.s32 $0x2, s12;
	s12 =	sadd.s32 $0xA2600, s13;
	s15 =	sor.u32 s11, s15  }
0xe: {  	s31 =	sshrl.u32 s16, $0x1;
	s9 =	sadd.s32 $0x34200, s13;
	s15 =	sshrl.u32 s15, $0x3  }
0xf: {  	s18 =	ssub.s32 s16, s31;
	s11 =	sadd.s32 $0x48200, s13;
	s17 =	sadd.s32 s15, s13  }
0x10: {  	s18 =	smax.u32 s18, $0x1;
	s13 =	smul.u32 $0xA, s14;
	s14 =	sadd.s32 $0xAC600, s17  }
0x11: {  	v0 =	vimm.f32 $0.0e+00;
	v1 =	vimm.f32 $1.000000000e+00;
	s15 =	sadd.s32 $0xD3E00, s17;
	s16 =	sadd.s32 $0xFB600, s17;
	s17 =	sadd.s32 $0x122E00, s17  }
.LBB2_1:
0x12: {  	[tilespmem:s4], [sflag:$0x1] =	stream.linear.gather [hbm4b:s5+s4], $0x7580, $0x38;
	[tilespmem:$0x19100] =	vst v63  }
0x13: {  	_ =	swait.ge [sflag:s19], $0x7580  }
0x14: {  	[sflag:s19] =	ssyncset.done $0x0  }
0x15: {  	[sflag:s19] =	ssyncadd.s32 $0xFFFF8A80  }
0x16: {  	[tilespmem:s20], [sflag:$0x1] =	stream.linear.gather [hbm4b:s6+s4], $0x7580, $0x38;
	[tilespmem:$0x19100] =	vst v63  }
0x17: {  	_ =	swait.ge [sflag:s19], $0x7580  }
0x18: {  	[sflag:s19] =	ssyncset.done $0x0  }
0x19: {  	s28 =	simm.s32 $0x40;
	s29 =	simm.s32 $0x0;
	[sflag:s19] =	ssyncadd.s32 $0xFFFF8A80  }
.LBB2_2:
0x1a: {  	p0 =	sne.s32 s28, $0x277C0;
	[tilespmem:s29+$0xF300] =	vst v0;
	s29 =	smov.u32 s28;
	s28 =	sadd.s32 $0x40, s28  }
.Ltmp0:
0x1b: {  	(pc) =	sbr.rel @p0 .LBB2_2-.Ltmp0, $2  }
0x1c: {  	_ =	sdelay $0x2  }
0x1d: {  	s29 =	sshra.s32 s29, $0x2  }
0x1e: {  	[tilespmem:s29+$0xF300] =	vst v0;
	s28 =	simm.s32 $0x0;
	s29 =	simm.s32 $0x0  }
.LBB2_4:
0x1f: {  	s30 =	sadd.s32 s13, s29  }
0x20: {  	s30 =	sshll.u32 s30, $0x7  }
0x21: {  	s31 =	sadd.s32 s1, s30  }
0x22: {  	[tilespmem:s21], [sflag:$0x1] =	stream.linear.gather [hbm4b:s31+s28], $0x400, $0x38;
	[tilespmem:$0x19100] =	vst v63  }
0x23: {  	_ =	swait.ge [sflag:s19], $0x400  }
0x24: {  	[sflag:s19] =	ssyncset.done $0x0  }
0x25: {  	s30 =	sadd.s32 s7, s30;
	[sflag:s19] =	ssyncadd.s32 $0xFFFFFC00  }
0x26: {  	[tilespmem:s22], [sflag:$0x1] =	stream.linear.gather [hbm4b:s30+s28], $0x400, $0x38;
	[tilespmem:$0x19100] =	vst v63  }
0x27: {  	_ =	swait.ge [sflag:s19], $0x400  }
0x28: {  	[sflag:s19] =	ssyncset.done $0x0  }
0x29: {  	s30 =	simm.s32 $0x0;
	[sflag:s19] =	ssyncadd.s32 $0xFFFFFC00  }
.LBB2_5:
0x2a: {  	s31 =	sshra.s32 s30, $0x2  }
0x2b: {  	v2 =	vld [tilespmem:s31+$0xEB00];
	_ =	sdelay $0x4  }
0x2c: {  	v2 =	vmul.u32 $0x3, v2  }
0x2d: {  	v3 =	vld [tilespmem:s31+$0xEF00]  }
0x2e: {  	v4 =	vadd.s32 $0x1, v2  }
0x2f: {  	v5 =	vadd.s32 $0x2, v2;
	_ =	sdelay $0x2  }
0x30: {  	v3 =	vshll.u32 v3, $0x2;
	v2 =	vld.idx.msk [tilespmem:v2+s20+$0x0], $0xffff  }
0x31: {  	v6 =	vor.u32 $0x1, v3;
	v4 =	vld.idx.msk [tilespmem:v4+s20+$0x0], $0xffff  }
0x32: {  	v7 =	vor.u32 $0x2, v3;
	v5 =	vld.idx.msk [tilespmem:v5+s20+$0x0], $0xffff  }
0x33: {  	v8 =	vor.u32 $0x3, v3;
	_ =	sdelay $0x1  }
0x34: {  	[tilespmem:v3+s23+$0x0] =	vst.idx.add.f32.msk $0xffff, v2  }
0x35: {  	[tilespmem:v6+s23+$0x0] =	vst.idx.add.f32.msk $0xffff, v4  }
0x36: {  	[tilespmem:v7+s23+$0x0] =	vst.idx.add.f32.msk $0xffff, v5  }
0x37: {  	[tilespmem:v8+s23+$0x0] =	vst.idx.add.f32.msk $0xffff, v1  }
0x38: {  	v2 =	vld [tilespmem:s31+$0xEB10];
	_ =	sdelay $0x4  }
0x39: {  	v2 =	vmul.u32 $0x3, v2  }
0x3a: {  	v3 =	vld [tilespmem:s31+$0xEF10]  }
0x3b: {  	v29 =	vadd.s32 $0x1, v2  }
0x3c: {  	v30 =	vadd.s32 $0x2, v2;
	_ =	sdelay $0x2  }
0x3d: {  	v3 =	vshll.u32 v3, $0x2;
	v2 =	vld.idx.msk [tilespmem:v2+s20+$0x0], $0xffff  }
0x3e: {  	v31 =	vor.u32 $0x1, v3;
	v4 =	vld.idx.msk [tilespmem:v29+s20+$0x0], $0xffff  }
0x3f: {  	v32 =	vor.u32 $0x2, v3;
	v5 =	vld.idx.msk [tilespmem:v30+s20+$0x0], $0xffff  }
0x40: {  	v33 =	vor.u32 $0x3, v3;
	_ =	sdelay $0x1  }
0x41: {  	[tilespmem:v3+s23+$0x0] =	vst.idx.add.f32.msk $0xffff, v2  }
0x42: {  	[tilespmem:v31+s23+$0x0] =	vst.idx.add.f32.msk $0xffff, v4  }
0x43: {  	[tilespmem:v32+s23+$0x0] =	vst.idx.add.f32.msk $0xffff, v5  }
0x44: {  	[tilespmem:v33+s23+$0x0] =	vst.idx.add.f32.msk $0xffff, v1  }
0x45: {  	v2 =	vld [tilespmem:s31+$0xEB20];
	_ =	sdelay $0x4  }
0x46: {  	v2 =	vmul.u32 $0x3, v2  }
0x47: {  	v3 =	vld [tilespmem:s31+$0xEF20]  }
0x48: {  	v34 =	vadd.s32 $0x1, v2  }
0x49: {  	v35 =	vadd.s32 $0x2, v2;
	_ =	sdelay $0x2  }
0x4a: {  	v3 =	vshll.u32 v3, $0x2;
	v2 =	vld.idx.msk [tilespmem:v2+s20+$0x0], $0xffff  }
0x4b: {  	v36 =	vor.u32 $0x1, v3;
	v4 =	vld.idx.msk [tilespmem:v34+s20+$0x0], $0xffff  }
0x4c: {  	v37 =	vor.u32 $0x2, v3;
	v5 =	vld.idx.msk [tilespmem:v35+s20+$0x0], $0xffff  }
0x4d: {  	v38 =	vor.u32 $0x3, v3;
	_ =	sdelay $0x1  }
0x4e: {  	[tilespmem:v3+s23+$0x0] =	vst.idx.add.f32.msk $0xffff, v2  }
0x4f: {  	[tilespmem:v36+s23+$0x0] =	vst.idx.add.f32.msk $0xffff, v4  }
0x50: {  	[tilespmem:v37+s23+$0x0] =	vst.idx.add.f32.msk $0xffff, v5  }
0x51: {  	[tilespmem:v38+s23+$0x0] =	vst.idx.add.f32.msk $0xffff, v1  }
0x52: {  	v2 =	vld [tilespmem:s31+$0xEB30];
	_ =	sdelay $0x4  }
0x53: {  	v2 =	vmul.u32 $0x3, v2  }
0x54: {  	v3 =	vld [tilespmem:s31+$0xEF30]  }
0x55: {  	v39 =	vadd.s32 $0x1, v2  }
0x56: {  	v40 =	vadd.s32 $0x2, v2;
	_ =	sdelay $0x2  }
0x57: {  	v3 =	vshll.u32 v3, $0x2;
	v2 =	vld.idx.msk [tilespmem:v2+s20+$0x0], $0xffff  }
0x58: {  	v41 =	vor.u32 $0x1, v3;
	v4 =	vld.idx.msk [tilespmem:v39+s20+$0x0], $0xffff  }
0x59: {  	v42 =	vor.u32 $0x2, v3;
	v5 =	vld.idx.msk [tilespmem:v40+s20+$0x0], $0xffff  }
0x5a: {  	v43 =	vor.u32 $0x3, v3;
	_ =	sdelay $0x1  }
0x5b: {  	[tilespmem:v3+s23+$0x0] =	vst.idx.add.f32.msk $0xffff, v2  }
0x5c: {  	[tilespmem:v41+s23+$0x0] =	vst.idx.add.f32.msk $0xffff, v4  }
0x5d: {  	[tilespmem:v42+s23+$0x0] =	vst.idx.add.f32.msk $0xffff, v5  }
0x5e: {  	[tilespmem:v43+s23+$0x0] =	vst.idx.add.f32.msk $0xffff, v1  }
0x5f: {  	v2 =	vld [tilespmem:s31+$0xEB40];
	_ =	sdelay $0x4  }
0x60: {  	v2 =	vmul.u32 $0x3, v2  }
0x61: {  	v3 =	vld [tilespmem:s31+$0xEF40]  }
0x62: {  	v44 =	vadd.s32 $0x1, v2  }
0x63: {  	v45 =	vadd.s32 $0x2, v2;
	_ =	sdelay $0x2  }
0x64: {  	v3 =	vshll.u32 v3, $0x2;
	v2 =	vld.idx.msk [tilespmem:v2+s20+$0x0], $0xffff  }
0x65: {  	v46 =	vor.u32 $0x1, v3;
	v4 =	vld.idx.msk [tilespmem:v44+s20+$0x0], $0xffff  }
0x66: {  	v47 =	vor.u32 $0x2, v3;
	v5 =	vld.idx.msk [tilespmem:v45+s20+$0x0], $0xffff  }
0x67: {  	v48 =	vor.u32 $0x3, v3;
	_ =	sdelay $0x1  }
0x68: {  	[tilespmem:v3+s23+$0x0] =	vst.idx.add.f32.msk $0xffff, v2  }
0x69: {  	[tilespmem:v46+s23+$0x0] =	vst.idx.add.f32.msk $0xffff, v4  }
0x6a: {  	[tilespmem:v47+s23+$0x0] =	vst.idx.add.f32.msk $0xffff, v5  }
0x6b: {  	[tilespmem:v48+s23+$0x0] =	vst.idx.add.f32.msk $0xffff, v1  }
0x6c: {  	v2 =	vld [tilespmem:s31+$0xEB50];
	_ =	sdelay $0x4  }
0x6d: {  	v2 =	vmul.u32 $0x3, v2  }
0x6e: {  	v3 =	vld [tilespmem:s31+$0xEF50]  }
0x6f: {  	v49 =	vadd.s32 $0x1, v2  }
0x70: {  	v50 =	vadd.s32 $0x2, v2;
	_ =	sdelay $0x2  }
0x71: {  	v3 =	vshll.u32 v3, $0x2;
	v2 =	vld.idx.msk [tilespmem:v2+s20+$0x0], $0xffff  }
0x72: {  	v51 =	vor.u32 $0x1, v3;
	v4 =	vld.idx.msk [tilespmem:v49+s20+$0x0], $0xffff  }
0x73: {  	v52 =	vor.u32 $0x2, v3;
	v5 =	vld.idx.msk [tilespmem:v50+s20+$0x0], $0xffff  }
0x74: {  	v53 =	vor.u32 $0x3, v3;
	_ =	sdelay $0x1  }
0x75: {  	[tilespmem:v3+s23+$0x0] =	vst.idx.add.f32.msk $0xffff, v2  }
0x76: {  	[tilespmem:v51+s23+$0x0] =	vst.idx.add.f32.msk $0xffff, v4  }
0x77: {  	[tilespmem:v52+s23+$0x0] =	vst.idx.add.f32.msk $0xffff, v5  }
0x78: {  	[tilespmem:v53+s23+$0x0] =	vst.idx.add.f32.msk $0xffff, v1  }
0x79: {  	v2 =	vld [tilespmem:s31+$0xEB60];
	_ =	sdelay $0x4  }
0x7a: {  	v2 =	vmul.u32 $0x3, v2  }
0x7b: {  	v3 =	vld [tilespmem:s31+$0xEF60]  }
0x7c: {  	v54 =	vadd.s32 $0x1, v2  }
0x7d: {  	v55 =	vadd.s32 $0x2, v2;
	_ =	sdelay $0x2  }
0x7e: {  	v3 =	vshll.u32 v3, $0x2;
	v2 =	vld.idx.msk [tilespmem:v2+s20+$0x0], $0xffff  }
0x7f: {  	v56 =	vor.u32 $0x1, v3;
	v4 =	vld.idx.msk [tilespmem:v54+s20+$0x0], $0xffff  }
0x80: {  	v57 =	vor.u32 $0x2, v3;
	v5 =	vld.idx.msk [tilespmem:v55+s20+$0x0], $0xffff  }
0x81: {  	v58 =	vor.u32 $0x3, v3;
	_ =	sdelay $0x1  }
0x82: {  	[tilespmem:v3+s23+$0x0] =	vst.idx.add.f32.msk $0xffff, v2  }
0x83: {  	[tilespmem:v56+s23+$0x0] =	vst.idx.add.f32.msk $0xffff, v4  }
0x84: {  	[tilespmem:v57+s23+$0x0] =	vst.idx.add.f32.msk $0xffff, v5  }
0x85: {  	[tilespmem:v58+s23+$0x0] =	vst.idx.add.f32.msk $0xffff, v1  }
0x86: {  	v2 =	vld [tilespmem:s31+$0xEB70];
	_ =	sdelay $0x4  }
0x87: {  	v2 =	vmul.u32 $0x3, v2  }
0x88: {  	v3 =	vld [tilespmem:s31+$0xEF70]  }
0x89: {  	v59 =	vadd.s32 $0x1, v2  }
0x8a: {  	v60 =	vadd.s32 $0x2, v2;
	_ =	sdelay $0x2  }
0x8b: {  	v3 =	vshll.u32 v3, $0x2;
	v2 =	vld.idx.msk [tilespmem:v2+s20+$0x0], $0xffff  }
0x8c: {  	v61 =	vor.u32 $0x1, v3;
	v4 =	vld.idx.msk [tilespmem:v59+s20+$0x0], $0xffff  }
0x8d: {  	v62 =	vor.u32 $0x2, v3;
	v5 =	vld.idx.msk [tilespmem:v60+s20+$0x0], $0xffff  }
0x8e: {  	p0 =	sne.s32 s30, $0xE00;
	v63 =	vor.u32 $0x3, v3  }
.Ltmp1:
0x8f: {  	_ = 	snop;
	(pc) =	sbr.rel @p0 .LBB2_5-.Ltmp1, $4  }
0x90: {  	[tilespmem:v3+s23+$0x0] =	vst.idx.add.f32.msk $0xffff, v2  }
0x91: {  	[tilespmem:v61+s23+$0x0] =	vst.idx.add.f32.msk $0xffff, v4  }
0x92: {  	[tilespmem:v62+s23+$0x0] =	vst.idx.add.f32.msk $0xffff, v5  }
0x93: {  	s30 =	sadd.s32 $0x200, s30;
	[tilespmem:v63+s23+$0x0] =	vst.idx.add.f32.msk $0xffff, v1  }
0x94: {  	s29 =	sadd.s32 $0x1, s29  }
0x95: {  	p0 =	sne.s32 s29, $0xA  }
.Ltmp2:
0x96: {  	_ = 	snop;
	(pc) =	sbr.rel @p0 .LBB2_4-.Ltmp2, $1  }
0x97: {  	_ =	sdelay $0x3  }
0x98: {  	[hbm4b:s14+s24] =	stream.strided.scatter [tilespmem:s23], [sflag:$0x1], $0x9E00, s25, s24, $0x38;
	[tilespmem:$0x19100] =	vst v63  }
0x99: {  	_ =	swait.ge [sflag:s19], $0x9E00  }
0x9a: {  	s28 =	simm.s32 $0x0;
	[sflag:s19] =	ssyncset.done $0x0  }
0x9b: {  	s29 =	simm.s32 $0x40;
	s30 =	simm.s32 $0x0;
	[sflag:s19] =	ssyncadd.s32 $0xFFFF6200  }
.LBB2_8:
0x9c: {  	p0 =	sne.s32 s29, $0x277C0;
	[tilespmem:s30+$0xF300] =	vst v0;
	s30 =	smov.u32 s29;
	s29 =	sadd.s32 $0x40, s29  }
.Ltmp3:
0x9d: {  	(pc) =	sbr.rel @p0 .LBB2_8-.Ltmp3, $2  }
0x9e: {  	_ =	sdelay $0x2  }
0x9f: {  	s30 =	sshra.s32 s30, $0x2  }
0xa0: {  	[tilespmem:s30+$0xF300] =	vst v0  }
.LBB2_10:
0xa1: {  	s29 =	sadd.s32 s13, s28  }
0xa2: {  	s30 =	sshll.u32 s29, $0x7  }
0xa3: {  	s29 =	simm.s32 $0x0;
	s31 =	sadd.s32 s8, s30  }
0xa4: {  	[tilespmem:s21], [sflag:$0x1] =	stream.linear.gather [hbm4b:s31+s29], $0x400, $0x38;
	[tilespmem:$0x19100] =	vst v63  }
0xa5: {  	_ =	swait.ge [sflag:s19], $0x400  }
0xa6: {  	[sflag:s19] =	ssyncset.done $0x0  }
0xa7: {  	s30 =	sadd.s32 s9, s30;
	[sflag:s19] =	ssyncadd.s32 $0xFFFFFC00  }
0xa8: {  	[tilespmem:s22], [sflag:$0x1] =	stream.linear.gather [hbm4b:s30+s29], $0x400, $0x38;
	[tilespmem:$0x19100] =	vst v63  }
0xa9: {  	_ =	swait.ge [sflag:s19], $0x400  }
0xaa: {  	[sflag:s19] =	ssyncset.done $0x0  }
0xab: {  	[sflag:s19] =	ssyncadd.s32 $0xFFFFFC00  }
.LBB2_11:
0xac: {  	s30 =	sshra.s32 s29, $0x2  }
0xad: {  	v2 =	vld [tilespmem:s30+$0xEB00];
	_ =	sdelay $0x4  }
0xae: {  	v2 =	vmul.u32 $0x3, v2  }
0xaf: {  	v3 =	vld [tilespmem:s30+$0xEF00]  }
0xb0: {  	v4 =	vadd.s32 $0x1, v2  }
0xb1: {  	v5 =	vadd.s32 $0x2, v2;
	_ =	sdelay $0x2  }
0xb2: {  	v3 =	vshll.u32 v3, $0x2;
	v2 =	vld.idx.msk [tilespmem:v2+s4+$0x0], $0xffff  }
0xb3: {  	v6 =	vor.u32 $0x1, v3;
	v4 =	vld.idx.msk [tilespmem:v4+s4+$0x0], $0xffff  }
0xb4: {  	v7 =	vor.u32 $0x2, v3;
	v5 =	vld.idx.msk [tilespmem:v5+s4+$0x0], $0xffff  }
0xb5: {  	v8 =	vor.u32 $0x3, v3;
	_ =	sdelay $0x1  }
0xb6: {  	[tilespmem:v3+s23+$0x0] =	vst.idx.add.f32.msk $0xffff, v2  }
0xb7: {  	[tilespmem:v6+s23+$0x0] =	vst.idx.add.f32.msk $0xffff, v4  }
0xb8: {  	[tilespmem:v7+s23+$0x0] =	vst.idx.add.f32.msk $0xffff, v5  }
0xb9: {  	[tilespmem:v8+s23+$0x0] =	vst.idx.add.f32.msk $0xffff, v1  }
0xba: {  	v2 =	vld [tilespmem:s30+$0xEB10];
	_ =	sdelay $0x4  }
0xbb: {  	v2 =	vmul.u32 $0x3, v2  }
0xbc: {  	v3 =	vld [tilespmem:s30+$0xEF10]  }
0xbd: {  	v29 =	vadd.s32 $0x1, v2  }
0xbe: {  	v30 =	vadd.s32 $0x2, v2;
	_ =	sdelay $0x2  }
0xbf: {  	v3 =	vshll.u32 v3, $0x2;
	v2 =	vld.idx.msk [tilespmem:v2+s4+$0x0], $0xffff  }
0xc0: {  	v31 =	vor.u32 $0x1, v3;
	v4 =	vld.idx.msk [tilespmem:v29+s4+$0x0], $0xffff  }
0xc1: {  	v32 =	vor.u32 $0x2, v3;
	v5 =	vld.idx.msk [tilespmem:v30+s4+$0x0], $0xffff  }
0xc2: {  	v33 =	vor.u32 $0x3, v3;
	_ =	sdelay $0x1  }
0xc3: {  	[tilespmem:v3+s23+$0x0] =	vst.idx.add.f32.msk $0xffff, v2  }
0xc4: {  	[tilespmem:v31+s23+$0x0] =	vst.idx.add.f32.msk $0xffff, v4  }
0xc5: {  	[tilespmem:v32+s23+$0x0] =	vst.idx.add.f32.msk $0xffff, v5  }
0xc6: {  	[tilespmem:v33+s23+$0x0] =	vst.idx.add.f32.msk $0xffff, v1  }
0xc7: {  	v2 =	vld [tilespmem:s30+$0xEB20];
	_ =	sdelay $0x4  }
0xc8: {  	v2 =	vmul.u32 $0x3, v2  }
0xc9: {  	v3 =	vld [tilespmem:s30+$0xEF20]  }
0xca: {  	v34 =	vadd.s32 $0x1, v2  }
0xcb: {  	v35 =	vadd.s32 $0x2, v2;
	_ =	sdelay $0x2  }
0xcc: {  	v3 =	vshll.u32 v3, $0x2;
	v2 =	vld.idx.msk [tilespmem:v2+s4+$0x0], $0xffff  }
0xcd: {  	v36 =	vor.u32 $0x1, v3;
	v4 =	vld.idx.msk [tilespmem:v34+s4+$0x0], $0xffff  }
0xce: {  	v37 =	vor.u32 $0x2, v3;
	v5 =	vld.idx.msk [tilespmem:v35+s4+$0x0], $0xffff  }
0xcf: {  	v38 =	vor.u32 $0x3, v3;
	_ =	sdelay $0x1  }
0xd0: {  	[tilespmem:v3+s23+$0x0] =	vst.idx.add.f32.msk $0xffff, v2  }
0xd1: {  	[tilespmem:v36+s23+$0x0] =	vst.idx.add.f32.msk $0xffff, v4  }
0xd2: {  	[tilespmem:v37+s23+$0x0] =	vst.idx.add.f32.msk $0xffff, v5  }
0xd3: {  	[tilespmem:v38+s23+$0x0] =	vst.idx.add.f32.msk $0xffff, v1  }
0xd4: {  	v2 =	vld [tilespmem:s30+$0xEB30];
	_ =	sdelay $0x4  }
0xd5: {  	v2 =	vmul.u32 $0x3, v2  }
0xd6: {  	v3 =	vld [tilespmem:s30+$0xEF30]  }
0xd7: {  	v39 =	vadd.s32 $0x1, v2  }
0xd8: {  	v40 =	vadd.s32 $0x2, v2;
	_ =	sdelay $0x2  }
0xd9: {  	v3 =	vshll.u32 v3, $0x2;
	v2 =	vld.idx.msk [tilespmem:v2+s4+$0x0], $0xffff  }
0xda: {  	v41 =	vor.u32 $0x1, v3;
	v4 =	vld.idx.msk [tilespmem:v39+s4+$0x0], $0xffff  }
0xdb: {  	v42 =	vor.u32 $0x2, v3;
	v5 =	vld.idx.msk [tilespmem:v40+s4+$0x0], $0xffff  }
0xdc: {  	v43 =	vor.u32 $0x3, v3;
	_ =	sdelay $0x1  }
0xdd: {  	[tilespmem:v3+s23+$0x0] =	vst.idx.add.f32.msk $0xffff, v2  }
0xde: {  	[tilespmem:v41+s23+$0x0] =	vst.idx.add.f32.msk $0xffff, v4  }
0xdf: {  	[tilespmem:v42+s23+$0x0] =	vst.idx.add.f32.msk $0xffff, v5  }
0xe0: {  	[tilespmem:v43+s23+$0x0] =	vst.idx.add.f32.msk $0xffff, v1  }
0xe1: {  	v2 =	vld [tilespmem:s30+$0xEB40];
	_ =	sdelay $0x4  }
0xe2: {  	v2 =	vmul.u32 $0x3, v2  }
0xe3: {  	v3 =	vld [tilespmem:s30+$0xEF40]  }
0xe4: {  	v44 =	vadd.s32 $0x1, v2  }
0xe5: {  	v45 =	vadd.s32 $0x2, v2;
	_ =	sdelay $0x2  }
0xe6: {  	v3 =	vshll.u32 v3, $0x2;
	v2 =	vld.idx.msk [tilespmem:v2+s4+$0x0], $0xffff  }
0xe7: {  	v46 =	vor.u32 $0x1, v3;
	v4 =	vld.idx.msk [tilespmem:v44+s4+$0x0], $0xffff  }
0xe8: {  	v47 =	vor.u32 $0x2, v3;
	v5 =	vld.idx.msk [tilespmem:v45+s4+$0x0], $0xffff  }
0xe9: {  	v48 =	vor.u32 $0x3, v3;
	_ =	sdelay $0x1  }
0xea: {  	[tilespmem:v3+s23+$0x0] =	vst.idx.add.f32.msk $0xffff, v2  }
0xeb: {  	[tilespmem:v46+s23+$0x0] =	vst.idx.add.f32.msk $0xffff, v4  }
0xec: {  	[tilespmem:v47+s23+$0x0] =	vst.idx.add.f32.msk $0xffff, v5  }
0xed: {  	[tilespmem:v48+s23+$0x0] =	vst.idx.add.f32.msk $0xffff, v1  }
0xee: {  	v2 =	vld [tilespmem:s30+$0xEB50];
	_ =	sdelay $0x4  }
0xef: {  	v2 =	vmul.u32 $0x3, v2  }
0xf0: {  	v3 =	vld [tilespmem:s30+$0xEF50]  }
0xf1: {  	v49 =	vadd.s32 $0x1, v2  }
0xf2: {  	v50 =	vadd.s32 $0x2, v2;
	_ =	sdelay $0x2  }
0xf3: {  	v3 =	vshll.u32 v3, $0x2;
	v2 =	vld.idx.msk [tilespmem:v2+s4+$0x0], $0xffff  }
0xf4: {  	v51 =	vor.u32 $0x1, v3;
	v4 =	vld.idx.msk [tilespmem:v49+s4+$0x0], $0xffff  }
0xf5: {  	v52 =	vor.u32 $0x2, v3;
	v5 =	vld.idx.msk [tilespmem:v50+s4+$0x0], $0xffff  }
0xf6: {  	v53 =	vor.u32 $0x3, v3;
	_ =	sdelay $0x1  }
0xf7: {  	[tilespmem:v3+s23+$0x0] =	vst.idx.add.f32.msk $0xffff, v2  }
0xf8: {  	[tilespmem:v51+s23+$0x0] =	vst.idx.add.f32.msk $0xffff, v4  }
0xf9: {  	[tilespmem:v52+s23+$0x0] =	vst.idx.add.f32.msk $0xffff, v5  }
0xfa: {  	[tilespmem:v53+s23+$0x0] =	vst.idx.add.f32.msk $0xffff, v1  }
0xfb: {  	v2 =	vld [tilespmem:s30+$0xEB60];
	_ =	sdelay $0x4  }
0xfc: {  	v2 =	vmul.u32 $0x3, v2  }
0xfd: {  	v3 =	vld [tilespmem:s30+$0xEF60]  }
0xfe: {  	v54 =	vadd.s32 $0x1, v2  }
0xff: {  	v55 =	vadd.s32 $0x2, v2;
	_ =	sdelay $0x2  }
0x100: {  	v3 =	vshll.u32 v3, $0x2;
	v2 =	vld.idx.msk [tilespmem:v2+s4+$0x0], $0xffff  }
0x101: {  	v56 =	vor.u32 $0x1, v3;
	v4 =	vld.idx.msk [tilespmem:v54+s4+$0x0], $0xffff  }
0x102: {  	v57 =	vor.u32 $0x2, v3;
	v5 =	vld.idx.msk [tilespmem:v55+s4+$0x0], $0xffff  }
0x103: {  	v58 =	vor.u32 $0x3, v3;
	_ =	sdelay $0x1  }
0x104: {  	[tilespmem:v3+s23+$0x0] =	vst.idx.add.f32.msk $0xffff, v2  }
0x105: {  	[tilespmem:v56+s23+$0x0] =	vst.idx.add.f32.msk $0xffff, v4  }
0x106: {  	[tilespmem:v57+s23+$0x0] =	vst.idx.add.f32.msk $0xffff, v5  }
0x107: {  	[tilespmem:v58+s23+$0x0] =	vst.idx.add.f32.msk $0xffff, v1  }
0x108: {  	v2 =	vld [tilespmem:s30+$0xEB70];
	_ =	sdelay $0x4  }
0x109: {  	v2 =	vmul.u32 $0x3, v2  }
0x10a: {  	v3 =	vld [tilespmem:s30+$0xEF70]  }
0x10b: {  	v59 =	vadd.s32 $0x1, v2  }
0x10c: {  	v60 =	vadd.s32 $0x2, v2;
	_ =	sdelay $0x2  }
0x10d: {  	v3 =	vshll.u32 v3, $0x2;
	v2 =	vld.idx.msk [tilespmem:v2+s4+$0x0], $0xffff  }
0x10e: {  	v61 =	vor.u32 $0x1, v3;
	v4 =	vld.idx.msk [tilespmem:v59+s4+$0x0], $0xffff  }
0x10f: {  	v62 =	vor.u32 $0x2, v3;
	v5 =	vld.idx.msk [tilespmem:v60+s4+$0x0], $0xffff  }
0x110: {  	p0 =	sne.s32 s29, $0xE00;
	v63 =	vor.u32 $0x3, v3  }
.Ltmp4:
0x111: {  	_ = 	snop;
	(pc) =	sbr.rel @p0 .LBB2_11-.Ltmp4, $4  }
0x112: {  	[tilespmem:v3+s23+$0x0] =	vst.idx.add.f32.msk $0xffff, v2  }
0x113: {  	[tilespmem:v61+s23+$0x0] =	vst.idx.add.f32.msk $0xffff, v4  }
0x114: {  	[tilespmem:v62+s23+$0x0] =	vst.idx.add.f32.msk $0xffff, v5  }
0x115: {  	s29 =	sadd.s32 $0x200, s29;
	[tilespmem:v63+s23+$0x0] =	vst.idx.add.f32.msk $0xffff, v1  }
0x116: {  	s28 =	sadd.s32 $0x1, s28  }
0x117: {  	p0 =	sne.s32 s28, $0xA  }
.Ltmp5:
0x118: {  	_ = 	snop;
	(pc) =	sbr.rel @p0 .LBB2_10-.Ltmp5, $1  }
0x119: {  	_ =	sdelay $0x3  }
0x11a: {  	[hbm4b:s15+s24] =	stream.strided.scatter [tilespmem:s23], [sflag:$0x1], $0x9E00, s25, s24, $0x38;
	[tilespmem:$0x19100] =	vst v63  }
0x11b: {  	_ =	swait.ge [sflag:s19], $0x9E00  }
0x11c: {  	s28 =	simm.s32 $0x0;
	[sflag:s19] =	ssyncset.done $0x0  }
0x11d: {  	s29 =	simm.s32 $0x40;
	s30 =	simm.s32 $0x0;
	[sflag:s19] =	ssyncadd.s32 $0xFFFF6200  }
.LBB2_14:
0x11e: {  	p0 =	sne.s32 s29, $0x277C0;
	[tilespmem:s30+$0xF300] =	vst v0;
	s30 =	smov.u32 s29;
	s29 =	sadd.s32 $0x40, s29  }
.Ltmp6:
0x11f: {  	(pc) =	sbr.rel @p0 .LBB2_14-.Ltmp6, $2  }
0x120: {  	_ =	sdelay $0x2  }
0x121: {  	s30 =	sshra.s32 s30, $0x2  }
0x122: {  	[tilespmem:s30+$0xF300] =	vst v0  }
.LBB2_16:
0x123: {  	s29 =	sadd.s32 s13, s28  }
0x124: {  	s30 =	sshll.u32 s29, $0x7  }
0x125: {  	s29 =	simm.s32 $0x0;
	s31 =	sadd.s32 s10, s30  }
0x126: {  	[tilespmem:s21], [sflag:$0x1] =	stream.linear.gather [hbm4b:s31+s29], $0x400, $0x38;
	[tilespmem:$0x19100] =	vst v63  }
0x127: {  	_ =	swait.ge [sflag:s19], $0x400  }
0x128: {  	[sflag:s19] =	ssyncset.done $0x0  }
0x129: {  	s30 =	sadd.s32 s11, s30;
	[sflag:s19] =	ssyncadd.s32 $0xFFFFFC00  }
0x12a: {  	[tilespmem:s22], [sflag:$0x1] =	stream.linear.gather [hbm4b:s30+s29], $0x400, $0x38;
	[tilespmem:$0x19100] =	vst v63  }
0x12b: {  	_ =	swait.ge [sflag:s19], $0x400  }
0x12c: {  	[sflag:s19] =	ssyncset.done $0x0  }
0x12d: {  	[sflag:s19] =	ssyncadd.s32 $0xFFFFFC00  }
.LBB2_17:
0x12e: {  	s30 =	sshra.s32 s29, $0x2  }
0x12f: {  	v2 =	vld [tilespmem:s30+$0xEB00];
	_ =	sdelay $0x4  }
0x130: {  	v2 =	vmul.u32 $0x3, v2  }
0x131: {  	v3 =	vld [tilespmem:s30+$0xEF00]  }
0x132: {  	v4 =	vadd.s32 $0x1, v2  }
0x133: {  	v5 =	vadd.s32 $0x2, v2;
	_ =	sdelay $0x2  }
0x134: {  	v3 =	vshll.u32 v3, $0x2;
	v2 =	vld.idx.msk [tilespmem:v2+s4+$0x0], $0xffff  }
0x135: {  	v6 =	vor.u32 $0x1, v3;
	v4 =	vld.idx.msk [tilespmem:v4+s4+$0x0], $0xffff  }
0x136: {  	v7 =	vor.u32 $0x2, v3;
	v5 =	vld.idx.msk [tilespmem:v5+s4+$0x0], $0xffff  }
0x137: {  	v8 =	vor.u32 $0x3, v3;
	_ =	sdelay $0x1  }
0x138: {  	[tilespmem:v3+s23+$0x0] =	vst.idx.add.f32.msk $0xffff, v2  }
0x139: {  	[tilespmem:v6+s23+$0x0] =	vst.idx.add.f32.msk $0xffff, v4  }
0x13a: {  	[tilespmem:v7+s23+$0x0] =	vst.idx.add.f32.msk $0xffff, v5  }
0x13b: {  	[tilespmem:v8+s23+$0x0] =	vst.idx.add.f32.msk $0xffff, v1  }
0x13c: {  	v2 =	vld [tilespmem:s30+$0xEB10];
	_ =	sdelay $0x4  }
0x13d: {  	v2 =	vmul.u32 $0x3, v2  }
0x13e: {  	v3 =	vld [tilespmem:s30+$0xEF10]  }
0x13f: {  	v29 =	vadd.s32 $0x1, v2  }
0x140: {  	v30 =	vadd.s32 $0x2, v2;
	_ =	sdelay $0x2  }
0x141: {  	v3 =	vshll.u32 v3, $0x2;
	v2 =	vld.idx.msk [tilespmem:v2+s4+$0x0], $0xffff  }
0x142: {  	v31 =	vor.u32 $0x1, v3;
	v4 =	vld.idx.msk [tilespmem:v29+s4+$0x0], $0xffff  }
0x143: {  	v32 =	vor.u32 $0x2, v3;
	v5 =	vld.idx.msk [tilespmem:v30+s4+$0x0], $0xffff  }
0x144: {  	v33 =	vor.u32 $0x3, v3;
	_ =	sdelay $0x1  }
0x145: {  	[tilespmem:v3+s23+$0x0] =	vst.idx.add.f32.msk $0xffff, v2  }
0x146: {  	[tilespmem:v31+s23+$0x0] =	vst.idx.add.f32.msk $0xffff, v4  }
0x147: {  	[tilespmem:v32+s23+$0x0] =	vst.idx.add.f32.msk $0xffff, v5  }
0x148: {  	[tilespmem:v33+s23+$0x0] =	vst.idx.add.f32.msk $0xffff, v1  }
0x149: {  	v2 =	vld [tilespmem:s30+$0xEB20];
	_ =	sdelay $0x4  }
0x14a: {  	v2 =	vmul.u32 $0x3, v2  }
0x14b: {  	v3 =	vld [tilespmem:s30+$0xEF20]  }
0x14c: {  	v34 =	vadd.s32 $0x1, v2  }
0x14d: {  	v35 =	vadd.s32 $0x2, v2;
	_ =	sdelay $0x2  }
0x14e: {  	v3 =	vshll.u32 v3, $0x2;
	v2 =	vld.idx.msk [tilespmem:v2+s4+$0x0], $0xffff  }
0x14f: {  	v36 =	vor.u32 $0x1, v3;
	v4 =	vld.idx.msk [tilespmem:v34+s4+$0x0], $0xffff  }
0x150: {  	v37 =	vor.u32 $0x2, v3;
	v5 =	vld.idx.msk [tilespmem:v35+s4+$0x0], $0xffff  }
0x151: {  	v38 =	vor.u32 $0x3, v3;
	_ =	sdelay $0x1  }
0x152: {  	[tilespmem:v3+s23+$0x0] =	vst.idx.add.f32.msk $0xffff, v2  }
0x153: {  	[tilespmem:v36+s23+$0x0] =	vst.idx.add.f32.msk $0xffff, v4  }
0x154: {  	[tilespmem:v37+s23+$0x0] =	vst.idx.add.f32.msk $0xffff, v5  }
0x155: {  	[tilespmem:v38+s23+$0x0] =	vst.idx.add.f32.msk $0xffff, v1  }
0x156: {  	v2 =	vld [tilespmem:s30+$0xEB30];
	_ =	sdelay $0x4  }
0x157: {  	v2 =	vmul.u32 $0x3, v2  }
0x158: {  	v3 =	vld [tilespmem:s30+$0xEF30]  }
0x159: {  	v39 =	vadd.s32 $0x1, v2  }
0x15a: {  	v40 =	vadd.s32 $0x2, v2;
	_ =	sdelay $0x2  }
0x15b: {  	v3 =	vshll.u32 v3, $0x2;
	v2 =	vld.idx.msk [tilespmem:v2+s4+$0x0], $0xffff  }
0x15c: {  	v41 =	vor.u32 $0x1, v3;
	v4 =	vld.idx.msk [tilespmem:v39+s4+$0x0], $0xffff  }
0x15d: {  	v42 =	vor.u32 $0x2, v3;
	v5 =	vld.idx.msk [tilespmem:v40+s4+$0x0], $0xffff  }
0x15e: {  	v43 =	vor.u32 $0x3, v3;
	_ =	sdelay $0x1  }
0x15f: {  	[tilespmem:v3+s23+$0x0] =	vst.idx.add.f32.msk $0xffff, v2  }
0x160: {  	[tilespmem:v41+s23+$0x0] =	vst.idx.add.f32.msk $0xffff, v4  }
0x161: {  	[tilespmem:v42+s23+$0x0] =	vst.idx.add.f32.msk $0xffff, v5  }
0x162: {  	[tilespmem:v43+s23+$0x0] =	vst.idx.add.f32.msk $0xffff, v1  }
0x163: {  	v2 =	vld [tilespmem:s30+$0xEB40];
	_ =	sdelay $0x4  }
0x164: {  	v2 =	vmul.u32 $0x3, v2  }
0x165: {  	v3 =	vld [tilespmem:s30+$0xEF40]  }
0x166: {  	v44 =	vadd.s32 $0x1, v2  }
0x167: {  	v45 =	vadd.s32 $0x2, v2;
	_ =	sdelay $0x2  }
0x168: {  	v3 =	vshll.u32 v3, $0x2;
	v2 =	vld.idx.msk [tilespmem:v2+s4+$0x0], $0xffff  }
0x169: {  	v46 =	vor.u32 $0x1, v3;
	v4 =	vld.idx.msk [tilespmem:v44+s4+$0x0], $0xffff  }
0x16a: {  	v47 =	vor.u32 $0x2, v3;
	v5 =	vld.idx.msk [tilespmem:v45+s4+$0x0], $0xffff  }
0x16b: {  	v48 =	vor.u32 $0x3, v3;
	_ =	sdelay $0x1  }
0x16c: {  	[tilespmem:v3+s23+$0x0] =	vst.idx.add.f32.msk $0xffff, v2  }
0x16d: {  	[tilespmem:v46+s23+$0x0] =	vst.idx.add.f32.msk $0xffff, v4  }
0x16e: {  	[tilespmem:v47+s23+$0x0] =	vst.idx.add.f32.msk $0xffff, v5  }
0x16f: {  	[tilespmem:v48+s23+$0x0] =	vst.idx.add.f32.msk $0xffff, v1  }
0x170: {  	v2 =	vld [tilespmem:s30+$0xEB50];
	_ =	sdelay $0x4  }
0x171: {  	v2 =	vmul.u32 $0x3, v2  }
0x172: {  	v3 =	vld [tilespmem:s30+$0xEF50]  }
0x173: {  	v49 =	vadd.s32 $0x1, v2  }
0x174: {  	v50 =	vadd.s32 $0x2, v2;
	_ =	sdelay $0x2  }
0x175: {  	v3 =	vshll.u32 v3, $0x2;
	v2 =	vld.idx.msk [tilespmem:v2+s4+$0x0], $0xffff  }
0x176: {  	v51 =	vor.u32 $0x1, v3;
	v4 =	vld.idx.msk [tilespmem:v49+s4+$0x0], $0xffff  }
0x177: {  	v52 =	vor.u32 $0x2, v3;
	v5 =	vld.idx.msk [tilespmem:v50+s4+$0x0], $0xffff  }
0x178: {  	v53 =	vor.u32 $0x3, v3;
	_ =	sdelay $0x1  }
0x179: {  	[tilespmem:v3+s23+$0x0] =	vst.idx.add.f32.msk $0xffff, v2  }
0x17a: {  	[tilespmem:v51+s23+$0x0] =	vst.idx.add.f32.msk $0xffff, v4  }
0x17b: {  	[tilespmem:v52+s23+$0x0] =	vst.idx.add.f32.msk $0xffff, v5  }
0x17c: {  	[tilespmem:v53+s23+$0x0] =	vst.idx.add.f32.msk $0xffff, v1  }
0x17d: {  	v2 =	vld [tilespmem:s30+$0xEB60];
	_ =	sdelay $0x4  }
0x17e: {  	v2 =	vmul.u32 $0x3, v2  }
0x17f: {  	v3 =	vld [tilespmem:s30+$0xEF60]  }
0x180: {  	v54 =	vadd.s32 $0x1, v2  }
0x181: {  	v55 =	vadd.s32 $0x2, v2;
	_ =	sdelay $0x2  }
0x182: {  	v3 =	vshll.u32 v3, $0x2;
	v2 =	vld.idx.msk [tilespmem:v2+s4+$0x0], $0xffff  }
0x183: {  	v56 =	vor.u32 $0x1, v3;
	v4 =	vld.idx.msk [tilespmem:v54+s4+$0x0], $0xffff  }
0x184: {  	v57 =	vor.u32 $0x2, v3;
	v5 =	vld.idx.msk [tilespmem:v55+s4+$0x0], $0xffff  }
0x185: {  	v58 =	vor.u32 $0x3, v3;
	_ =	sdelay $0x1  }
0x186: {  	[tilespmem:v3+s23+$0x0] =	vst.idx.add.f32.msk $0xffff, v2  }
0x187: {  	[tilespmem:v56+s23+$0x0] =	vst.idx.add.f32.msk $0xffff, v4  }
0x188: {  	[tilespmem:v57+s23+$0x0] =	vst.idx.add.f32.msk $0xffff, v5  }
0x189: {  	[tilespmem:v58+s23+$0x0] =	vst.idx.add.f32.msk $0xffff, v1  }
0x18a: {  	v2 =	vld [tilespmem:s30+$0xEB70];
	_ =	sdelay $0x4  }
0x18b: {  	v2 =	vmul.u32 $0x3, v2  }
0x18c: {  	v3 =	vld [tilespmem:s30+$0xEF70]  }
0x18d: {  	v59 =	vadd.s32 $0x1, v2  }
0x18e: {  	v60 =	vadd.s32 $0x2, v2;
	_ =	sdelay $0x2  }
0x18f: {  	v3 =	vshll.u32 v3, $0x2;
	v2 =	vld.idx.msk [tilespmem:v2+s4+$0x0], $0xffff  }
0x190: {  	v61 =	vor.u32 $0x1, v3;
	v4 =	vld.idx.msk [tilespmem:v59+s4+$0x0], $0xffff  }
0x191: {  	v62 =	vor.u32 $0x2, v3;
	v5 =	vld.idx.msk [tilespmem:v60+s4+$0x0], $0xffff  }
0x192: {  	p0 =	sne.s32 s29, $0xE00;
	v63 =	vor.u32 $0x3, v3  }
.Ltmp7:
0x193: {  	_ = 	snop;
	(pc) =	sbr.rel @p0 .LBB2_17-.Ltmp7, $4  }
0x194: {  	[tilespmem:v3+s23+$0x0] =	vst.idx.add.f32.msk $0xffff, v2  }
0x195: {  	[tilespmem:v61+s23+$0x0] =	vst.idx.add.f32.msk $0xffff, v4  }
0x196: {  	[tilespmem:v62+s23+$0x0] =	vst.idx.add.f32.msk $0xffff, v5  }
0x197: {  	s29 =	sadd.s32 $0x200, s29;
	[tilespmem:v63+s23+$0x0] =	vst.idx.add.f32.msk $0xffff, v1  }
0x198: {  	s28 =	sadd.s32 $0x1, s28  }
0x199: {  	p0 =	sne.s32 s28, $0xA  }
.Ltmp8:
0x19a: {  	_ = 	snop;
	(pc) =	sbr.rel @p0 .LBB2_16-.Ltmp8, $1  }
0x19b: {  	_ =	sdelay $0x3  }
0x19c: {  	[hbm4b:s16+s24] =	stream.strided.scatter [tilespmem:s23], [sflag:$0x1], $0x9E00, s25, s24, $0x38;
	[tilespmem:$0x19100] =	vst v63  }
0x19d: {  	_ =	swait.ge [sflag:s19], $0x9E00  }
0x19e: {  	s28 =	simm.s32 $0x0;
	[sflag:s19] =	ssyncset.done $0x0  }
0x19f: {  	s29 =	simm.s32 $0x40;
	s30 =	simm.s32 $0x0;
	[sflag:s19] =	ssyncadd.s32 $0xFFFF6200  }
.LBB2_20:
0x1a0: {  	p0 =	sne.s32 s29, $0x277C0;
	[tilespmem:s30+$0xF300] =	vst v0;
	s30 =	smov.u32 s29;
	s29 =	sadd.s32 $0x40, s29  }
.Ltmp9:
0x1a1: {  	(pc) =	sbr.rel @p0 .LBB2_20-.Ltmp9, $2  }
0x1a2: {  	_ =	sdelay $0x2  }
0x1a3: {  	s30 =	sshra.s32 s30, $0x2  }
0x1a4: {  	[tilespmem:s30+$0xF300] =	vst v0  }
.LBB2_22:
0x1a5: {  	s29 =	sadd.s32 s13, s28  }
0x1a6: {  	s30 =	sshll.u32 s29, $0x7  }
0x1a7: {  	s29 =	simm.s32 $0x0;
	s31 =	sadd.s32 s12, s30  }
0x1a8: {  	[tilespmem:s21], [sflag:$0x1] =	stream.linear.gather [hbm4b:s31+s29], $0x400, $0x38;
	[tilespmem:$0x19100] =	vst v63  }
0x1a9: {  	_ =	swait.ge [sflag:s19], $0x400  }
0x1aa: {  	[sflag:s19] =	ssyncset.done $0x0  }
0x1ab: {  	s30 =	sadd.s32 s2, s30;
	[sflag:s19] =	ssyncadd.s32 $0xFFFFFC00  }
0x1ac: {  	[tilespmem:s22], [sflag:$0x1] =	stream.linear.gather [hbm4b:s30+s29], $0x400, $0x38;
	[tilespmem:$0x19100] =	vst v63  }
0x1ad: {  	_ =	swait.ge [sflag:s19], $0x400  }
0x1ae: {  	[sflag:s19] =	ssyncset.done $0x0  }
0x1af: {  	[sflag:s19] =	ssyncadd.s32 $0xFFFFFC00  }
.LBB2_23:
0x1b0: {  	s30 =	sshra.s32 s29, $0x2  }
0x1b1: {  	v2 =	vld [tilespmem:s30+$0xEB00];
	_ =	sdelay $0x4  }
0x1b2: {  	v2 =	vmul.u32 $0x3, v2  }
0x1b3: {  	v3 =	vld [tilespmem:s30+$0xEF00]  }
0x1b4: {  	v4 =	vadd.s32 $0x1, v2  }
0x1b5: {  	v5 =	vadd.s32 $0x2, v2;
	_ =	sdelay $0x2  }
0x1b6: {  	v3 =	vshll.u32 v3, $0x2;
	v2 =	vld.idx.msk [tilespmem:v2+s20+$0x0], $0xffff  }
0x1b7: {  	v6 =	vor.u32 $0x1, v3;
	v4 =	vld.idx.msk [tilespmem:v4+s20+$0x0], $0xffff  }
0x1b8: {  	v7 =	vor.u32 $0x2, v3;
	v5 =	vld.idx.msk [tilespmem:v5+s20+$0x0], $0xffff  }
0x1b9: {  	v8 =	vor.u32 $0x3, v3;
	_ =	sdelay $0x1  }
0x1ba: {  	[tilespmem:v3+s23+$0x0] =	vst.idx.add.f32.msk $0xffff, v2  }
0x1bb: {  	[tilespmem:v6+s23+$0x0] =	vst.idx.add.f32.msk $0xffff, v4  }
0x1bc: {  	[tilespmem:v7+s23+$0x0] =	vst.idx.add.f32.msk $0xffff, v5  }
0x1bd: {  	[tilespmem:v8+s23+$0x0] =	vst.idx.add.f32.msk $0xffff, v1  }
0x1be: {  	v2 =	vld [tilespmem:s30+$0xEB10];
	_ =	sdelay $0x4  }
0x1bf: {  	v2 =	vmul.u32 $0x3, v2  }
0x1c0: {  	v3 =	vld [tilespmem:s30+$0xEF10]  }
0x1c1: {  	v29 =	vadd.s32 $0x1, v2  }
0x1c2: {  	v30 =	vadd.s32 $0x2, v2;
	_ =	sdelay $0x2  }
0x1c3: {  	v3 =	vshll.u32 v3, $0x2;
	v2 =	vld.idx.msk [tilespmem:v2+s20+$0x0], $0xffff  }
0x1c4: {  	v31 =	vor.u32 $0x1, v3;
	v4 =	vld.idx.msk [tilespmem:v29+s20+$0x0], $0xffff  }
0x1c5: {  	v32 =	vor.u32 $0x2, v3;
	v5 =	vld.idx.msk [tilespmem:v30+s20+$0x0], $0xffff  }
0x1c6: {  	v33 =	vor.u32 $0x3, v3;
	_ =	sdelay $0x1  }
0x1c7: {  	[tilespmem:v3+s23+$0x0] =	vst.idx.add.f32.msk $0xffff, v2  }
0x1c8: {  	[tilespmem:v31+s23+$0x0] =	vst.idx.add.f32.msk $0xffff, v4  }
0x1c9: {  	[tilespmem:v32+s23+$0x0] =	vst.idx.add.f32.msk $0xffff, v5  }
0x1ca: {  	[tilespmem:v33+s23+$0x0] =	vst.idx.add.f32.msk $0xffff, v1  }
0x1cb: {  	v2 =	vld [tilespmem:s30+$0xEB20];
	_ =	sdelay $0x4  }
0x1cc: {  	v2 =	vmul.u32 $0x3, v2  }
0x1cd: {  	v3 =	vld [tilespmem:s30+$0xEF20]  }
0x1ce: {  	v34 =	vadd.s32 $0x1, v2  }
0x1cf: {  	v35 =	vadd.s32 $0x2, v2;
	_ =	sdelay $0x2  }
0x1d0: {  	v3 =	vshll.u32 v3, $0x2;
	v2 =	vld.idx.msk [tilespmem:v2+s20+$0x0], $0xffff  }
0x1d1: {  	v36 =	vor.u32 $0x1, v3;
	v4 =	vld.idx.msk [tilespmem:v34+s20+$0x0], $0xffff  }
0x1d2: {  	v37 =	vor.u32 $0x2, v3;
	v5 =	vld.idx.msk [tilespmem:v35+s20+$0x0], $0xffff  }
0x1d3: {  	v38 =	vor.u32 $0x3, v3;
	_ =	sdelay $0x1  }
0x1d4: {  	[tilespmem:v3+s23+$0x0] =	vst.idx.add.f32.msk $0xffff, v2  }
0x1d5: {  	[tilespmem:v36+s23+$0x0] =	vst.idx.add.f32.msk $0xffff, v4  }
0x1d6: {  	[tilespmem:v37+s23+$0x0] =	vst.idx.add.f32.msk $0xffff, v5  }
0x1d7: {  	[tilespmem:v38+s23+$0x0] =	vst.idx.add.f32.msk $0xffff, v1  }
0x1d8: {  	v2 =	vld [tilespmem:s30+$0xEB30];
	_ =	sdelay $0x4  }
0x1d9: {  	v2 =	vmul.u32 $0x3, v2  }
0x1da: {  	v3 =	vld [tilespmem:s30+$0xEF30]  }
0x1db: {  	v39 =	vadd.s32 $0x1, v2  }
0x1dc: {  	v40 =	vadd.s32 $0x2, v2;
	_ =	sdelay $0x2  }
0x1dd: {  	v3 =	vshll.u32 v3, $0x2;
	v2 =	vld.idx.msk [tilespmem:v2+s20+$0x0], $0xffff  }
0x1de: {  	v41 =	vor.u32 $0x1, v3;
	v4 =	vld.idx.msk [tilespmem:v39+s20+$0x0], $0xffff  }
0x1df: {  	v42 =	vor.u32 $0x2, v3;
	v5 =	vld.idx.msk [tilespmem:v40+s20+$0x0], $0xffff  }
0x1e0: {  	v43 =	vor.u32 $0x3, v3;
	_ =	sdelay $0x1  }
0x1e1: {  	[tilespmem:v3+s23+$0x0] =	vst.idx.add.f32.msk $0xffff, v2  }
0x1e2: {  	[tilespmem:v41+s23+$0x0] =	vst.idx.add.f32.msk $0xffff, v4  }
0x1e3: {  	[tilespmem:v42+s23+$0x0] =	vst.idx.add.f32.msk $0xffff, v5  }
0x1e4: {  	[tilespmem:v43+s23+$0x0] =	vst.idx.add.f32.msk $0xffff, v1  }
0x1e5: {  	v2 =	vld [tilespmem:s30+$0xEB40];
	_ =	sdelay $0x4  }
0x1e6: {  	v2 =	vmul.u32 $0x3, v2  }
0x1e7: {  	v3 =	vld [tilespmem:s30+$0xEF40]  }
0x1e8: {  	v44 =	vadd.s32 $0x1, v2  }
0x1e9: {  	v45 =	vadd.s32 $0x2, v2;
	_ =	sdelay $0x2  }
0x1ea: {  	v3 =	vshll.u32 v3, $0x2;
	v2 =	vld.idx.msk [tilespmem:v2+s20+$0x0], $0xffff  }
0x1eb: {  	v46 =	vor.u32 $0x1, v3;
	v4 =	vld.idx.msk [tilespmem:v44+s20+$0x0], $0xffff  }
0x1ec: {  	v47 =	vor.u32 $0x2, v3;
	v5 =	vld.idx.msk [tilespmem:v45+s20+$0x0], $0xffff  }
0x1ed: {  	v48 =	vor.u32 $0x3, v3;
	_ =	sdelay $0x1  }
0x1ee: {  	[tilespmem:v3+s23+$0x0] =	vst.idx.add.f32.msk $0xffff, v2  }
0x1ef: {  	[tilespmem:v46+s23+$0x0] =	vst.idx.add.f32.msk $0xffff, v4  }
0x1f0: {  	[tilespmem:v47+s23+$0x0] =	vst.idx.add.f32.msk $0xffff, v5  }
0x1f1: {  	[tilespmem:v48+s23+$0x0] =	vst.idx.add.f32.msk $0xffff, v1  }
0x1f2: {  	v2 =	vld [tilespmem:s30+$0xEB50];
	_ =	sdelay $0x4  }
0x1f3: {  	v2 =	vmul.u32 $0x3, v2  }
0x1f4: {  	v3 =	vld [tilespmem:s30+$0xEF50]  }
0x1f5: {  	v49 =	vadd.s32 $0x1, v2  }
0x1f6: {  	v50 =	vadd.s32 $0x2, v2;
	_ =	sdelay $0x2  }
0x1f7: {  	v3 =	vshll.u32 v3, $0x2;
	v2 =	vld.idx.msk [tilespmem:v2+s20+$0x0], $0xffff  }
0x1f8: {  	v51 =	vor.u32 $0x1, v3;
	v4 =	vld.idx.msk [tilespmem:v49+s20+$0x0], $0xffff  }
0x1f9: {  	v52 =	vor.u32 $0x2, v3;
	v5 =	vld.idx.msk [tilespmem:v50+s20+$0x0], $0xffff  }
0x1fa: {  	v53 =	vor.u32 $0x3, v3;
	_ =	sdelay $0x1  }
0x1fb: {  	[tilespmem:v3+s23+$0x0] =	vst.idx.add.f32.msk $0xffff, v2  }
0x1fc: {  	[tilespmem:v51+s23+$0x0] =	vst.idx.add.f32.msk $0xffff, v4  }
0x1fd: {  	[tilespmem:v52+s23+$0x0] =	vst.idx.add.f32.msk $0xffff, v5  }
0x1fe: {  	[tilespmem:v53+s23+$0x0] =	vst.idx.add.f32.msk $0xffff, v1  }
0x1ff: {  	v2 =	vld [tilespmem:s30+$0xEB60];
	_ =	sdelay $0x4  }
0x200: {  	v2 =	vmul.u32 $0x3, v2  }
0x201: {  	v3 =	vld [tilespmem:s30+$0xEF60]  }
0x202: {  	v54 =	vadd.s32 $0x1, v2  }
0x203: {  	v55 =	vadd.s32 $0x2, v2;
	_ =	sdelay $0x2  }
0x204: {  	v3 =	vshll.u32 v3, $0x2;
	v2 =	vld.idx.msk [tilespmem:v2+s20+$0x0], $0xffff  }
0x205: {  	v56 =	vor.u32 $0x1, v3;
	v4 =	vld.idx.msk [tilespmem:v54+s20+$0x0], $0xffff  }
0x206: {  	v57 =	vor.u32 $0x2, v3;
	v5 =	vld.idx.msk [tilespmem:v55+s20+$0x0], $0xffff  }
0x207: {  	v58 =	vor.u32 $0x3, v3;
	_ =	sdelay $0x1  }
0x208: {  	[tilespmem:v3+s23+$0x0] =	vst.idx.add.f32.msk $0xffff, v2  }
0x209: {  	[tilespmem:v56+s23+$0x0] =	vst.idx.add.f32.msk $0xffff, v4  }
0x20a: {  	[tilespmem:v57+s23+$0x0] =	vst.idx.add.f32.msk $0xffff, v5  }
0x20b: {  	[tilespmem:v58+s23+$0x0] =	vst.idx.add.f32.msk $0xffff, v1  }
0x20c: {  	v2 =	vld [tilespmem:s30+$0xEB70];
	_ =	sdelay $0x4  }
0x20d: {  	v2 =	vmul.u32 $0x3, v2  }
0x20e: {  	v3 =	vld [tilespmem:s30+$0xEF70]  }
0x20f: {  	v59 =	vadd.s32 $0x1, v2  }
0x210: {  	v60 =	vadd.s32 $0x2, v2;
	_ =	sdelay $0x2  }
0x211: {  	v3 =	vshll.u32 v3, $0x2;
	v2 =	vld.idx.msk [tilespmem:v2+s20+$0x0], $0xffff  }
0x212: {  	v61 =	vor.u32 $0x1, v3;
	v4 =	vld.idx.msk [tilespmem:v59+s20+$0x0], $0xffff  }
0x213: {  	v62 =	vor.u32 $0x2, v3;
	v5 =	vld.idx.msk [tilespmem:v60+s20+$0x0], $0xffff  }
0x214: {  	p0 =	sne.s32 s29, $0xE00;
	v63 =	vor.u32 $0x3, v3  }
.Ltmp10:
0x215: {  	_ = 	snop;
	(pc) =	sbr.rel @p0 .LBB2_23-.Ltmp10, $4  }
0x216: {  	[tilespmem:v3+s23+$0x0] =	vst.idx.add.f32.msk $0xffff, v2  }
0x217: {  	[tilespmem:v61+s23+$0x0] =	vst.idx.add.f32.msk $0xffff, v4  }
0x218: {  	[tilespmem:v62+s23+$0x0] =	vst.idx.add.f32.msk $0xffff, v5  }
0x219: {  	s29 =	sadd.s32 $0x200, s29;
	[tilespmem:v63+s23+$0x0] =	vst.idx.add.f32.msk $0xffff, v1  }
0x21a: {  	s28 =	sadd.s32 $0x1, s28  }
0x21b: {  	p0 =	sne.s32 s28, $0xA  }
.Ltmp11:
0x21c: {  	_ = 	snop;
	(pc) =	sbr.rel @p0 .LBB2_22-.Ltmp11, $1  }
0x21d: {  	_ =	sdelay $0x3  }
0x21e: {  	s26 =	sadd.s32 $0x1, s26  }
0x21f: {  	p0 =	sne.s32 s26, s18  }
.Ltmp12:
0x220: {  	_ = 	snop;
	(pc) =	sbr.rel @p0 .LBB2_1-.Ltmp12, $4  }
0x221: {  	[hbm4b:s17+s24] =	stream.strided.scatter [tilespmem:s23], [sflag:$0x1], $0x9E00, s25, s24, $0x38;
	[tilespmem:$0x19100] =	vst v63  }
0x222: {  	_ =	swait.ge [sflag:s19], $0x9E00  }
0x223: {  	[sflag:s19] =	ssyncset.done $0x0  }
0x224: {  	[sflag:s19] =	ssyncadd.s32 $0xFFFF6200  }
0x225: {  	_ =	sfence.sel $0x180000  }
0x226: {  	[bflag:$0x0] =	sbarrier.arrive $0xFFFF  }
0x227: {  	p0 =	sne.s32 s3, $0x0;
	_ =	strace $0x9000004A  }
0x228: {  	s0 =	sadd.s32 @!p0 $0x100000, s0;
	[bflag:$0x2] =	sbarrier.arrive $0xFFFF  }
0x229: {  	[sflag:s0] =	ssyncadd.tile.s32 @!p0 $0x1;
	_ =	shalt  }
.Lfunc_end2:
_tile_overlayer_lowered:
.L_overlay_start_2:
0x22a: {  	(tag) =	ssettag $0x2  }
0x22b: {  	s0 =	rddreg [dreg:$0x0];
	s2 =	stileid.u32  }
0x22c: {  	s1 =	rddreg [dreg:$0x1];
	p0 =	sne.s32 s2, $0x0  }
0x22d: {  	s3 =	rddreg [dreg:$0x2];
	[bflag:$0x3] =	sbarrier.arrive $0xFFFF;
	s2 =	simm.s32 @!p0 $0x1C01  }
0x22e: {  	[timem:s3], [sflag:s2] =	dma.local @!p0 [hbm:s0], s1  }
0x22f: {  	s0 =	simm.s32 @!p0 $0x1  }
0x230: {  	_ =	swait.ge @!p0 [sflag:s0], s1  }
0x231: {  	s1 =	ssub.s32 @!p0 $0x0, s1;
	[sflag:s0] =	ssyncset.done @!p0 $0x0  }
0x232: {  	[sflag:s0] =	ssyncadd.s32 @!p0 s1  }
0x233: {  	[bflag:$0x3] =	sbarrier.arrive $0xFFFF  }
0x234: {  	_ =	shalt  }

// kernel: hetero_sc_z.4.cloned.1.call-start
scs
__scs_entry_jumppad:
0x0: {  	(pc) =	sbr.rel $0x88, $3  }
0x1: {  	(tag) =	ssettag $0x0;
	lr =	simm.s32 $0x1  }
0x2: {  	[smem:$0x3F8B] =	sst lr;
	_ =	strace $0xD0000000  }
0x3: {  	_ = 	snop  }
0x4: {  	_ = 	snop  }
0x5: {  	_ = 	snop  }
0x6: {  	_ = 	snop  }
0x7: {  	_ = 	snop  }
__scs_overlays_trampoline_lowered:
0x8: {  	[smem:$0x3F9A] =	sst s0  }
0x9: {  	[smem:$0x3F9B] =	sst s1  }
0xa: {  	[smem:$0x3F9C] =	sst s2  }
0xb: {  	[smem:$0x3F9D] =	sst s3  }
0xc: {  	[smem:$0x3F9E] =	sst s4  }
0xd: {  	[smem:$0x3F9F] =	sst s5  }
0xe: {  	[smem:$0x3FA0] =	sst s6  }
0xf: {  	[smem:$0x3FA1] =	sst s7  }
0x10: {  	[smem:$0x3FA2] =	sst s8  }
0x11: {  	[smem:$0x3FA3] =	sst s9;
	s0 =	simm.s32 @!p0 $0x0  }
0x12: {  	s1 =	sld [smem:$0x3F89];
	s0 =	simm.s32 @p0 $0x1  }
0x13: {  	[smem:$0x3FA4] =	sst s0;
	s0 =	simm.s32 @!p1 $0x0  }
0x14: {  	s2 =	sld [smem:$0x3F88];
	s0 =	simm.s32 @p1 $0x1  }
0x15: {  	[smem:$0x3FA5] =	sst s0;
	s0 =	simm.s32 @!p2 $0x0  }
0x16: {  	s3 =	sld [smem:$0x3FDB];
	s0 =	simm.s32 @p2 $0x1  }
0x17: {  	s4 =	simm.s32 $0x1BF5;
	[smem:$0x3FA7] =	sst s0  }
0x18: {  	s0 =	sld [smem:$0x3F8A];
	_ =	swait.ge [sflag:s4], $0x0  }
0x19: {  	s7 =	sld [smem:$0x3F8B]  }
0x1a: {  	s8 =	sadd.s32 $0xFFFFE003, lr  }
0x1b: {  	s9 =	sadd.s32 $0xFFFFFEF7, lr;
	s5 =	simm.s32 $0xFFFFFFFF;
	p2 =	slt.u32 s8, $0xFFFFF086  }
0x1c: {  	p1 =	slt.u32 s9, $0xF7A;
	s5 =	simm.s32 @!p2 $0x0  }
0x1d: {  	s5 =	simm.s32 @p1 $0x1;
	p0 =	seq.s32 s7, s2  }
0x1e: {  	s7 =	smul.u32 @!p0 $0xF7A, s2;
	p2 =	seq.s32 @!p0 s5, $0x0  }
0x1f: {  	s9 =	smul.u32 $0xF7A, s1;
	s8 =	simm.s32 @!p0 $0x1BF5;
	p2 =	por !p2, p0  }
0x20: {  	[sflag:s8] =	ssyncset.s32 @!p0 $0xFFFFF086;
	s6 =	sadd.s32 @!p0 s3, s7;
	s7 =	simm.s32 @!p0 $0x108  }
0x21: {  	s3 =	sadd.s32 s3, s9;
	s6 =	sadd.s32 @!p0 $0x88, s6;
	s7 =	simm.s32 @p2 $0x1082  }
0x22: {  	[simem:s7], [sflag:s8] =	dma.local @!p0 [hbm:s6], $0xF7A  }
0x23: {  	s9 =	sor.u32 $0xD0000000, s2;
	s6 =	simm.s32 $0x108;
	_ =	swait.ge @!p0 [sflag:s8], $0x0  }
0x24: {  	s3 =	sadd.s32 $0x88, s3;
	s6 =	simm.s32 @!p1 $0x1082;
	[sflag:s4] =	ssyncset.s32 $0xFFFFF086  }
0x25: {  	[simem:s6], [sflag:s4] =	dma.local [hbm:s3], $0xF7A  }
0x26: {  	[smem:$0x3F8B] =	sst s1;
	(tag) =	ssettag s2;
	_ =	strace s9  }
0x27: {  	s1 =	sld [smem:$0x3F9B]  }
0x28: {  	s2 =	sld [smem:$0x3F9C]  }
0x29: {  	s4 =	sld [smem:$0x3F9E]  }
0x2a: {  	p0 =	seq.s32 s5, $0x0;
	s5 =	sld [smem:$0x3F9F]  }
0x2b: {  	s6 =	sld [smem:$0x3FA0]  }
0x2c: {  	s7 =	sld [smem:$0x3FA1]  }
0x2d: {  	s3 =	simm.s32 $0x108;
	s8 =	sld [smem:$0x3FA2]  }
0x2e: {  	s3 =	simm.s32 @!p0 $0x1082;
	s9 =	sld [smem:$0x3FA3]  }
0x2f: {  	lr =	sadd.s32 s0, s3;
	s0 =	sld [smem:$0x3F9A]  }
0x30: {  	s3 =	sld [smem:$0x3F9D]  }
0x31: {  	[smem:$0x3FA6] =	sst s10  }
0x32: {  	s10 =	sld [smem:$0x3FA4];
	_ =	sdelay $0x3  }
0x33: {  	p0 =	seq.s32 s10, $0x1;
	s10 =	sld [smem:$0x3FA6];
	_ =	sdelay $0x3  }
0x34: {  	[smem:$0x3FA6] =	sst s10  }
0x35: {  	s10 =	sld [smem:$0x3FA5];
	_ =	sdelay $0x3  }
0x36: {  	p1 =	seq.s32 s10, $0x1;
	s10 =	sld [smem:$0x3FA6];
	_ =	sdelay $0x3  }
0x37: {  	[smem:$0x3FA6] =	sst s10  }
0x38: {  	s10 =	sld [smem:$0x3FA7]  }
0x39: {  	_ = 	snop;
	(pc) =	sbr.ind lr, $3  }
0x3a: {  	_ = 	snop  }
0x3b: {  	_ = 	snop  }
0x3c: {  	p2 =	seq.s32 s10, $0x1;
	s10 =	sld [smem:$0x3FA6]  }
0x3d: {  	_ =	shalt  }
0x3e: {  	_ =	shalt  }
0x3f: {  	_ =	shalt  }
0x40: {  	_ =	shalt  }
0x41: {  	_ =	shalt  }
0x42: {  	_ =	shalt  }
0x43: {  	_ =	shalt  }
0x44: {  	_ =	shalt  }
0x45: {  	_ =	shalt  }
0x46: {  	_ =	shalt  }
0x47: {  	_ =	shalt  }
0x48: {  	_ =	shalt  }
0x49: {  	_ =	shalt  }
0x4a: {  	_ =	shalt  }
0x4b: {  	_ =	shalt  }
0x4c: {  	_ =	shalt  }
0x4d: {  	_ =	shalt  }
0x4e: {  	_ =	shalt  }
0x4f: {  	_ =	shalt  }
0x50: {  	_ =	shalt  }
0x51: {  	_ =	shalt  }
0x52: {  	_ =	shalt  }
0x53: {  	_ =	shalt  }
0x54: {  	_ =	shalt  }
0x55: {  	_ =	shalt  }
0x56: {  	_ =	shalt  }
0x57: {  	_ =	shalt  }
0x58: {  	_ =	shalt  }
0x59: {  	_ =	shalt  }
0x5a: {  	_ =	shalt  }
0x5b: {  	_ =	shalt  }
0x5c: {  	_ =	shalt  }
0x5d: {  	_ =	shalt  }
0x5e: {  	_ =	shalt  }
0x5f: {  	_ =	shalt  }
0x60: {  	_ =	shalt  }
0x61: {  	_ =	shalt  }
0x62: {  	_ =	shalt  }
0x63: {  	_ =	shalt  }
0x64: {  	_ =	shalt  }
0x65: {  	_ =	shalt  }
0x66: {  	_ =	shalt  }
0x67: {  	_ =	shalt  }
0x68: {  	_ =	shalt  }
0x69: {  	_ =	shalt  }
0x6a: {  	_ =	shalt  }
0x6b: {  	_ =	shalt  }
0x6c: {  	_ =	shalt  }
0x6d: {  	_ =	shalt  }
0x6e: {  	_ =	shalt  }
0x6f: {  	_ =	shalt  }
0x70: {  	_ =	shalt  }
0x71: {  	_ =	shalt  }
0x72: {  	_ =	shalt  }
0x73: {  	_ =	shalt  }
0x74: {  	_ =	shalt  }
0x75: {  	_ =	shalt  }
0x76: {  	_ =	shalt  }
0x77: {  	_ =	shalt  }
0x78: {  	_ =	shalt  }
0x79: {  	_ =	shalt  }
0x7a: {  	_ =	shalt  }
0x7b: {  	_ =	shalt  }
0x7c: {  	_ =	shalt  }
0x7d: {  	_ =	shalt  }
0x7e: {  	_ =	shalt  }
0x7f: {  	_ =	shalt  }
0x80: {  	_ =	shalt  }
0x81: {  	_ =	shalt  }
0x82: {  	_ =	shalt  }
0x83: {  	_ =	shalt  }
0x84: {  	_ =	shalt  }
0x85: {  	_ =	shalt  }
0x86: {  	_ =	shalt  }
0x87: {  	_ =	shalt  }
.Lfunc_end0:
.L_simem_size_0:
called_computation_lowered:
.L_overlay_start_0:
0x88: {  	s2 =	sld [smem:$0x3FD9]  }
0x89: {  	s3 =	sld [smem:$0x3FFE];
	_ =	sdelay $0x1  }
0x8a: {  	s1 =	srdreg.scid  }
0x8b: {  	s0 =	sand.u32 $0x1, s1  }
0x8c: {  	s14 =	sshll.u32 s0, $0xA;
	s2 =	sadd.s32 s3, s2  }
0x8d: {  	s2 =	sadd.s32 s2, s14  }
0x8e: {  	[smem:$0x3FB2] =	sst s2  }
0x8f: {  	_ = 	snop  }
0x90: {  	s2 =	sld [smem:$0x3FD0];
	_ =	sdelay $0x2  }
0x91: {  	s15 =	simm.s32 $0xC;
	s4 =	simm.s32 $0x10  }
0x92: {  	[smem:s4], [sflag:s15] =	dma.local [hbm:s2], $0x1  }
0x93: {  	_ =	swait.eq [sflag:s15], $0x1  }
0x94: {  	[sflag:s15] =	ssyncset.done $0x0  }
0x95: {  	[sflag:s15] =	ssyncadd.s32 $0xFFFFFFFF  }
0x96: {  	s16 =	sld [smem:$0x11];
	(tm) =	ssettm $0x1  }
0x97: {  	s17 =	sld [smem:$0x3FFB];
	_ =	sdelay $0x3  }
0x98: {  	_ =	strace s17  }
0x99: {  	s3 =	sld [smem:$0x3FFC];
	_ =	sdelay $0x3  }
0x9a: {  	_ =	strace s3  }
0x9b: {  	s3 =	sld [smem:$0x3FFD];
	_ =	sdelay $0x3  }
0x9c: {  	_ =	strace s3  }
0x9d: {  	_ =	strace $0x8FFFFFFF  }
0x9e: {  	s18 =	sld [smem:$0x3FDB];
	_ =	sdelay $0x1  }
0x9f: {  	s19 =	simm.s32 $_scs_section_size  }
0xa0: {  	s5 =	simm.s32 $_size__tile_overlayer_lowered;
	s6 =	simm.s32 $_tile_overlayer_lowered  }
0xa1: {  	s22 =	simm.s32 $0x1BFF;
	s21 =	sshll.u32 s6, $0x1;
	s3 =	sadd.s32 s19, s18  }
0xa2: {  	s7 =	simm.s32 $0x0;
	s20 =	sshll.u32 s5, $0x1;
	s5 =	sadd.s32 s21, s3  }
0xa3: {  	[timem:s7], [sflag:s22] =	dma.local [hbm:s5], s20  }
0xa4: {  	_ =	swait.ge [sflag:s22], s20  }
0xa5: {  	s4 =	ssub.s32 $0x0, s20;
	[sflag:s22] =	ssyncset.done $0x0  }
0xa6: {  	[sflag:s22] =	ssyncadd.s32 s4;
	_ =	sdelay $0x1  }
0xa7: {  	s23 =	simm.s32 $0x1B8B  }
0xa8: {  	_ =	swait.ge [sflag:s23], $0x1  }
0xa9: {  	[sflag:s23] =	ssyncset.done $0x0  }
0xaa: {  	s25 =	simm.s32 $0x1B8E;
	s24 =	sld [smem:$0x3FFE];
	[sflag:s23] =	ssyncadd.s32 $0xFFFFFFFF  }
0xab: {  	s26 =	simm.s32 $execute0_lowered;
	[smem:$0x3FD2] =	sst s25  }
0xac: {  	s5 =	sshll.u32 s26, $0x1;
	_ =	strace $0x80000046;
	[dreg:$0x1] =	wrdreg $0xFFFFFFFF  }
0xad: {  	s28 =	simm.s32 $_size_execute0_lowered;
	s3 =	sadd.s32 s3, s5;
	[dreg:$0x0] =	wrdreg $0x0  }
0xae: {  	s5 =	sshll.u32 s28, $0x1;
	[dreg:$0x2] =	wrdreg s3  }
0xaf: {  	[dreg:$0x3] =	wrdreg s5  }
0xb0: {  	[dreg:$0x4] =	wrdreg $0xC0  }
0xb1: {  	_ =	task [dreg:s7], $0x5FFFF  }
0xb2: {  	[dreg:$0x1] =	wrdreg $0xFFFFFFFF  }
0xb3: {  	[dreg:$0x0] =	wrdreg $0x60  }
0xb4: {  	[dreg:$0x2] =	wrdreg s24  }
0xb5: {  	[dreg:$0x3] =	wrdreg s16  }
0xb6: {  	[dreg:$0x4] =	wrdreg $0x9  }
0xb7: {  	_ =	task.clear_ibuf [dreg:s7], $0x5FFFF;
	_ =	strace $0x90000046  }
0xb8: {  	s29 =	simm.s32 $0x9;
	_ =	strace $0x80000048  }
0xb9: {  	_ =	swait.ge [sflag:s29], $0x1  }
0xba: {  	[sflag:s29] =	ssyncadd.s32 $0xFFFFFFFF  }
0xbb: {  	_ =	strace $0x90000048  }
0xbc: {  	_ =	sfence  }
0xbd: {  	s30 =	sld [smem:$0x0];
	_ =	sdelay $0x2  }
0xbe: {  	s31 =	sshll.u32 s1, $0xD;
	s1 =	sshrl.u32 s1, $0x2  }
0xbf: {  	s3 =	sand.u32 $0x4000, s31;
	s1 =	sadd.s32 s1, s30  }
0xc0: {  	s0 =	sor.u32 s3, s0;
	s1 =	sshll.u32 s1, $0x11  }
0xc1: {  	s0 =	sor.u32 s1, s0  }
0xc2: {  	s0 =	sadd.s32 $0x8F2B, s0  }
0xc3: {  	[sflag:s0] =	ssyncadd.remote.s32 $0x1  }
0xc4: {  	_ =	sfence.sel $0xFFFF  }
0xc5: {  	[dreg:$0x0] =	wrdreg $0xFFFFFFFF;
	(pc) =	sbr.abs _section_cstart, $3  }
0xc6: {  	[dreg:$0x1] =	wrdreg $0xFFFFFFFF  }
0xc7: {  	_ =	task.clear_ibuf [dreg:s7], $0x2FFFF;
	_ =	strace $0x9FFFFFFF  }
0xc8: {  	(tm) =	ssettm $0x7FFFFFFF  }
0xc9: {  	_ =	shalt  }
tec
execute0_lowered:
.L_overlay_start_1:
0x0: {  	(tag) =	ssettag $0x1  }
0x1: {  	s7 =	rddreg [dreg:$0x0]  }
0x2: {  	s2 =	rddreg [dreg:$0x1]  }
0x3: {  	s0 =	rddreg [dreg:$0x2];
	s4 =	srdreg.scid  }
0x4: {  	s3 =	simm.s32 $0x0;
	s1 =	stileid.u32;
	s13 =	simm.s32 $0xA580  }
0x5: {  	s14 =	simm.s32 $0xA600;
	s15 =	simm.s32 $0xA680;
	s16 =	simm.s32 $0x80  }
0x6: {  	s17 =	simm.s32 $0x400;
	s18 =	simm.s32 $0x0;
	s9 =	sand.u32 $0x1, s4  }
0x7: {  	[smem:$0x7FF] =	sst s3;
	s8 =	sshrl.u32 s1, $0x3;
	s4 =	sadd.s32 $0x28E00, s7  }
0x8: {  	s5 =	sadd.s32 $0x3E200, s7;
	s6 =	sadd.s32 $0x29E00, s7;
	s10 =	smul.u32 $0xED000, s9  }
0x9: {  	s12 =	sshll.u32 s1, $0x7;
	_ =	strace $0x80000047;
	s11 =	smul.u32 $0x76800, s8  }
0xa: {  	s12 =	sand.u32 $0x380, s12;
	s8 =	sshll.u32 s8, $0xA;
	s30 =	ssub.s32 $0x2, s9  }
0xb: {  	s9 =	smul.u32 $0x28000, s9;
	s8 =	sor.u32 s12, s8;
	s10 =	sadd.s32 s10, s11  }
0xc: {  	s31 =	sshrl.u32 s30, $0x1;
	s8 =	sshrl.u32 s8, $0x3;
	s10 =	sor.u32 s12, s10  }
0xd: {  	s11 =	ssub.s32 s30, s31;
	s8 =	sadd.s32 s8, s7;
	s10 =	sshrl.u32 s10, $0x3  }
0xe: {  	s11 =	smax.u32 s11, $0x1;
	s12 =	simm.s32 $0x1;
	s10 =	sadd.s32 s10, s7  }
0xf: {  	v0 =	vimm.f32 $0.0e+00;
	s7 =	sadd.s32 $0x33E00, s8;
	s8 =	sadd.s32 $0x34000, s8;
	s10 =	sadd.s32 $0x52200, s10  }
.LBB2_1:
0x10: {  	[tilespmem:s3], [sflag:$0x1] =	stream.linear.gather [hbm4b:s4+s3], $0x7580, $0x38;
	[tilespmem:$0x19380] =	vst v63  }
0x11: {  	_ =	swait.ge [sflag:s12], $0x7580  }
0x12: {  	[sflag:s12] =	ssyncset.done $0x0  }
0x13: {  	[sflag:s12] =	ssyncadd.s32 $0xFFFF8A80  }
0x14: {  	[tilespmem:s13], [sflag:$0x1] =	stream.linear.gather [hbm4b:s7+s3], $0x80, $0x38;
	[tilespmem:$0x19380] =	vst v63  }
0x15: {  	_ =	swait.ge [sflag:s12], $0x80  }
0x16: {  	[sflag:s12] =	ssyncset.done $0x0  }
0x17: {  	[sflag:s12] =	ssyncadd.s32 $0xFFFFFF80  }
0x18: {  	[tilespmem:s14], [sflag:$0x1] =	stream.linear.gather [hbm4b:s8+s3], $0x80, $0x38;
	[tilespmem:$0x19380] =	vst v63  }
0x19: {  	_ =	swait.ge [sflag:s12], $0x80  }
0x1a: {  	[sflag:s12] =	ssyncset.done $0x0  }
0x1b: {  	s19 =	simm.s32 $0x40;
	s20 =	simm.s32 $0x0;
	[sflag:s12] =	ssyncadd.s32 $0xFFFFFF80  }
.LBB2_2:
0x1c: {  	p0 =	sne.s32 s19, $0x3B3C0;
	[tilespmem:s20+$0xA680] =	vst v0;
	s20 =	smov.u32 s19;
	s19 =	sadd.s32 $0x40, s19  }
.Ltmp0:
0x1d: {  	(pc) =	sbr.rel @p0 .LBB2_2-.Ltmp0, $2  }
0x1e: {  	_ =	sdelay $0x2  }
0x1f: {  	s20 =	sshra.s32 s20, $0x2  }
0x20: {  	[tilespmem:s20+$0xA680] =	vst v0  }
0x21: {  	v3 =	vld [tilespmem:$0xA580]  }
0x22: {  	v4 =	vld [tilespmem:$0xA600];
	_ =	sdelay $0x4  }
0x23: {  	v1 =	vbroadcast v3, $0x0;
	v2 =	vbroadcast v4, $0x0  }
0x24: {  	s19 =	simm.s32 $0x0;
	s20 =	simm.s32 $0x0;
	v3 =	vbroadcast v3, $0x1;
	v4 =	vbroadcast v4, $0x1  }
.LBB2_4:
0x25: {  	s21 =	sshll.u32 s20, $0xC  }
0x26: {  	s21 =	sadd.s32 s9, s21  }
0x27: {  	s23 =	sshrl.u32 s21, $0x3  }
0x28: {  	s21 =	simm.s32 $0x7580;
	s22 =	sadd.s32 s2, s23  }
0x29: {  	[tilespmem:s21], [sflag:$0x1] =	stream.linear.gather [hbm4b:s22+s19], $0x1000, $0x38;
	[tilespmem:$0x19380] =	vst v63  }
0x2a: {  	_ =	swait.ge [sflag:s12], $0x1000  }
0x2b: {  	[sflag:s12] =	ssyncset.done $0x0  }
0x2c: {  	s24 =	sadd.s32 s5, s23;
	s22 =	simm.s32 $0x8580;
	[sflag:s12] =	ssyncadd.s32 $0xFFFFF000  }
0x2d: {  	[tilespmem:s22], [sflag:$0x1] =	stream.linear.gather [hbm4b:s24+s19], $0x1000, $0x38;
	[tilespmem:$0x19380] =	vst v63  }
0x2e: {  	_ =	swait.ge [sflag:s12], $0x1000  }
0x2f: {  	[sflag:s12] =	ssyncset.done $0x0  }
0x30: {  	s31 =	sadd.s32 s6, s23;
	s23 =	simm.s32 $0x9580;
	[sflag:s12] =	ssyncadd.s32 $0xFFFFF000  }
0x31: {  	[tilespmem:s23], [sflag:$0x1] =	stream.linear.gather [hbm4b:s31+s19], $0x1000, $0x38;
	[tilespmem:$0x19380] =	vst v63  }
0x32: {  	_ =	swait.ge [sflag:s12], $0x1000  }
0x33: {  	[sflag:s12] =	ssyncset.done $0x0  }
0x34: {  	s24 =	simm.s32 $0x0;
	[sflag:s12] =	ssyncadd.s32 $0xFFFFF000  }
.LBB2_5:
0x35: {  	v5 =	vmov s21;
	_ =	sdelay $0x3  }
0x36: {  	s25 =	simm.s32 $0x0  }
0x37: {  	v8 =	vld.idx.msk [tilespmem:v5+s25+$0x0 ss:$0x1], $0xffff  }
0x38: {  	v6 =	vmov s23  }
0x39: {  	v7 =	vmov s22;
	_ =	sdelay $0x2  }
0x3a: {  	v8 =	vmul.u32 $0x3, v8  }
0x3b: {  	v9 =	vld.idx.msk [tilespmem:v6+s25+$0x0 ss:$0x1], $0xffff  }
0x3c: {  	v10 =	vld.idx.msk [tilespmem:v7+s25+$0x0 ss:$0x1], $0xffff;
	v11 =	vadd.s32 $0x1, v8  }
0x3d: {  	v12 =	vadd.s32 $0x2, v8;
	_ =	sdelay $0x2  }
0x3e: {  	v13 =	vmul.f32 v9, v1;
	v8 =	vld.idx.msk [tilespmem:v8+s3+$0x0], $0xffff  }
0x3f: {  	v10 =	vmul.u32 $0x6, v10;
	v11 =	vld.idx.msk [tilespmem:v11+s3+$0x0], $0xffff  }
0x40: {  	v13 =	vadd.f32 v13, v2;
	v12 =	vld.idx.msk [tilespmem:v12+s3+$0x0], $0xffff  }
0x41: {  	v9 =	vmul.f32 v9, v3;
	v14 =	vor.u32 $0x1, v10  }
0x42: {  	v15 =	vadd.s32 $0x2, v10;
	v13 =	vmax.f32 v13, $0.0e+00  }
0x43: {  	v9 =	vadd.f32 v9, v4;
	v17 =	vadd.s32 $0x3, v10;
	v16 =	vmul.f32 v13, v8  }
0x44: {  	v18 =	vmul.f32 v13, v11  }
0x45: {  	v9 =	vmax.f32 v9, $0.0e+00;
	v13 =	vmul.f32 v12, v13;
	[tilespmem:v10+s15+$0x0] =	vst.idx.add.f32.msk $0xffff, v16  }
0x46: {  	v19 =	vadd.s32 $0x4, v10;
	v8 =	vmul.f32 v9, v8;
	[tilespmem:v14+s15+$0x0] =	vst.idx.add.f32.msk $0xffff, v18  }
0x47: {  	[tilespmem:v15+s15+$0x0] =	vst.idx.add.f32.msk $0xffff, v13  }
0x48: {  	[tilespmem:v17+s15+$0x0] =	vst.idx.add.f32.msk $0xffff, v8;
	v8 =	vadd.s32 $0x5, v10  }
0x49: {  	v11 =	vmul.f32 v9, v11;
	_ =	sdelay $0x1  }
0x4a: {  	s26 =	simm.s32 $0x80;
	s25 =	simm.s32 $0x40;
	v9 =	vmul.f32 v12, v9;
	[tilespmem:v19+s15+$0x0] =	vst.idx.add.f32.msk $0xffff, v11  }
.LBB2_6:
0x4b: {  	p0 =	sne.s32 s26, $0x1C0  }
0x4c: {  	s28 =	sshra.s32 s25, $0x2;
	[tilespmem:v8+s15+$0x0] =	vst.idx.add.f32.msk $0xffff, v9;
	s25 =	smov.u32 s26;
	s26 =	sadd.s32 $0x40, s26  }
0x4d: {  	v8 =	vld.idx.msk [tilespmem:v5+s28+$0x0 ss:$0x1], $0xffff;
	_ =	sdelay $0x5  }
0x4e: {  	v8 =	vmul.u32 $0x3, v8  }
0x4f: {  	v9 =	vld.idx.msk [tilespmem:v6+s28+$0x0 ss:$0x1], $0xffff  }
0x50: {  	v11 =	vadd.s32 $0x1, v8;
	v12 =	vadd.s32 $0x2, v8;
	v10 =	vld.idx.msk [tilespmem:v7+s28+$0x0 ss:$0x1], $0xffff;
	_ =	sdelay $0x3  }
0x51: {  	v13 =	vld.idx.msk [tilespmem:v8+s3+$0x0], $0xffff  }
0x52: {  	v8 =	vmul.f32 v9, v1;
	v9 =	vmul.f32 v9, v3;
	v11 =	vld.idx.msk [tilespmem:v11+s3+$0x0], $0xffff  }
0x53: {  	v10 =	vmul.u32 $0x6, v10;
	v12 =	vld.idx.msk [tilespmem:v12+s3+$0x0], $0xffff  }
0x54: {  	v8 =	vadd.f32 v8, v2;
	v9 =	vadd.f32 v9, v4  }
0x55: {  	v14 =	vor.u32 $0x1, v10  }
0x56: {  	v15 =	vadd.s32 $0x2, v10;
	v8 =	vmax.f32 v8, $0.0e+00  }
0x57: {  	v17 =	vadd.s32 $0x3, v10;
	v16 =	vmul.f32 v8, v13  }
0x58: {  	v19 =	vadd.s32 $0x4, v10;
	v18 =	vmul.f32 v8, v11  }
.Ltmp1:
0x59: {  	v9 =	vmax.f32 v9, $0.0e+00;
	[tilespmem:v10+s15+$0x0] =	vst.idx.add.f32.msk $0xffff, v16;
	v16 =	vmul.f32 v12, v8;
	v8 =	vadd.s32 $0x5, v10;
	(pc) =	sbr.rel @p0 .LBB2_6-.Ltmp1, $4  }
0x5a: {  	v10 =	vmul.f32 v9, v13;
	[tilespmem:v14+s15+$0x0] =	vst.idx.add.f32.msk $0xffff, v18  }
0x5b: {  	v11 =	vmul.f32 v9, v11;
	[tilespmem:v15+s15+$0x0] =	vst.idx.add.f32.msk $0xffff, v16  }
0x5c: {  	v9 =	vmul.f32 v12, v9;
	[tilespmem:v17+s15+$0x0] =	vst.idx.add.f32.msk $0xffff, v10  }
0x5d: {  	[tilespmem:v19+s15+$0x0] =	vst.idx.add.f32.msk $0xffff, v11  }
0x5e: {  	_ =	sdelay $0x3  }
0x5f: {  	s25 =	sshra.s32 s25, $0x2;
	[tilespmem:v8+s15+$0x0] =	vst.idx.add.f32.msk $0xffff, v9  }
0x60: {  	v5 =	vld.idx.msk [tilespmem:v5+s25+$0x0 ss:$0x1], $0xffff;
	_ =	sdelay $0x4  }
0x61: {  	v5 =	vmul.u32 $0x3, v5  }
0x62: {  	v6 =	vld.idx.msk [tilespmem:v6+s25+$0x0 ss:$0x1], $0xffff  }
0x63: {  	v7 =	vld.idx.msk [tilespmem:v7+s25+$0x0 ss:$0x1], $0xffff;
	v62 =	vadd.s32 $0x1, v5  }
0x64: {  	v63 =	vadd.s32 $0x2, v5;
	_ =	sdelay $0x2  }
0x65: {  	v10 =	vmul.f32 v6, v1;
	v5 =	vld.idx.msk [tilespmem:v5+s3+$0x0], $0xffff  }
0x66: {  	v7 =	vmul.u32 $0x6, v7;
	v8 =	vld.idx.msk [tilespmem:v62+s3+$0x0], $0xffff  }
0x67: {  	v10 =	vadd.f32 v10, v2;
	v9 =	vld.idx.msk [tilespmem:v63+s3+$0x0], $0xffff  }
0x68: {  	v6 =	vmul.f32 v6, v3;
	v11 =	vor.u32 $0x1, v7  }
0x69: {  	v12 =	vadd.s32 $0x2, v7;
	v10 =	vmax.f32 v10, $0.0e+00  }
0x6a: {  	v6 =	vadd.f32 v6, v4;
	v14 =	vadd.s32 $0x3, v7;
	v13 =	vmul.f32 v10, v5  }
0x6b: {  	s24 =	sadd.s32 $0x1, s24;
	v16 =	vadd.s32 $0x4, v7;
	v15 =	vmul.f32 v10, v8  }
0x6c: {  	p0 =	sne.s32 s24, $0x20;
	v6 =	vmax.f32 v6, $0.0e+00;
	v10 =	vmul.f32 v9, v10;
	[tilespmem:v7+s15+$0x0] =	vst.idx.add.f32.msk $0xffff, v13;
	v7 =	vadd.s32 $0x5, v7  }
.Ltmp2:
0x6d: {  	v5 =	vmul.f32 v6, v5;
	[tilespmem:v11+s15+$0x0] =	vst.idx.add.f32.msk $0xffff, v15;
	(pc) =	sbr.rel @p0 .LBB2_5-.Ltmp2, $4  }
0x6e: {  	v8 =	vmul.f32 v6, v8;
	[tilespmem:v12+s15+$0x0] =	vst.idx.add.f32.msk $0xffff, v10  }
0x6f: {  	[tilespmem:v14+s15+$0x0] =	vst.idx.add.f32.msk $0xffff, v5;
	v5 =	vmul.f32 v9, v6  }
0x70: {  	[tilespmem:v16+s15+$0x0] =	vst.idx.add.f32.msk $0xffff, v8  }
0x71: {  	s22 =	sadd.s32 $0x80, s22;
	s23 =	sadd.s32 $0x80, s23;
	s21 =	sadd.s32 $0x80, s21;
	[tilespmem:v7+s15+$0x0] =	vst.idx.add.f32.msk $0xffff, v5  }
0x72: {  	s20 =	sadd.s32 $0x1, s20  }
0x73: {  	p0 =	sne.s32 s20, $0x28  }
.Ltmp3:
0x74: {  	_ = 	snop;
	(pc) =	sbr.rel @p0 .LBB2_4-.Ltmp3, $1  }
0x75: {  	_ =	sdelay $0x3  }
0x76: {  	s18 =	sadd.s32 $0x1, s18  }
0x77: {  	p0 =	sne.s32 s18, s11  }
.Ltmp4:
0x78: {  	_ = 	snop;
	(pc) =	sbr.rel @p0 .LBB2_1-.Ltmp4, $4  }
0x79: {  	[hbm4b:s10+s16] =	stream.strided.scatter [tilespmem:s15], [sflag:$0x1], $0xED00, s17, s16, $0x38;
	[tilespmem:$0x19380] =	vst v63  }
0x7a: {  	_ =	swait.ge [sflag:s12], $0xED00  }
0x7b: {  	[sflag:s12] =	ssyncset.done $0x0  }
0x7c: {  	[sflag:s12] =	ssyncadd.s32 $0xFFFF1300  }
0x7d: {  	_ =	sfence.sel $0x180000  }
0x7e: {  	[bflag:$0x0] =	sbarrier.arrive $0xFFFF  }
0x7f: {  	p0 =	sne.s32 s1, $0x0;
	_ =	strace $0x90000047  }
0x80: {  	s0 =	sadd.s32 @!p0 $0x100000, s0;
	[bflag:$0x2] =	sbarrier.arrive $0xFFFF  }
0x81: {  	[sflag:s0] =	ssyncadd.tile.s32 @!p0 $0x1;
	_ =	shalt  }
.Lfunc_end2:
_tile_overlayer_lowered:
.L_overlay_start_2:
0x82: {  	(tag) =	ssettag $0x2  }
0x83: {  	s0 =	rddreg [dreg:$0x0];
	s2 =	stileid.u32  }
0x84: {  	s1 =	rddreg [dreg:$0x1];
	p0 =	sne.s32 s2, $0x0  }
0x85: {  	s3 =	rddreg [dreg:$0x2];
	[bflag:$0x3] =	sbarrier.arrive $0xFFFF;
	s2 =	simm.s32 @!p0 $0x1C01  }
0x86: {  	[timem:s3], [sflag:s2] =	dma.local @!p0 [hbm:s0], s1  }
0x87: {  	s0 =	simm.s32 @!p0 $0x1  }
0x88: {  	_ =	swait.ge @!p0 [sflag:s0], s1  }
0x89: {  	s1 =	ssub.s32 @!p0 $0x0, s1;
	[sflag:s0] =	ssyncset.done @!p0 $0x0  }
0x8a: {  	[sflag:s0] =	ssyncadd.s32 @!p0 s1  }
0x8b: {  	[bflag:$0x3] =	sbarrier.arrive $0xFFFF  }
0x8c: {  	_ =	shalt  }

// kernel: hetero_sc_z.7.cloned.1.call-start
scs
__scs_entry_jumppad:
0x0: {  	(pc) =	sbr.rel $0x88, $3  }
0x1: {  	(tag) =	ssettag $0x0;
	lr =	simm.s32 $0x1  }
0x2: {  	[smem:$0x3F8B] =	sst lr;
	_ =	strace $0xD0000000  }
0x3: {  	_ = 	snop  }
0x4: {  	_ = 	snop  }
0x5: {  	_ = 	snop  }
0x6: {  	_ = 	snop  }
0x7: {  	_ = 	snop  }
__scs_overlays_trampoline_lowered:
0x8: {  	[smem:$0x3F9A] =	sst s0  }
0x9: {  	[smem:$0x3F9B] =	sst s1  }
0xa: {  	[smem:$0x3F9C] =	sst s2  }
0xb: {  	[smem:$0x3F9D] =	sst s3  }
0xc: {  	[smem:$0x3F9E] =	sst s4  }
0xd: {  	[smem:$0x3F9F] =	sst s5  }
0xe: {  	[smem:$0x3FA0] =	sst s6  }
0xf: {  	[smem:$0x3FA1] =	sst s7  }
0x10: {  	[smem:$0x3FA2] =	sst s8  }
0x11: {  	[smem:$0x3FA3] =	sst s9;
	s0 =	simm.s32 @!p0 $0x0  }
0x12: {  	s1 =	sld [smem:$0x3F89];
	s0 =	simm.s32 @p0 $0x1  }
0x13: {  	[smem:$0x3FA4] =	sst s0;
	s0 =	simm.s32 @!p1 $0x0  }
0x14: {  	s2 =	sld [smem:$0x3F88];
	s0 =	simm.s32 @p1 $0x1  }
0x15: {  	[smem:$0x3FA5] =	sst s0;
	s0 =	simm.s32 @!p2 $0x0  }
0x16: {  	s3 =	sld [smem:$0x3FDB];
	s0 =	simm.s32 @p2 $0x1  }
0x17: {  	s4 =	simm.s32 $0x1BF5;
	[smem:$0x3FA7] =	sst s0  }
0x18: {  	s0 =	sld [smem:$0x3F8A];
	_ =	swait.ge [sflag:s4], $0x0  }
0x19: {  	s7 =	sld [smem:$0x3F8B]  }
0x1a: {  	s8 =	sadd.s32 $0xFFFFE003, lr  }
0x1b: {  	s9 =	sadd.s32 $0xFFFFFEF7, lr;
	s5 =	simm.s32 $0xFFFFFFFF;
	p2 =	slt.u32 s8, $0xFFFFF086  }
0x1c: {  	p1 =	slt.u32 s9, $0xF7A;
	s5 =	simm.s32 @!p2 $0x0  }
0x1d: {  	s5 =	simm.s32 @p1 $0x1;
	p0 =	seq.s32 s7, s2  }
0x1e: {  	s7 =	smul.u32 @!p0 $0xF7A, s2;
	p2 =	seq.s32 @!p0 s5, $0x0  }
0x1f: {  	s9 =	smul.u32 $0xF7A, s1;
	s8 =	simm.s32 @!p0 $0x1BF5;
	p2 =	por !p2, p0  }
0x20: {  	[sflag:s8] =	ssyncset.s32 @!p0 $0xFFFFF086;
	s6 =	sadd.s32 @!p0 s3, s7;
	s7 =	simm.s32 @!p0 $0x108  }
0x21: {  	s3 =	sadd.s32 s3, s9;
	s6 =	sadd.s32 @!p0 $0x88, s6;
	s7 =	simm.s32 @p2 $0x1082  }
0x22: {  	[simem:s7], [sflag:s8] =	dma.local @!p0 [hbm:s6], $0xF7A  }
0x23: {  	s9 =	sor.u32 $0xD0000000, s2;
	s6 =	simm.s32 $0x108;
	_ =	swait.ge @!p0 [sflag:s8], $0x0  }
0x24: {  	s3 =	sadd.s32 $0x88, s3;
	s6 =	simm.s32 @!p1 $0x1082;
	[sflag:s4] =	ssyncset.s32 $0xFFFFF086  }
0x25: {  	[simem:s6], [sflag:s4] =	dma.local [hbm:s3], $0xF7A  }
0x26: {  	[smem:$0x3F8B] =	sst s1;
	(tag) =	ssettag s2;
	_ =	strace s9  }
0x27: {  	s1 =	sld [smem:$0x3F9B]  }
0x28: {  	s2 =	sld [smem:$0x3F9C]  }
0x29: {  	s4 =	sld [smem:$0x3F9E]  }
0x2a: {  	p0 =	seq.s32 s5, $0x0;
	s5 =	sld [smem:$0x3F9F]  }
0x2b: {  	s6 =	sld [smem:$0x3FA0]  }
0x2c: {  	s7 =	sld [smem:$0x3FA1]  }
0x2d: {  	s3 =	simm.s32 $0x108;
	s8 =	sld [smem:$0x3FA2]  }
0x2e: {  	s3 =	simm.s32 @!p0 $0x1082;
	s9 =	sld [smem:$0x3FA3]  }
0x2f: {  	lr =	sadd.s32 s0, s3;
	s0 =	sld [smem:$0x3F9A]  }
0x30: {  	s3 =	sld [smem:$0x3F9D]  }
0x31: {  	[smem:$0x3FA6] =	sst s10  }
0x32: {  	s10 =	sld [smem:$0x3FA4];
	_ =	sdelay $0x3  }
0x33: {  	p0 =	seq.s32 s10, $0x1;
	s10 =	sld [smem:$0x3FA6];
	_ =	sdelay $0x3  }
0x34: {  	[smem:$0x3FA6] =	sst s10  }
0x35: {  	s10 =	sld [smem:$0x3FA5];
	_ =	sdelay $0x3  }
0x36: {  	p1 =	seq.s32 s10, $0x1;
	s10 =	sld [smem:$0x3FA6];
	_ =	sdelay $0x3  }
0x37: {  	[smem:$0x3FA6] =	sst s10  }
0x38: {  	s10 =	sld [smem:$0x3FA7]  }
0x39: {  	_ = 	snop;
	(pc) =	sbr.ind lr, $3  }
0x3a: {  	_ = 	snop  }
0x3b: {  	_ = 	snop  }
0x3c: {  	p2 =	seq.s32 s10, $0x1;
	s10 =	sld [smem:$0x3FA6]  }
0x3d: {  	_ =	shalt  }
0x3e: {  	_ =	shalt  }
0x3f: {  	_ =	shalt  }
0x40: {  	_ =	shalt  }
0x41: {  	_ =	shalt  }
0x42: {  	_ =	shalt  }
0x43: {  	_ =	shalt  }
0x44: {  	_ =	shalt  }
0x45: {  	_ =	shalt  }
0x46: {  	_ =	shalt  }
0x47: {  	_ =	shalt  }
0x48: {  	_ =	shalt  }
0x49: {  	_ =	shalt  }
0x4a: {  	_ =	shalt  }
0x4b: {  	_ =	shalt  }
0x4c: {  	_ =	shalt  }
0x4d: {  	_ =	shalt  }
0x4e: {  	_ =	shalt  }
0x4f: {  	_ =	shalt  }
0x50: {  	_ =	shalt  }
0x51: {  	_ =	shalt  }
0x52: {  	_ =	shalt  }
0x53: {  	_ =	shalt  }
0x54: {  	_ =	shalt  }
0x55: {  	_ =	shalt  }
0x56: {  	_ =	shalt  }
0x57: {  	_ =	shalt  }
0x58: {  	_ =	shalt  }
0x59: {  	_ =	shalt  }
0x5a: {  	_ =	shalt  }
0x5b: {  	_ =	shalt  }
0x5c: {  	_ =	shalt  }
0x5d: {  	_ =	shalt  }
0x5e: {  	_ =	shalt  }
0x5f: {  	_ =	shalt  }
0x60: {  	_ =	shalt  }
0x61: {  	_ =	shalt  }
0x62: {  	_ =	shalt  }
0x63: {  	_ =	shalt  }
0x64: {  	_ =	shalt  }
0x65: {  	_ =	shalt  }
0x66: {  	_ =	shalt  }
0x67: {  	_ =	shalt  }
0x68: {  	_ =	shalt  }
0x69: {  	_ =	shalt  }
0x6a: {  	_ =	shalt  }
0x6b: {  	_ =	shalt  }
0x6c: {  	_ =	shalt  }
0x6d: {  	_ =	shalt  }
0x6e: {  	_ =	shalt  }
0x6f: {  	_ =	shalt  }
0x70: {  	_ =	shalt  }
0x71: {  	_ =	shalt  }
0x72: {  	_ =	shalt  }
0x73: {  	_ =	shalt  }
0x74: {  	_ =	shalt  }
0x75: {  	_ =	shalt  }
0x76: {  	_ =	shalt  }
0x77: {  	_ =	shalt  }
0x78: {  	_ =	shalt  }
0x79: {  	_ =	shalt  }
0x7a: {  	_ =	shalt  }
0x7b: {  	_ =	shalt  }
0x7c: {  	_ =	shalt  }
0x7d: {  	_ =	shalt  }
0x7e: {  	_ =	shalt  }
0x7f: {  	_ =	shalt  }
0x80: {  	_ =	shalt  }
0x81: {  	_ =	shalt  }
0x82: {  	_ =	shalt  }
0x83: {  	_ =	shalt  }
0x84: {  	_ =	shalt  }
0x85: {  	_ =	shalt  }
0x86: {  	_ =	shalt  }
0x87: {  	_ =	shalt  }
.Lfunc_end0:
.L_simem_size_0:
called_computation.1_lowered:
.L_overlay_start_0:
0x88: {  	s2 =	sld [smem:$0x3FD9]  }
0x89: {  	s3 =	sld [smem:$0x3FFE];
	_ =	sdelay $0x1  }
0x8a: {  	s1 =	srdreg.scid  }
0x8b: {  	s0 =	sand.u32 $0x1, s1  }
0x8c: {  	s17 =	sshll.u32 s0, $0xA;
	s2 =	sadd.s32 s3, s2  }
0x8d: {  	s2 =	sadd.s32 s2, s17  }
0x8e: {  	[smem:$0x3FB2] =	sst s2  }
0x8f: {  	_ = 	snop  }
0x90: {  	(tm) =	ssettm $0x1  }
0x91: {  	s18 =	sld [smem:$0x3FFB];
	_ =	sdelay $0x3  }
0x92: {  	_ =	strace s18  }
0x93: {  	s2 =	sld [smem:$0x3FFC];
	_ =	sdelay $0x3  }
0x94: {  	_ =	strace s2  }
0x95: {  	s2 =	sld [smem:$0x3FFD];
	_ =	sdelay $0x3  }
0x96: {  	_ =	strace s2  }
0x97: {  	_ =	strace $0x8FFFFFFF  }
0x98: {  	s19 =	sld [smem:$0x3FDB];
	_ =	sdelay $0x1  }
0x99: {  	s20 =	simm.s32 $_scs_section_size  }
0x9a: {  	s4 =	simm.s32 $_size__tile_overlayer_lowered;
	s5 =	simm.s32 $_tile_overlayer_lowered  }
0x9b: {  	s6 =	simm.s32 $0x1BFF;
	s21 =	sshll.u32 s5, $0x1;
	s3 =	sadd.s32 s20, s19  }
0x9c: {  	s22 =	simm.s32 $0x0;
	s4 =	sshll.u32 s4, $0x1;
	s5 =	sadd.s32 s21, s3  }
0x9d: {  	[timem:s22], [sflag:s6] =	dma.local [hbm:s5], s4  }
0x9e: {  	_ =	swait.ge [sflag:s6], s4  }
0x9f: {  	s4 =	ssub.s32 $0x0, s4;
	[sflag:s6] =	ssyncset.done $0x0  }
0xa0: {  	[sflag:s6] =	ssyncadd.s32 s4;
	_ =	sdelay $0x1  }
0xa1: {  	s23 =	simm.s32 $0x1B8B  }
0xa2: {  	_ =	swait.ge [sflag:s23], $0x1  }
0xa3: {  	[sflag:s23] =	ssyncset.done $0x0  }
0xa4: {  	[sflag:s23] =	ssyncadd.s32 $0xFFFFFFFF  }
0xa5: {  	s4 =	sld [smem:$0x0]  }
0xa6: {  	s5 =	sand.u32 $0xFFFFFFFE, s1  }
0xa7: {  	p0 =	sne.s32 s1, s5  }
0xa8: {  	s5 =	sshll.u32 @p0 s5, $0xE  }
0xa9: {  	s5 =	sadd.s32 @p0 $0x11B8D, s5;
	s6 =	sshll.u32 @p0 s4, $0x11  }
0xaa: {  	s5 =	sor.u32 @p0 s6, s5  }
0xab: {  	[sflag:s5] =	ssyncadd.remote.s32 @p0 $0x1;
	_ =	sdelay $0x1  }
0xac: {  	s5 =	simm.s32 @p0 $0x1B8D  }
0xad: {  	_ =	swait.eq @p0 [sflag:s5], $0x1  }
0xae: {  	[sflag:s5] =	ssyncadd.s32 @p0 $0xFFFFFFFF  }
0xaf: {  	s6 =	sshll.u32 @!p0 s1, $0xE  }
0xb0: {  	s6 =	sor.u32 @!p0 $0x4000, s6;
	s5 =	simm.s32 @!p0 $0x1B8D  }
0xb1: {  	s4 =	sshll.u32 @!p0 s4, $0x11;
	s6 =	sadd.s32 @!p0 $0x11B8D, s6;
	_ =	swait.eq @!p0 [sflag:s5], $0x1  }
0xb2: {  	s4 =	sor.u32 @!p0 s4, s6;
	[sflag:s5] =	ssyncadd.s32 @!p0 $0xFFFFFFFF  }
0xb3: {  	s25 =	simm.s32 $0x1B8E;
	s24 =	sld [smem:$0x3FFE];
	[sflag:s4] =	ssyncadd.remote.s32 @!p0 $0x1  }
0xb4: {  	s26 =	simm.s32 $execute0_lowered;
	[smem:$0x3FD2] =	sst s25  }
0xb5: {  	s5 =	sshll.u32 s26, $0x1;
	_ =	strace $0x8000004C;
	[dreg:$0x1] =	wrdreg $0xFFFFFFFF  }
0xb6: {  	s28 =	simm.s32 $_size_execute0_lowered;
	s3 =	sadd.s32 s3, s5;
	[dreg:$0x0] =	wrdreg $0x0  }
0xb7: {  	s5 =	sshll.u32 s28, $0x1;
	[dreg:$0x2] =	wrdreg s3  }
0xb8: {  	[dreg:$0x3] =	wrdreg s5  }
0xb9: {  	[dreg:$0x4] =	wrdreg $0xC0  }
0xba: {  	_ =	task [dreg:s22], $0x5FFFF  }
0xbb: {  	[dreg:$0x1] =	wrdreg $0xFFFFFFFF  }
0xbc: {  	[dreg:$0x0] =	wrdreg $0x60  }
0xbd: {  	[dreg:$0x2] =	wrdreg s24  }
0xbe: {  	[dreg:$0x3] =	wrdreg $0xA  }
0xbf: {  	_ =	task.clear_ibuf [dreg:s22], $0x4FFFF;
	_ =	strace $0x9000004C  }
0xc0: {  	s29 =	simm.s32 $0xA;
	_ =	strace $0x8000004E  }
0xc1: {  	_ =	swait.ge [sflag:s29], $0x1  }
0xc2: {  	[sflag:s29] =	ssyncadd.s32 $0xFFFFFFFF  }
0xc3: {  	_ =	strace $0x9000004E  }
0xc4: {  	_ =	sfence  }
0xc5: {  	s30 =	sld [smem:$0x0];
	_ =	sdelay $0x2  }
0xc6: {  	s31 =	sshll.u32 s1, $0xD;
	s1 =	sshrl.u32 s1, $0x2  }
0xc7: {  	s4 =	sand.u32 $0x4000, s31;
	s1 =	sadd.s32 s1, s30  }
0xc8: {  	s0 =	sor.u32 s4, s0;
	s1 =	sshll.u32 s1, $0x11  }
0xc9: {  	s0 =	sor.u32 s1, s0  }
0xca: {  	s0 =	sadd.s32 $0x8F2B, s0  }
0xcb: {  	[sflag:s0] =	ssyncadd.remote.s32 $0x1  }
0xcc: {  	_ =	sfence.sel $0xFFFF  }
0xcd: {  	[dreg:$0x0] =	wrdreg $0xFFFFFFFF;
	(pc) =	sbr.abs _section_cstart, $3  }
0xce: {  	[dreg:$0x1] =	wrdreg $0xFFFFFFFF  }
0xcf: {  	_ =	task.clear_ibuf [dreg:s22], $0x2FFFF;
	_ =	strace $0x9FFFFFFF  }
0xd0: {  	(tm) =	ssettm $0x7FFFFFFF  }
0xd1: {  	_ =	shalt  }
tec
execute0_lowered:
.L_overlay_start_1:
0x0: {  	(tag) =	ssettag $0x1  }
0x1: {  	s7 =	rddreg [dreg:$0x0]  }
0x2: {  	s0 =	rddreg [dreg:$0x1];
	s2 =	simm.s32 $0x0;
	s3 =	srdreg.scid  }
0x3: {  	s1 =	stileid.u32;
	s13 =	simm.s32 $0xA580;
	s14 =	simm.s32 $0xA600  }
0x4: {  	s15 =	simm.s32 $0xA680;
	s16 =	simm.s32 $0x80;
	s17 =	simm.s32 $0x400  }
0x5: {  	s18 =	simm.s32 $0x0;
	[smem:$0x7FF] =	sst s2;
	s9 =	sand.u32 $0x1, s3  }
0x6: {  	s8 =	sshrl.u32 s1, $0x3;
	s3 =	sadd.s32 $0x8D600, s7;
	s4 =	sadd.s32 $0x98600, s7  }
0x7: {  	s5 =	sadd.s32 $0x48200, s7;
	s6 =	sadd.s32 $0x14A600, s7;
	s10 =	smul.u32 $0xED000, s9  }
0x8: {  	s12 =	sshll.u32 s1, $0x7;
	_ =	strace $0x8000004D;
	s11 =	smul.u32 $0x76800, s8  }
0x9: {  	s12 =	sand.u32 $0x380, s12;
	s8 =	sshll.u32 s8, $0xA;
	s30 =	ssub.s32 $0x2, s9  }
0xa: {  	s9 =	smul.u32 $0x28000, s9;
	s8 =	sor.u32 s12, s8;
	s10 =	sadd.s32 s10, s11  }
0xb: {  	s31 =	sshrl.u32 s30, $0x1;
	s8 =	sshrl.u32 s8, $0x3;
	s10 =	sor.u32 s12, s10  }
0xc: {  	s11 =	ssub.s32 s30, s31;
	s8 =	sadd.s32 s8, s7;
	s10 =	sshrl.u32 s10, $0x3  }
0xd: {  	s11 =	smax.u32 s11, $0x1;
	s12 =	simm.s32 $0x1;
	s10 =	sadd.s32 s10, s7  }
0xe: {  	v0 =	vimm.f32 $0.0e+00;
	s7 =	sadd.s32 $0x33E00, s8;
	s8 =	sadd.s32 $0x34000, s8;
	s10 =	sadd.s32 $0x154600, s10  }
.LBB2_1:
0xf: {  	[tilespmem:s2], [sflag:$0x1] =	stream.linear.gather [hbm4b:s3+s2], $0x7580, $0x38;
	[tilespmem:$0x19380] =	vst v63  }
0x10: {  	_ =	swait.ge [sflag:s12], $0x7580  }
0x11: {  	[sflag:s12] =	ssyncset.done $0x0  }
0x12: {  	[sflag:s12] =	ssyncadd.s32 $0xFFFF8A80  }
0x13: {  	[tilespmem:s13], [sflag:$0x1] =	stream.linear.gather [hbm4b:s7+s2], $0x80, $0x38;
	[tilespmem:$0x19380] =	vst v63  }
0x14: {  	_ =	swait.ge [sflag:s12], $0x80  }
0x15: {  	[sflag:s12] =	ssyncset.done $0x0  }
0x16: {  	[sflag:s12] =	ssyncadd.s32 $0xFFFFFF80  }
0x17: {  	[tilespmem:s14], [sflag:$0x1] =	stream.linear.gather [hbm4b:s8+s2], $0x80, $0x38;
	[tilespmem:$0x19380] =	vst v63  }
0x18: {  	_ =	swait.ge [sflag:s12], $0x80  }
0x19: {  	[sflag:s12] =	ssyncset.done $0x0  }
0x1a: {  	s19 =	simm.s32 $0x40;
	s20 =	simm.s32 $0x0;
	[sflag:s12] =	ssyncadd.s32 $0xFFFFFF80  }
.LBB2_2:
0x1b: {  	p0 =	sne.s32 s19, $0x3B3C0;
	[tilespmem:s20+$0xA680] =	vst v0;
	s20 =	smov.u32 s19;
	s19 =	sadd.s32 $0x40, s19  }
.Ltmp0:
0x1c: {  	(pc) =	sbr.rel @p0 .LBB2_2-.Ltmp0, $2  }
0x1d: {  	_ =	sdelay $0x2  }
0x1e: {  	s20 =	sshra.s32 s20, $0x2  }
0x1f: {  	[tilespmem:s20+$0xA680] =	vst v0  }
0x20: {  	v3 =	vld [tilespmem:$0xA580]  }
0x21: {  	v4 =	vld [tilespmem:$0xA600];
	_ =	sdelay $0x4  }
0x22: {  	v1 =	vbroadcast v3, $0x0;
	v2 =	vbroadcast v4, $0x0  }
0x23: {  	s19 =	simm.s32 $0x0;
	s20 =	simm.s32 $0x0;
	v3 =	vbroadcast v3, $0x1;
	v4 =	vbroadcast v4, $0x1  }
.LBB2_4:
0x24: {  	s21 =	sshll.u32 s20, $0xC  }
0x25: {  	s21 =	sadd.s32 s9, s21  }
0x26: {  	s23 =	sshrl.u32 s21, $0x3  }
0x27: {  	s21 =	simm.s32 $0x7580;
	s22 =	sadd.s32 s4, s23  }
0x28: {  	[tilespmem:s21], [sflag:$0x1] =	stream.linear.gather [hbm4b:s22+s19], $0x1000, $0x38;
	[tilespmem:$0x19380] =	vst v63  }
0x29: {  	_ =	swait.ge [sflag:s12], $0x1000  }
0x2a: {  	[sflag:s12] =	ssyncset.done $0x0  }
0x2b: {  	s24 =	sadd.s32 s5, s23;
	s22 =	simm.s32 $0x8580;
	[sflag:s12] =	ssyncadd.s32 $0xFFFFF000  }
0x2c: {  	[tilespmem:s22], [sflag:$0x1] =	stream.linear.gather [hbm4b:s24+s19], $0x1000, $0x38;
	[tilespmem:$0x19380] =	vst v63  }
0x2d: {  	_ =	swait.ge [sflag:s12], $0x1000  }
0x2e: {  	[sflag:s12] =	ssyncset.done $0x0  }
0x2f: {  	s31 =	sadd.s32 s6, s23;
	s23 =	simm.s32 $0x9580;
	[sflag:s12] =	ssyncadd.s32 $0xFFFFF000  }
0x30: {  	[tilespmem:s23], [sflag:$0x1] =	stream.linear.gather [hbm4b:s31+s19], $0x1000, $0x38;
	[tilespmem:$0x19380] =	vst v63  }
0x31: {  	_ =	swait.ge [sflag:s12], $0x1000  }
0x32: {  	[sflag:s12] =	ssyncset.done $0x0  }
0x33: {  	s24 =	simm.s32 $0x0;
	[sflag:s12] =	ssyncadd.s32 $0xFFFFF000  }
.LBB2_5:
0x34: {  	v5 =	vmov s21;
	_ =	sdelay $0x3  }
0x35: {  	s25 =	simm.s32 $0x0  }
0x36: {  	v8 =	vld.idx.msk [tilespmem:v5+s25+$0x0 ss:$0x1], $0xffff  }
0x37: {  	v6 =	vmov s23  }
0x38: {  	v7 =	vmov s22;
	_ =	sdelay $0x2  }
0x39: {  	v8 =	vmul.u32 $0x3, v8  }
0x3a: {  	v9 =	vld.idx.msk [tilespmem:v6+s25+$0x0 ss:$0x1], $0xffff  }
0x3b: {  	v10 =	vld.idx.msk [tilespmem:v7+s25+$0x0 ss:$0x1], $0xffff;
	v11 =	vadd.s32 $0x1, v8  }
0x3c: {  	v12 =	vadd.s32 $0x2, v8;
	_ =	sdelay $0x2  }
0x3d: {  	v13 =	vmul.f32 v9, v1;
	v8 =	vld.idx.msk [tilespmem:v8+s2+$0x0], $0xffff  }
0x3e: {  	v10 =	vmul.u32 $0x6, v10;
	v11 =	vld.idx.msk [tilespmem:v11+s2+$0x0], $0xffff  }
0x3f: {  	v13 =	vadd.f32 v13, v2;
	v12 =	vld.idx.msk [tilespmem:v12+s2+$0x0], $0xffff  }
0x40: {  	v9 =	vmul.f32 v9, v3;
	v14 =	vor.u32 $0x1, v10  }
0x41: {  	v15 =	vadd.s32 $0x2, v10;
	v13 =	vmax.f32 v13, $0.0e+00  }
0x42: {  	v9 =	vadd.f32 v9, v4;
	v17 =	vadd.s32 $0x3, v10;
	v16 =	vmul.f32 v13, v8  }
0x43: {  	v18 =	vmul.f32 v13, v11  }
0x44: {  	v9 =	vmax.f32 v9, $0.0e+00;
	v13 =	vmul.f32 v12, v13;
	[tilespmem:v10+s15+$0x0] =	vst.idx.add.f32.msk $0xffff, v16  }
0x45: {  	v19 =	vadd.s32 $0x4, v10;
	v8 =	vmul.f32 v9, v8;
	[tilespmem:v14+s15+$0x0] =	vst.idx.add.f32.msk $0xffff, v18  }
0x46: {  	[tilespmem:v15+s15+$0x0] =	vst.idx.add.f32.msk $0xffff, v13  }
0x47: {  	[tilespmem:v17+s15+$0x0] =	vst.idx.add.f32.msk $0xffff, v8;
	v8 =	vadd.s32 $0x5, v10  }
0x48: {  	v11 =	vmul.f32 v9, v11;
	_ =	sdelay $0x1  }
0x49: {  	s26 =	simm.s32 $0x80;
	s25 =	simm.s32 $0x40;
	v9 =	vmul.f32 v12, v9;
	[tilespmem:v19+s15+$0x0] =	vst.idx.add.f32.msk $0xffff, v11  }
.LBB2_6:
0x4a: {  	p0 =	sne.s32 s26, $0x1C0  }
0x4b: {  	s28 =	sshra.s32 s25, $0x2;
	[tilespmem:v8+s15+$0x0] =	vst.idx.add.f32.msk $0xffff, v9;
	s25 =	smov.u32 s26;
	s26 =	sadd.s32 $0x40, s26  }
0x4c: {  	v8 =	vld.idx.msk [tilespmem:v5+s28+$0x0 ss:$0x1], $0xffff;
	_ =	sdelay $0x5  }
0x4d: {  	v8 =	vmul.u32 $0x3, v8  }
0x4e: {  	v9 =	vld.idx.msk [tilespmem:v6+s28+$0x0 ss:$0x1], $0xffff  }
0x4f: {  	v11 =	vadd.s32 $0x1, v8;
	v12 =	vadd.s32 $0x2, v8;
	v10 =	vld.idx.msk [tilespmem:v7+s28+$0x0 ss:$0x1], $0xffff;
	_ =	sdelay $0x3  }
0x50: {  	v13 =	vld.idx.msk [tilespmem:v8+s2+$0x0], $0xffff  }
0x51: {  	v8 =	vmul.f32 v9, v1;
	v9 =	vmul.f32 v9, v3;
	v11 =	vld.idx.msk [tilespmem:v11+s2+$0x0], $0xffff  }
0x52: {  	v10 =	vmul.u32 $0x6, v10;
	v12 =	vld.idx.msk [tilespmem:v12+s2+$0x0], $0xffff  }
0x53: {  	v8 =	vadd.f32 v8, v2;
	v9 =	vadd.f32 v9, v4  }
0x54: {  	v14 =	vor.u32 $0x1, v10  }
0x55: {  	v15 =	vadd.s32 $0x2, v10;
	v8 =	vmax.f32 v8, $0.0e+00  }
0x56: {  	v17 =	vadd.s32 $0x3, v10;
	v16 =	vmul.f32 v8, v13  }
0x57: {  	v19 =	vadd.s32 $0x4, v10;
	v18 =	vmul.f32 v8, v11  }
.Ltmp1:
0x58: {  	v9 =	vmax.f32 v9, $0.0e+00;
	[tilespmem:v10+s15+$0x0] =	vst.idx.add.f32.msk $0xffff, v16;
	v16 =	vmul.f32 v12, v8;
	v8 =	vadd.s32 $0x5, v10;
	(pc) =	sbr.rel @p0 .LBB2_6-.Ltmp1, $4  }
0x59: {  	v10 =	vmul.f32 v9, v13;
	[tilespmem:v14+s15+$0x0] =	vst.idx.add.f32.msk $0xffff, v18  }
0x5a: {  	v11 =	vmul.f32 v9, v11;
	[tilespmem:v15+s15+$0x0] =	vst.idx.add.f32.msk $0xffff, v16  }
0x5b: {  	v9 =	vmul.f32 v12, v9;
	[tilespmem:v17+s15+$0x0] =	vst.idx.add.f32.msk $0xffff, v10  }
0x5c: {  	[tilespmem:v19+s15+$0x0] =	vst.idx.add.f32.msk $0xffff, v11  }
0x5d: {  	_ =	sdelay $0x3  }
0x5e: {  	s25 =	sshra.s32 s25, $0x2;
	[tilespmem:v8+s15+$0x0] =	vst.idx.add.f32.msk $0xffff, v9  }
0x5f: {  	v5 =	vld.idx.msk [tilespmem:v5+s25+$0x0 ss:$0x1], $0xffff;
	_ =	sdelay $0x4  }
0x60: {  	v5 =	vmul.u32 $0x3, v5  }
0x61: {  	v6 =	vld.idx.msk [tilespmem:v6+s25+$0x0 ss:$0x1], $0xffff  }
0x62: {  	v7 =	vld.idx.msk [tilespmem:v7+s25+$0x0 ss:$0x1], $0xffff;
	v62 =	vadd.s32 $0x1, v5  }
0x63: {  	v63 =	vadd.s32 $0x2, v5;
	_ =	sdelay $0x2  }
0x64: {  	v10 =	vmul.f32 v6, v1;
	v5 =	vld.idx.msk [tilespmem:v5+s2+$0x0], $0xffff  }
0x65: {  	v7 =	vmul.u32 $0x6, v7;
	v8 =	vld.idx.msk [tilespmem:v62+s2+$0x0], $0xffff  }
0x66: {  	v10 =	vadd.f32 v10, v2;
	v9 =	vld.idx.msk [tilespmem:v63+s2+$0x0], $0xffff  }
0x67: {  	v6 =	vmul.f32 v6, v3;
	v11 =	vor.u32 $0x1, v7  }
0x68: {  	v12 =	vadd.s32 $0x2, v7;
	v10 =	vmax.f32 v10, $0.0e+00  }
0x69: {  	v6 =	vadd.f32 v6, v4;
	v14 =	vadd.s32 $0x3, v7;
	v13 =	vmul.f32 v10, v5  }
0x6a: {  	s24 =	sadd.s32 $0x1, s24;
	v16 =	vadd.s32 $0x4, v7;
	v15 =	vmul.f32 v10, v8  }
0x6b: {  	p0 =	sne.s32 s24, $0x20;
	v6 =	vmax.f32 v6, $0.0e+00;
	v10 =	vmul.f32 v9, v10;
	[tilespmem:v7+s15+$0x0] =	vst.idx.add.f32.msk $0xffff, v13;
	v7 =	vadd.s32 $0x5, v7  }
.Ltmp2:
0x6c: {  	v5 =	vmul.f32 v6, v5;
	[tilespmem:v11+s15+$0x0] =	vst.idx.add.f32.msk $0xffff, v15;
	(pc) =	sbr.rel @p0 .LBB2_5-.Ltmp2, $4  }
0x6d: {  	v8 =	vmul.f32 v6, v8;
	[tilespmem:v12+s15+$0x0] =	vst.idx.add.f32.msk $0xffff, v10  }
0x6e: {  	[tilespmem:v14+s15+$0x0] =	vst.idx.add.f32.msk $0xffff, v5;
	v5 =	vmul.f32 v9, v6  }
0x6f: {  	[tilespmem:v16+s15+$0x0] =	vst.idx.add.f32.msk $0xffff, v8  }
0x70: {  	s22 =	sadd.s32 $0x80, s22;
	s23 =	sadd.s32 $0x80, s23;
	s21 =	sadd.s32 $0x80, s21;
	[tilespmem:v7+s15+$0x0] =	vst.idx.add.f32.msk $0xffff, v5  }
0x71: {  	s20 =	sadd.s32 $0x1, s20  }
0x72: {  	p0 =	sne.s32 s20, $0x28  }
.Ltmp3:
0x73: {  	_ = 	snop;
	(pc) =	sbr.rel @p0 .LBB2_4-.Ltmp3, $1  }
0x74: {  	_ =	sdelay $0x3  }
0x75: {  	s18 =	sadd.s32 $0x1, s18  }
0x76: {  	p0 =	sne.s32 s18, s11  }
.Ltmp4:
0x77: {  	_ = 	snop;
	(pc) =	sbr.rel @p0 .LBB2_1-.Ltmp4, $4  }
0x78: {  	[hbm4b:s10+s16] =	stream.strided.scatter [tilespmem:s15], [sflag:$0x1], $0xED00, s17, s16, $0x38;
	[tilespmem:$0x19380] =	vst v63  }
0x79: {  	_ =	swait.ge [sflag:s12], $0xED00  }
0x7a: {  	[sflag:s12] =	ssyncset.done $0x0  }
0x7b: {  	[sflag:s12] =	ssyncadd.s32 $0xFFFF1300  }
0x7c: {  	_ =	sfence.sel $0x180000  }
0x7d: {  	[bflag:$0x0] =	sbarrier.arrive $0xFFFF  }
0x7e: {  	p0 =	sne.s32 s1, $0x0;
	_ =	strace $0x9000004D  }
0x7f: {  	s0 =	sadd.s32 @!p0 $0x100000, s0;
	[bflag:$0x2] =	sbarrier.arrive $0xFFFF  }
0x80: {  	[sflag:s0] =	ssyncadd.tile.s32 @!p0 $0x1;
	_ =	shalt  }
.Lfunc_end2:
_tile_overlayer_lowered:
.L_overlay_start_2:
0x81: {  	(tag) =	ssettag $0x2  }
0x82: {  	s0 =	rddreg [dreg:$0x0];
	s2 =	stileid.u32  }
0x83: {  	s1 =	rddreg [dreg:$0x1];
	p0 =	sne.s32 s2, $0x0  }
0x84: {  	s3 =	rddreg [dreg:$0x2];
	[bflag:$0x3] =	sbarrier.arrive $0xFFFF;
	s2 =	simm.s32 @!p0 $0x1C01  }
0x85: {  	[timem:s3], [sflag:s2] =	dma.local @!p0 [hbm:s0], s1  }
0x86: {  	s0 =	simm.s32 @!p0 $0x1  }
0x87: {  	_ =	swait.ge @!p0 [sflag:s0], s1  }
0x88: {  	s1 =	ssub.s32 @!p0 $0x0, s1;
	[sflag:s0] =	ssyncset.done @!p0 $0x0  }
0x89: {  	[sflag:s0] =	ssyncadd.s32 @!p0 s1  }
0x8a: {  	[bflag:$0x3] =	sbarrier.arrive $0xFFFF  }
0x8b: {  	_ =	shalt  }

</sc_bundles>
